<compile_context>
chip_gen: v7x
topology: tpu7x:2x2x1
jax: 0.10.2.dev20260603
libtpu: 0.0.44.dev20260713+nightly
codegen_flags: <defaults>
</compile_context>

<pallas_src>
import functools

import jax
import jax.numpy as jnp
from jax import lax
from jax.experimental import pallas as pl
from jax.experimental.pallas import tpu as pltpu
from jax.experimental.pallas import tpu_sc as plsc

N_NODES = 10000
N_EDGES = 160000
D = 256
NC, NS = 2, 16
EPT = N_EDGES // NS
QN = N_NODES // 4
TRASH = QN
SPR = QN + 8
CHUNK = 16
MAXC = EPT + 2 * CHUNK
STRIPE = 156
ZROWS = 26
DEGW = 8


def _sc_aggregate_body(x_hbm, e_ref, oz_hbm, agg_out, deg_out,
                       src_v, dst_v, csrc_v, cdst_v, cidx0_v, cidx1_v,
                       rows0_v, rows1_v, oz_v, zrow_v,
                       agg_sp, deg_sp, sem0, sem1, semd0, semd1):
    cid = lax.axis_index("c")
    tid = lax.axis_index("s")

    pltpu.sync_copy(e_ref.at[0, tid], src_v)
    pltpu.sync_copy(e_ref.at[1, tid], dst_v)
    pltpu.sync_copy(oz_hbm, oz_v)

    def zinit(i, _):
        for j in range(D // 16):
            zrow_v[i, pl.ds(j * 16, 16)] = jnp.zeros((16,), jnp.float32)
        return 0

    lax.fori_loop(0, ZROWS, zinit, 0)

    rows = (rows0_v, rows1_v)
    sems = (sem0, sem1)
    cidx = (cidx0_v, cidx1_v)
    semd = (semd0, semd1)

    for p in range(2):
        q = 2 * p + cid
        lo = q * QN

        def compact(g, cnt):
            s16 = src_v[pl.ds(g * 16, 16)]
            d16 = dst_v[pl.ds(g * 16, 16)]
            dloc = d16 - lo
            m = (dloc >= 0) & (dloc < QN)
            plsc.store_compressed(csrc_v.at[pl.ds(cnt, 16)], s16, mask=m)
            plsc.store_compressed(cdst_v.at[pl.ds(cnt, 16)], dloc, mask=m)
            return cnt + jnp.sum(jnp.where(m, 1, 0))

        cnt = lax.fori_loop(0, EPT // 16, compact, 0)

        zi = jnp.zeros((16,), jnp.int32)
        ti = jnp.full((16,), TRASH, jnp.int32)
        for k in range(2 * CHUNK // 16):
            csrc_v[pl.ds(cnt + k * 16, 16)] = zi
            cdst_v[pl.ds(cnt + k * 16, 16)] = ti
        npair = (cnt + 2 * CHUNK - 1) // (2 * CHUNK)

        for k in range(STRIPE // ZROWS):
            base = tid * STRIPE + k * ZROWS
            pltpu.sync_copy(zrow_v, agg_sp.at[pl.ds(base, ZROWS), :])
            pltpu.sync_copy(oz_v.at[pl.ds(CHUNK, ZROWS), :],
                            deg_sp.at[pl.ds(base, ZROWS), :])

        @pl.when(tid == NS - 1)
        def _():
            pltpu.sync_copy(zrow_v.at[pl.ds(0, 12), :],
                            agg_sp.at[pl.ds(QN - 4, 12), :])
            pltpu.sync_copy(oz_v.at[pl.ds(CHUNK, 12), :],
                            deg_sp.at[pl.ds(QN - 4, 12), :])

        plsc.subcore_barrier()

        def start(j, slot):
            pltpu.async_copy(x_hbm.at[csrc_v.at[pl.ds(j * CHUNK, CHUNK)]],
                             rows[slot], sems[slot])

        def finish(j, slot):
            pltpu.make_async_copy(
                x_hbm.at[pl.ds(0, CHUNK), :],
                rows[slot], sems[slot]).wait()

        def scatter(j, slot):
            for k in range(CHUNK // 16):
                cidx[slot][pl.ds(k * 16, 16)] = (
                    cdst_v[pl.ds(j * CHUNK + k * 16, 16)])
            pltpu.async_copy(oz_v.at[pl.ds(0, CHUNK), :],
                             deg_sp.at[cidx[slot]], semd[slot], add=True)
            pltpu.sync_copy(rows[slot], agg_sp.at[cidx[slot]], add=True)

        def wait_deg(slot):
            pltpu.make_async_copy(oz_v.at[pl.ds(0, CHUNK), :],
                                  deg_sp.at[cidx[slot]], semd[slot]).wait()

        @pl.when(npair > 0)
        def _():
            start(0, 0)

        def pair(i, _):
            j0 = 2 * i
            start(j0 + 1, 1)
            finish(j0, 0)

            @pl.when(i > 0)
            def _():
                wait_deg(0)

            scatter(j0, 0)

            @pl.when(i + 1 < npair)
            def _():
                start(j0 + 2, 0)

            finish(j0 + 1, 1)

            @pl.when(i > 0)
            def _():
                wait_deg(1)

            scatter(j0 + 1, 1)
            return 0

        lax.fori_loop(0, npair, pair, 0)

        @pl.when(npair > 0)
        def _():
            wait_deg(0)
            wait_deg(1)
        plsc.subcore_barrier()

        base = tid * STRIPE
        hbase = lo + base
        pltpu.sync_copy(agg_sp.at[pl.ds(base, STRIPE), :],
                        agg_out.at[pl.ds(hbase, STRIPE), :])
        pltpu.sync_copy(deg_sp.at[pl.ds(base, STRIPE), :],
                        deg_out.at[pl.ds(hbase, STRIPE), :])

        @pl.when(tid == NS - 1)
        def _():
            pltpu.sync_copy(agg_sp.at[pl.ds(QN - 4, 4), :],
                            agg_out.at[pl.ds(lo + QN - 4, 4), :])
            pltpu.sync_copy(deg_sp.at[pl.ds(QN - 4, 4), :],
                            deg_out.at[pl.ds(lo + QN - 4, 4), :])

        plsc.subcore_barrier()


@functools.cache
def _make_sc_aggregate():
    return pl.kernel(
        _sc_aggregate_body,
        out_type=(
            jax.ShapeDtypeStruct((N_NODES, D), jnp.float32),
            jax.ShapeDtypeStruct((N_NODES, DEGW), jnp.float32),
        ),
        mesh=plsc.VectorSubcoreMesh(
            core_axis_name="c", subcore_axis_name="s", num_cores=NC,
            num_subcores=NS),
        scratch_types=(
            pltpu.VMEM((EPT,), jnp.int32),
            pltpu.VMEM((EPT,), jnp.int32),
            pltpu.VMEM((MAXC,), jnp.int32),
            pltpu.VMEM((MAXC,), jnp.int32),
            pltpu.VMEM((CHUNK,), jnp.int32),
            pltpu.VMEM((CHUNK,), jnp.int32),
            pltpu.VMEM((CHUNK, D), jnp.float32),
            pltpu.VMEM((CHUNK, D), jnp.float32),
            pltpu.VMEM((CHUNK + ZROWS, DEGW), jnp.float32),
            pltpu.VMEM((ZROWS, D), jnp.float32),
            pltpu.VMEM_SHARED((SPR, D), jnp.float32),
            pltpu.VMEM_SHARED((SPR, DEGW), jnp.float32),
            pltpu.SemaphoreType.DMA,
            pltpu.SemaphoreType.DMA,
            pltpu.SemaphoreType.DMA,
            pltpu.SemaphoreType.DMA,
        ),
        compiler_params=pltpu.CompilerParams(use_tc_tiling_on_sc=False, needs_layout_passes=False),
    )


BR = 1000


def _tc_kernel(x_ref, agg_ref, deg_ref,
               w1_ref, b1_ref, w2_ref, b2_ref, w3_ref, b3_ref,
               w4_ref, b4_ref, out_ref):
    dn = (((1,), (1,)), ((), ()))
    f32 = jnp.float32
    x1 = lax.dot_general(x_ref[...], w1_ref[...], dn,
                         preferred_element_type=f32) + b1_ref[...]
    agg = agg_ref[...]
    x2 = lax.dot_general(agg, w2_ref[...], dn, preferred_element_type=f32)
    s = lax.dot_general(agg, w3_ref[...] + w4_ref[...], dn,
                        preferred_element_type=f32)
    deg2 = 2.0 * deg_ref[:, 0:1]
    x2 = 2.0 * x2 + deg2 * b2_ref[...]
    s = 2.0 * s + deg2 * (b3_ref[...] + b4_ref[...])
    out_ref[...] = x1 + jax.nn.sigmoid(s) * x2


def _tc_combine(x, agg, deg, W1, b1, W2, b2, W3, b3, W4, b4):
    grid = (N_NODES // BR,)
    row_spec = lambda w: pl.BlockSpec((BR, w), lambda i: (i, 0))
    full = lambda a, b: pl.BlockSpec((a, b), lambda i: (0, 0))
    return pl.pallas_call(
        _tc_kernel,
        grid=grid,
        in_specs=[
            row_spec(D), row_spec(D), row_spec(DEGW),
            full(D, D), full(1, D), full(D, D), full(1, D),
            full(D, D), full(1, D), full(D, D), full(1, D),
        ],
        out_specs=row_spec(D),
        out_shape=jax.ShapeDtypeStruct((N_NODES, D), jnp.float32),
    )(x, agg, deg, W1, b1, W2, b2, W3, b3, W4, b4)


def kernel(x, edge_idx, W1, b1, W2, b2, W3, b3, W4, b4):
    e_r = edge_idx.astype(jnp.int32).reshape(2, NS, EPT)
    oz = jnp.concatenate([jnp.ones((CHUNK, DEGW), jnp.float32),
                          jnp.zeros((ZROWS, DEGW), jnp.float32)])
    agg, deg = _make_sc_aggregate()(x, e_r, oz)
    return _tc_combine(x, agg, deg,
                       W1, b1.reshape(1, D), W2, b2.reshape(1, D),
                       W3, b3.reshape(1, D), W4, b4.reshape(1, D))

# --- scband reference (transcript-rebuilt; emitter-appended) ---
"""Pipeline reference for scband-res-gated-conv-46712064311850 (READ-ONLY COPY).

The authoritative reference and input builder live on the scoring server;
editing this copy changes nothing except your own understanding.
"""

import jax, jax.numpy as jnp
import numpy as np

N_NODES = 10000
N_EDGES = 160000
D = 256

def setup_inputs(seed: int = 0) -> dict:
    key = jax.random.key(seed)
    ks = jax.random.split(key, 12)
    x = jax.random.normal(ks[0], (N_NODES, D), dtype=jnp.float32)
    edge_idx = jax.random.randint(ks[1], (2, N_EDGES), 0, N_NODES)
    scale = 1.0 / np.sqrt(D)
    W1 = jax.random.uniform(ks[2], (D, D), dtype=jnp.float32, minval=-scale, maxval=scale)
    b1 = jax.random.uniform(ks[3], (D,), dtype=jnp.float32, minval=-scale, maxval=scale)
    W2 = jax.random.uniform(ks[4], (D, D), dtype=jnp.float32, minval=-scale, maxval=scale)
    b2 = jax.random.uniform(ks[5], (D,), dtype=jnp.float32, minval=-scale, maxval=scale)
    W3 = jax.random.uniform(ks[6], (D, D), dtype=jnp.float32, minval=-scale, maxval=scale)
    b3 = jax.random.uniform(ks[7], (D,), dtype=jnp.float32, minval=-scale, maxval=scale)
    W4 = jax.random.uniform(ks[8], (D, D), dtype=jnp.float32, minval=-scale, maxval=scale)
    b4 = jax.random.uniform(ks[9], (D,), dtype=jnp.float32, minval=-scale, maxval=scale)
    return {"x": x, "edge_idx": edge_idx, "W1": W1, "b1": b1, "W2": W2, "b2": b2, "W3": W3, "b3": b3, "W4": W4, "b4": b4}

def _linear(x, W, b):
    return x @ W.T + b

def _message_passing(h, edges, add_self=True):
    if add_self:
        h = h + h
    src = jnp.take(h, edges[0], axis=0)
    out = jax.ops.segment_sum(src, edges[1], num_segments=h.shape[0])
    return out

def reference(x, edge_idx, W1, b1, W2, b2, W3, b3, W4, b4):
    x1 = _linear(x, W1, b1)
    x2 = _message_passing(_linear(x, W2, b2), edge_idx, True)
    x3 = _message_passing(_linear(x, W3, b3), edge_idx, True)
    x4 = _message_passing(_linear(x, W4, b4), edge_idx, True)
    xN = jax.nn.sigmoid(x3 + x4) * x2
    out = xN + x1
    return out

if __name__ == "__main__":
    import jax
    _d = setup_inputs()
    print(jax.jit(kernel)(*tuple(_d.values())))

</pallas_src>

<mosaic_0001>
#map = affine_map<(d0, d1) -> (0, 0)>
#map1 = affine_map<(d0, d1) -> (0, 0, 0)>
module attributes {stable_mosaic.version = 14 : i64} {
  func.func @_sc_aggregate_body(%arg0: i32, %arg1: i32, %arg2: memref<10000x256xf32, #tpu.memory_space<hbm>>, %arg3: memref<2x16x10000xi32, #tpu.memory_space<hbm>>, %arg4: memref<42x8xf32, #tpu.memory_space<hbm>>, %arg5: memref<10000x256xf32, #tpu.memory_space<hbm>>, %arg6: memref<10000x8xf32, #tpu.memory_space<hbm>>, %arg7: memref<10000xi32, #tpu.memory_space<vmem>>, %arg8: memref<10000xi32, #tpu.memory_space<vmem>>, %arg9: memref<10032xi32, #tpu.memory_space<vmem>>, %arg10: memref<10032xi32, #tpu.memory_space<vmem>>, %arg11: memref<16xi32, #tpu.memory_space<vmem>>, %arg12: memref<16xi32, #tpu.memory_space<vmem>>, %arg13: memref<16x256xf32, #tpu.memory_space<vmem>>, %arg14: memref<16x256xf32, #tpu.memory_space<vmem>>, %arg15: memref<42x8xf32, #tpu.memory_space<vmem>>, %arg16: memref<26x256xf32, #tpu.memory_space<vmem>>, %arg17: memref<2508x256xf32, #tpu.memory_space<vmem_shared>>, %arg18: memref<2508x8xf32, #tpu.memory_space<vmem_shared>>, %arg19: memref<!tpu.dma_semaphore, #tpu.memory_space<semaphore_mem>>, %arg20: memref<!tpu.dma_semaphore, #tpu.memory_space<semaphore_mem>>, %arg21: memref<!tpu.dma_semaphore, #tpu.memory_space<semaphore_mem>>, %arg22: memref<!tpu.dma_semaphore, #tpu.memory_space<semaphore_mem>>) attributes {dimension_semantics = [#tpu.dimension_semantics<core_parallel>, #tpu.dimension_semantics<subcore_parallel>], iteration_bounds = array<i64: 2, 16>, scalar_prefetch = 0 : i64, scratch_operands = 16 : i64, tpu.core_type = #tpu.core_type<sc_vector_subcore>, window_params = [{transform_indices = #map}, {transform_indices = #map1}, {transform_indices = #map}, {transform_indices = #map}, {transform_indices = #map}]} {
    %run_scoped3A = arith.constant 0 : i32
    "tpu.region"() ({
      %run_scoped3A_231 = tpu.sem_alloc : memref<!tpu.dma_semaphore, #tpu.memory_space<semaphore_mem>>
      %dma_start3A = arith.constant 0 : i32
      %dma_start3A_232 = tpu.memref_slice %arg3[%run_scoped3A, %arg1, %dma_start3A] : memref<2x16x10000xi32, #tpu.memory_space<hbm>> -> memref<1x1x10000xi32, #tpu.memory_space<hbm>>
      %dma_start3A_233 = tpu.memref_squeeze %dma_start3A_232 : memref<1x1x10000xi32, #tpu.memory_space<hbm>> -> memref<10000xi32, #tpu.memory_space<hbm>>
      %dma_start3A_234 = arith.constant 0 : i32
      %dma_start3A_235 = tpu.memref_slice %arg3[%run_scoped3A, %arg1, %dma_start3A_234] : memref<2x16x10000xi32, #tpu.memory_space<hbm>> -> memref<1x1x10000xi32, #tpu.memory_space<hbm>>
      %dma_start3A_236 = tpu.memref_squeeze %dma_start3A_235 : memref<1x1x10000xi32, #tpu.memory_space<hbm>> -> memref<10000xi32, #tpu.memory_space<hbm>>
      tpu.enqueue_dma source(%dma_start3A_236 : memref<10000xi32, #tpu.memory_space<hbm>>) target(%arg7 : memref<10000xi32, #tpu.memory_space<vmem>>) target_semaphore(%run_scoped3A_231 : memref<!tpu.dma_semaphore, #tpu.memory_space<semaphore_mem>>)
      %dma_wait3A = arith.constant 0 : i32
      %dma_wait3A_237 = tpu.memref_slice %arg3[%run_scoped3A, %arg1, %dma_wait3A] : memref<2x16x10000xi32, #tpu.memory_space<hbm>> -> memref<1x1x10000xi32, #tpu.memory_space<hbm>>
      %dma_wait3A_238 = tpu.memref_squeeze %dma_wait3A_237 : memref<1x1x10000xi32, #tpu.memory_space<hbm>> -> memref<10000xi32, #tpu.memory_space<hbm>>
      %dma_wait3A_239 = arith.constant 0 : i32
      %dma_wait3A_240 = tpu.memref_slice %arg3[%run_scoped3A, %arg1, %dma_wait3A_239] : memref<2x16x10000xi32, #tpu.memory_space<hbm>> -> memref<1x1x10000xi32, #tpu.memory_space<hbm>>
      %dma_wait3A_241 = tpu.memref_squeeze %dma_wait3A_240 : memref<1x1x10000xi32, #tpu.memory_space<hbm>> -> memref<10000xi32, #tpu.memory_space<hbm>>
      tpu.wait_dma2 semaphore(%run_scoped3A_231 : memref<!tpu.dma_semaphore, #tpu.memory_space<semaphore_mem>>) src(%dma_wait3A_241 : memref<10000xi32, #tpu.memory_space<hbm>>) dst(%arg7 : memref<10000xi32, #tpu.memory_space<vmem>>)
      tpu.yield
    }) : () -> ()
    %run_scoped3A_0 = arith.constant 1 : i32
    "tpu.region"() ({
      %run_scoped3A_231 = tpu.sem_alloc : memref<!tpu.dma_semaphore, #tpu.memory_space<semaphore_mem>>
      %dma_start3A = arith.constant 0 : i32
      %dma_start3A_232 = tpu.memref_slice %arg3[%run_scoped3A_0, %arg1, %dma_start3A] : memref<2x16x10000xi32, #tpu.memory_space<hbm>> -> memref<1x1x10000xi32, #tpu.memory_space<hbm>>
      %dma_start3A_233 = tpu.memref_squeeze %dma_start3A_232 : memref<1x1x10000xi32, #tpu.memory_space<hbm>> -> memref<10000xi32, #tpu.memory_space<hbm>>
      %dma_start3A_234 = arith.constant 0 : i32
      %dma_start3A_235 = tpu.memref_slice %arg3[%run_scoped3A_0, %arg1, %dma_start3A_234] : memref<2x16x10000xi32, #tpu.memory_space<hbm>> -> memref<1x1x10000xi32, #tpu.memory_space<hbm>>
      %dma_start3A_236 = tpu.memref_squeeze %dma_start3A_235 : memref<1x1x10000xi32, #tpu.memory_space<hbm>> -> memref<10000xi32, #tpu.memory_space<hbm>>
      tpu.enqueue_dma source(%dma_start3A_236 : memref<10000xi32, #tpu.memory_space<hbm>>) target(%arg8 : memref<10000xi32, #tpu.memory_space<vmem>>) target_semaphore(%run_scoped3A_231 : memref<!tpu.dma_semaphore, #tpu.memory_space<semaphore_mem>>)
      %dma_wait3A = arith.constant 0 : i32
      %dma_wait3A_237 = tpu.memref_slice %arg3[%run_scoped3A_0, %arg1, %dma_wait3A] : memref<2x16x10000xi32, #tpu.memory_space<hbm>> -> memref<1x1x10000xi32, #tpu.memory_space<hbm>>
      %dma_wait3A_238 = tpu.memref_squeeze %dma_wait3A_237 : memref<1x1x10000xi32, #tpu.memory_space<hbm>> -> memref<10000xi32, #tpu.memory_space<hbm>>
      %dma_wait3A_239 = arith.constant 0 : i32
      %dma_wait3A_240 = tpu.memref_slice %arg3[%run_scoped3A_0, %arg1, %dma_wait3A_239] : memref<2x16x10000xi32, #tpu.memory_space<hbm>> -> memref<1x1x10000xi32, #tpu.memory_space<hbm>>
      %dma_wait3A_241 = tpu.memref_squeeze %dma_wait3A_240 : memref<1x1x10000xi32, #tpu.memory_space<hbm>> -> memref<10000xi32, #tpu.memory_space<hbm>>
      tpu.wait_dma2 semaphore(%run_scoped3A_231 : memref<!tpu.dma_semaphore, #tpu.memory_space<semaphore_mem>>) src(%dma_wait3A_241 : memref<10000xi32, #tpu.memory_space<hbm>>) dst(%arg8 : memref<10000xi32, #tpu.memory_space<vmem>>)
      tpu.yield
    }) : () -> ()
    "tpu.region"() ({
      %run_scoped3A_231 = tpu.sem_alloc : memref<!tpu.dma_semaphore, #tpu.memory_space<semaphore_mem>>
      tpu.enqueue_dma source(%arg4 : memref<42x8xf32, #tpu.memory_space<hbm>>) target(%arg15 : memref<42x8xf32, #tpu.memory_space<vmem>>) target_semaphore(%run_scoped3A_231 : memref<!tpu.dma_semaphore, #tpu.memory_space<semaphore_mem>>)
      tpu.wait_dma2 semaphore(%run_scoped3A_231 : memref<!tpu.dma_semaphore, #tpu.memory_space<semaphore_mem>>) src(%arg4 : memref<42x8xf32, #tpu.memory_space<hbm>>) dst(%arg15 : memref<42x8xf32, #tpu.memory_space<vmem>>)
      tpu.yield
    }) : () -> ()
    %scan3A = arith.constant 0 : i32
    %scan3A_1 = arith.constant 0 : i32
    %scan3A_2 = arith.constant 26 : i32
    %scan3A_3 = arith.addi %scan3A_1, %scan3A_2 : i32
    %scan3A_4 = arith.constant 1 : i32
    %scan3A_5 = scf.for %scan3A_231 = %scan3A_1 to %scan3A_3 step %scan3A_4 iter_args(%scan3A_232 = %scan3A) -> (i32)  : i32 {
      %broadcast_in_dim3A_233 = arith.constant 0.000000e+00 : f32
      %broadcast_in_dim3A_234 = vector.broadcast %broadcast_in_dim3A_233 : f32 to vector<16xf32>
      %swap3A_235 = arith.index_cast %scan3A_231 : i32 to index
      %swap3A_236 = arith.constant 0 : index
      %swap3A_237 = tpu.vector_load %arg16[%swap3A_235, %swap3A_236] {strides = array<i32>} : memref<26x256xf32, #tpu.memory_space<vmem>>, vector<16xf32>,
      tpu.vector_store %arg16[%swap3A_235, %swap3A_236], %broadcast_in_dim3A_234 {strides = array<i32>} : memref<26x256xf32, #tpu.memory_space<vmem>>, vector<16xf32>,
      %broadcast_in_dim3A_238 = arith.constant 0.000000e+00 : f32
      %broadcast_in_dim3A_239 = vector.broadcast %broadcast_in_dim3A_238 : f32 to vector<16xf32>
      %swap3A_240 = arith.index_cast %scan3A_231 : i32 to index
      %swap3A_241 = arith.constant 16 : index
      %swap3A_242 = tpu.vector_load %arg16[%swap3A_240, %swap3A_241] {strides = array<i32>} : memref<26x256xf32, #tpu.memory_space<vmem>>, vector<16xf32>,
      tpu.vector_store %arg16[%swap3A_240, %swap3A_241], %broadcast_in_dim3A_239 {strides = array<i32>} : memref<26x256xf32, #tpu.memory_space<vmem>>, vector<16xf32>,
      %broadcast_in_dim3A_243 = arith.constant 0.000000e+00 : f32
      %broadcast_in_dim3A_244 = vector.broadcast %broadcast_in_dim3A_243 : f32 to vector<16xf32>
      %swap3A_245 = arith.index_cast %scan3A_231 : i32 to index
      %swap3A_246 = arith.constant 32 : index
      %swap3A_247 = tpu.vector_load %arg16[%swap3A_245, %swap3A_246] {strides = array<i32>} : memref<26x256xf32, #tpu.memory_space<vmem>>, vector<16xf32>,
      tpu.vector_store %arg16[%swap3A_245, %swap3A_246], %broadcast_in_dim3A_244 {strides = array<i32>} : memref<26x256xf32, #tpu.memory_space<vmem>>, vector<16xf32>,
      %broadcast_in_dim3A_248 = arith.constant 0.000000e+00 : f32
      %broadcast_in_dim3A_249 = vector.broadcast %broadcast_in_dim3A_248 : f32 to vector<16xf32>
      %swap3A_250 = arith.index_cast %scan3A_231 : i32 to index
      %swap3A_251 = arith.constant 48 : index
      %swap3A_252 = tpu.vector_load %arg16[%swap3A_250, %swap3A_251] {strides = array<i32>} : memref<26x256xf32, #tpu.memory_space<vmem>>, vector<16xf32>,
      tpu.vector_store %arg16[%swap3A_250, %swap3A_251], %broadcast_in_dim3A_249 {strides = array<i32>} : memref<26x256xf32, #tpu.memory_space<vmem>>, vector<16xf32>,
      %broadcast_in_dim3A_253 = arith.constant 0.000000e+00 : f32
      %broadcast_in_dim3A_254 = vector.broadcast %broadcast_in_dim3A_253 : f32 to vector<16xf32>
      %swap3A_255 = arith.index_cast %scan3A_231 : i32 to index
      %swap3A_256 = arith.constant 64 : index
      %swap3A_257 = tpu.vector_load %arg16[%swap3A_255, %swap3A_256] {strides = array<i32>} : memref<26x256xf32, #tpu.memory_space<vmem>>, vector<16xf32>,
      tpu.vector_store %arg16[%swap3A_255, %swap3A_256], %broadcast_in_dim3A_254 {strides = array<i32>} : memref<26x256xf32, #tpu.memory_space<vmem>>, vector<16xf32>,
      %broadcast_in_dim3A_258 = arith.constant 0.000000e+00 : f32
      %broadcast_in_dim3A_259 = vector.broadcast %broadcast_in_dim3A_258 : f32 to vector<16xf32>
      %swap3A_260 = arith.index_cast %scan3A_231 : i32 to index
      %swap3A_261 = arith.constant 80 : index
      %swap3A_262 = tpu.vector_load %arg16[%swap3A_260, %swap3A_261] {strides = array<i32>} : memref<26x256xf32, #tpu.memory_space<vmem>>, vector<16xf32>,
      tpu.vector_store %arg16[%swap3A_260, %swap3A_261], %broadcast_in_dim3A_259 {strides = array<i32>} : memref<26x256xf32, #tpu.memory_space<vmem>>, vector<16xf32>,
      %broadcast_in_dim3A_263 = arith.constant 0.000000e+00 : f32
      %broadcast_in_dim3A_264 = vector.broadcast %broadcast_in_dim3A_263 : f32 to vector<16xf32>
      %swap3A_265 = arith.index_cast %scan3A_231 : i32 to index
      %swap3A_266 = arith.constant 96 : index
      %swap3A_267 = tpu.vector_load %arg16[%swap3A_265, %swap3A_266] {strides = array<i32>} : memref<26x256xf32, #tpu.memory_space<vmem>>, vector<16xf32>,
      tpu.vector_store %arg16[%swap3A_265, %swap3A_266], %broadcast_in_dim3A_264 {strides = array<i32>} : memref<26x256xf32, #tpu.memory_space<vmem>>, vector<16xf32>,
      %broadcast_in_dim3A_268 = arith.constant 0.000000e+00 : f32
      %broadcast_in_dim3A_269 = vector.broadcast %broadcast_in_dim3A_268 : f32 to vector<16xf32>
      %swap3A_270 = arith.index_cast %scan3A_231 : i32 to index
      %swap3A_271 = arith.constant 112 : index
      %swap3A_272 = tpu.vector_load %arg16[%swap3A_270, %swap3A_271] {strides = array<i32>} : memref<26x256xf32, #tpu.memory_space<vmem>>, vector<16xf32>,
      tpu.vector_store %arg16[%swap3A_270, %swap3A_271], %broadcast_in_dim3A_269 {strides = array<i32>} : memref<26x256xf32, #tpu.memory_space<vmem>>, vector<16xf32>,
      %broadcast_in_dim3A_273 = arith.constant 0.000000e+00 : f32
      %broadcast_in_dim3A_274 = vector.broadcast %broadcast_in_dim3A_273 : f32 to vector<16xf32>
      %swap3A_275 = arith.index_cast %scan3A_231 : i32 to index
      %swap3A_276 = arith.constant 128 : index
      %swap3A_277 = tpu.vector_load %arg16[%swap3A_275, %swap3A_276] {strides = array<i32>} : memref<26x256xf32, #tpu.memory_space<vmem>>, vector<16xf32>,
      tpu.vector_store %arg16[%swap3A_275, %swap3A_276], %broadcast_in_dim3A_274 {strides = array<i32>} : memref<26x256xf32, #tpu.memory_space<vmem>>, vector<16xf32>,
      %broadcast_in_dim3A_278 = arith.constant 0.000000e+00 : f32
      %broadcast_in_dim3A_279 = vector.broadcast %broadcast_in_dim3A_278 : f32 to vector<16xf32>
      %swap3A_280 = arith.index_cast %scan3A_231 : i32 to index
      %swap3A_281 = arith.constant 144 : index
      %swap3A_282 = tpu.vector_load %arg16[%swap3A_280, %swap3A_281] {strides = array<i32>} : memref<26x256xf32, #tpu.memory_space<vmem>>, vector<16xf32>,
      tpu.vector_store %arg16[%swap3A_280, %swap3A_281], %broadcast_in_dim3A_279 {strides = array<i32>} : memref<26x256xf32, #tpu.memory_space<vmem>>, vector<16xf32>,
      %broadcast_in_dim3A_283 = arith.constant 0.000000e+00 : f32
      %broadcast_in_dim3A_284 = vector.broadcast %broadcast_in_dim3A_283 : f32 to vector<16xf32>
      %swap3A_285 = arith.index_cast %scan3A_231 : i32 to index
      %swap3A_286 = arith.constant 160 : index
      %swap3A_287 = tpu.vector_load %arg16[%swap3A_285, %swap3A_286] {strides = array<i32>} : memref<26x256xf32, #tpu.memory_space<vmem>>, vector<16xf32>,
      tpu.vector_store %arg16[%swap3A_285, %swap3A_286], %broadcast_in_dim3A_284 {strides = array<i32>} : memref<26x256xf32, #tpu.memory_space<vmem>>, vector<16xf32>,
      %broadcast_in_dim3A_288 = arith.constant 0.000000e+00 : f32
      %broadcast_in_dim3A_289 = vector.broadcast %broadcast_in_dim3A_288 : f32 to vector<16xf32>
      %swap3A_290 = arith.index_cast %scan3A_231 : i32 to index
      %swap3A_291 = arith.constant 176 : index
      %swap3A_292 = tpu.vector_load %arg16[%swap3A_290, %swap3A_291] {strides = array<i32>} : memref<26x256xf32, #tpu.memory_space<vmem>>, vector<16xf32>,
      tpu.vector_store %arg16[%swap3A_290, %swap3A_291], %broadcast_in_dim3A_289 {strides = array<i32>} : memref<26x256xf32, #tpu.memory_space<vmem>>, vector<16xf32>,
      %broadcast_in_dim3A_293 = arith.constant 0.000000e+00 : f32
      %broadcast_in_dim3A_294 = vector.broadcast %broadcast_in_dim3A_293 : f32 to vector<16xf32>
      %swap3A_295 = arith.index_cast %scan3A_231 : i32 to index
      %swap3A_296 = arith.constant 192 : index
      %swap3A_297 = tpu.vector_load %arg16[%swap3A_295, %swap3A_296] {strides = array<i32>} : memref<26x256xf32, #tpu.memory_space<vmem>>, vector<16xf32>,
      tpu.vector_store %arg16[%swap3A_295, %swap3A_296], %broadcast_in_dim3A_294 {strides = array<i32>} : memref<26x256xf32, #tpu.memory_space<vmem>>, vector<16xf32>,
      %broadcast_in_dim3A_298 = arith.constant 0.000000e+00 : f32
      %broadcast_in_dim3A_299 = vector.broadcast %broadcast_in_dim3A_298 : f32 to vector<16xf32>
      %swap3A_300 = arith.index_cast %scan3A_231 : i32 to index
      %swap3A_301 = arith.constant 208 : index
      %swap3A_302 = tpu.vector_load %arg16[%swap3A_300, %swap3A_301] {strides = array<i32>} : memref<26x256xf32, #tpu.memory_space<vmem>>, vector<16xf32>,
      tpu.vector_store %arg16[%swap3A_300, %swap3A_301], %broadcast_in_dim3A_299 {strides = array<i32>} : memref<26x256xf32, #tpu.memory_space<vmem>>, vector<16xf32>,
      %broadcast_in_dim3A_303 = arith.constant 0.000000e+00 : f32
      %broadcast_in_dim3A_304 = vector.broadcast %broadcast_in_dim3A_303 : f32 to vector<16xf32>
      %swap3A_305 = arith.index_cast %scan3A_231 : i32 to index
      %swap3A_306 = arith.constant 224 : index
      %swap3A_307 = tpu.vector_load %arg16[%swap3A_305, %swap3A_306] {strides = array<i32>} : memref<26x256xf32, #tpu.memory_space<vmem>>, vector<16xf32>,
      tpu.vector_store %arg16[%swap3A_305, %swap3A_306], %broadcast_in_dim3A_304 {strides = array<i32>} : memref<26x256xf32, #tpu.memory_space<vmem>>, vector<16xf32>,
      %broadcast_in_dim3A_308 = arith.constant 0.000000e+00 : f32
      %broadcast_in_dim3A_309 = vector.broadcast %broadcast_in_dim3A_308 : f32 to vector<16xf32>
      %swap3A_310 = arith.index_cast %scan3A_231 : i32 to index
      %swap3A_311 = arith.constant 240 : index
      %swap3A_312 = tpu.vector_load %arg16[%swap3A_310, %swap3A_311] {strides = array<i32>} : memref<26x256xf32, #tpu.memory_space<vmem>>, vector<16xf32>,
      tpu.vector_store %arg16[%swap3A_310, %swap3A_311], %broadcast_in_dim3A_309 {strides = array<i32>} : memref<26x256xf32, #tpu.memory_space<vmem>>, vector<16xf32>,
      %scan3A_313 = arith.constant 0 : i32
      scf.yield %scan3A_313 : i32
    }
    %scan3A_6 = arith.constant 26 : i32
    %add3A = arith.constant 0 : i32
    %add3A_7 = arith.addi %add3A, %arg0 : i32
    %mul3A = arith.constant 2500 : i32
    %mul3A_8 = arith.muli %add3A_7, %mul3A : i32
    %scan3A_9 = arith.constant 0 : i32
    %scan3A_10 = arith.constant 0 : i32
    %scan3A_11 = arith.constant 625 : i32
    %scan3A_12 = arith.addi %scan3A_10, %scan3A_11 : i32
    %scan3A_13 = arith.constant 1 : i32
    %scan3A_14 = scf.for %scan3A_231 = %scan3A_10 to %scan3A_12 step %scan3A_13 iter_args(%scan3A_232 = %scan3A_9) -> (i32)  : i32 {
      %mul3A_233 = arith.constant 16 : i32
      %mul3A_234 = arith.muli %scan3A_231, %mul3A_233 : i32
      %get3A = arith.index_cast %mul3A_234 : i32 to index
      %get3A_235 = tpu.vector_load %arg7[%get3A] {strides = array<i32>} : memref<10000xi32, #tpu.memory_space<vmem>>, vector<16xi32>,
      %mul3A_236 = arith.constant 16 : i32
      %mul3A_237 = arith.muli %scan3A_231, %mul3A_236 : i32
      %get3A_238 = arith.index_cast %mul3A_237 : i32 to index
      %get3A_239 = tpu.vector_load %arg8[%get3A_238] {strides = array<i32>} : memref<10000xi32, #tpu.memory_space<vmem>>, vector<16xi32>,
      %sub3A_240 = vector.broadcast %mul3A_8 : i32 to vector<16xi32>
      %sub3A_241 = arith.subi %get3A_239, %sub3A_240 : vector<16xi32>
      %ge3A = arith.constant 0 : i32
      %ge3A_242 = vector.broadcast %ge3A : i32 to vector<16xi32>
      %ge3A_243 = arith.cmpi sge, %sub3A_241, %ge3A_242 : vector<16xi32>
      %lt3A = arith.constant 2500 : i32
      %lt3A_244 = vector.broadcast %lt3A : i32 to vector<16xi32>
      %lt3A_245 = arith.cmpi slt, %sub3A_241, %lt3A_244 : vector<16xi32>
      %and3A_246 = arith.andi %ge3A_243, %lt3A_245 : vector<16xi1>
      %swap3A_247 = arith.index_cast %scan3A_232 : i32 to index
      %swap3A_248 = tpu.vector_load %arg9[%swap3A_247] masked %and3A_246 {strides = array<i32>} : memref<10032xi32, #tpu.memory_space<vmem>>, vector<16xi32>, vector<16xi1>
      tpu.vector_store %arg9[%swap3A_247], %get3A_235 masked %and3A_246 {strides = array<i32>} : memref<10032xi32, #tpu.memory_space<vmem>>, vector<16xi32>, vector<16xi1>
      %swap3A_249 = arith.index_cast %scan3A_232 : i32 to index
      %swap3A_250 = tpu.vector_load %arg10[%swap3A_249] masked %and3A_246 {strides = array<i32>} : memref<10032xi32, #tpu.memory_space<vmem>>, vector<16xi32>, vector<16xi1>
      tpu.vector_store %arg10[%swap3A_249], %sub3A_241 masked %and3A_246 {strides = array<i32>} : memref<10032xi32, #tpu.memory_space<vmem>>, vector<16xi32>, vector<16xi1>
      %jit3A_251 = arith.constant 1 : i32
      %jit3A_252 = arith.constant 0 : i32
      %broadcast_in_dim3A_253 = vector.broadcast %jit3A_251 : i32 to vector<16xi32>
      %broadcast_in_dim3A_254 = vector.broadcast %jit3A_252 : i32 to vector<16xi32>
      %select_n3A_255 = arith.select %and3A_246, %broadcast_in_dim3A_253, %broadcast_in_dim3A_254 : vector<16xi1>, vector<16xi32>
      %reduce_sum3A = arith.constant true
      %reduce_sum3A_256 = vector.broadcast %reduce_sum3A : i1 to vector<16xi1>
      %reduce_sum3A_257 = tpu.scan <sum>, %select_n3A_255 masked %reduce_sum3A_256 : vector<16xi32>, vector<16xi1> -> vector<16xi32>
      %reduce_sum3A_258 = vector.extract %reduce_sum3A_257[15] : i32 from vector<16xi32>
      %add3A_259 = arith.addi %scan3A_232, %reduce_sum3A_258 : i32
      scf.yield %add3A_259 : i32
    }
    %scan3A_15 = arith.constant 625 : i32
    %broadcast_in_dim3A = arith.constant 0 : i32
    %broadcast_in_dim3A_16 = vector.broadcast %broadcast_in_dim3A : i32 to vector<16xi32>
    %broadcast_in_dim3A_17 = arith.constant 2500 : i32
    %broadcast_in_dim3A_18 = vector.broadcast %broadcast_in_dim3A_17 : i32 to vector<16xi32>
    %add3A_19 = arith.constant 0 : i32
    %add3A_20 = arith.addi %scan3A_14, %add3A_19 : i32
    %swap3A = arith.index_cast %add3A_20 : i32 to index
    %swap3A_21 = tpu.vector_load %arg9[%swap3A] {strides = array<i32>} : memref<10032xi32, #tpu.memory_space<vmem>>, vector<16xi32>,
    tpu.vector_store %arg9[%swap3A], %broadcast_in_dim3A_16 {strides = array<i32>} : memref<10032xi32, #tpu.memory_space<vmem>>, vector<16xi32>,
    %add3A_22 = arith.constant 0 : i32
    %add3A_23 = arith.addi %scan3A_14, %add3A_22 : i32
    %swap3A_24 = arith.index_cast %add3A_23 : i32 to index
    %swap3A_25 = tpu.vector_load %arg10[%swap3A_24] {strides = array<i32>} : memref<10032xi32, #tpu.memory_space<vmem>>, vector<16xi32>,
    tpu.vector_store %arg10[%swap3A_24], %broadcast_in_dim3A_18 {strides = array<i32>} : memref<10032xi32, #tpu.memory_space<vmem>>, vector<16xi32>,
    %add3A_26 = arith.constant 16 : i32
    %add3A_27 = arith.addi %scan3A_14, %add3A_26 : i32
    %swap3A_28 = arith.index_cast %add3A_27 : i32 to index
    %swap3A_29 = tpu.vector_load %arg9[%swap3A_28] {strides = array<i32>} : memref<10032xi32, #tpu.memory_space<vmem>>, vector<16xi32>,
    tpu.vector_store %arg9[%swap3A_28], %broadcast_in_dim3A_16 {strides = array<i32>} : memref<10032xi32, #tpu.memory_space<vmem>>, vector<16xi32>,
    %add3A_30 = arith.constant 16 : i32
    %add3A_31 = arith.addi %scan3A_14, %add3A_30 : i32
    %swap3A_32 = arith.index_cast %add3A_31 : i32 to index
    %swap3A_33 = tpu.vector_load %arg10[%swap3A_32] {strides = array<i32>} : memref<10032xi32, #tpu.memory_space<vmem>>, vector<16xi32>,
    tpu.vector_store %arg10[%swap3A_32], %broadcast_in_dim3A_18 {strides = array<i32>} : memref<10032xi32, #tpu.memory_space<vmem>>, vector<16xi32>,
    %add3A_34 = arith.constant 32 : i32
    %add3A_35 = arith.addi %scan3A_14, %add3A_34 : i32
    %sub3A = arith.constant 1 : i32
    %sub3A_36 = arith.subi %add3A_35, %sub3A : i32
    %jit3A = arith.constant 32 : i32
    %div3A = arith.divsi %sub3A_36, %jit3A : i32
    %sign3A = arith.constant 0 : i32
    %sign3A_37 = arith.cmpi sgt, %sub3A_36, %sign3A : i32
    %sign3A_38 = arith.extui %sign3A_37 : i1 to i32
    %sign3A_39 = arith.constant 0 : i32
    %sign3A_40 = arith.cmpi slt, %sub3A_36, %sign3A_39 : i32
    %sign3A_41 = arith.extui %sign3A_40 : i1 to i32
    %sign3A_42 = arith.subi %sign3A_38, %sign3A_41 : i32
    %sign3A_43 = arith.constant 0 : i32
    %sign3A_44 = arith.cmpi sgt, %jit3A, %sign3A_43 : i32
    %sign3A_45 = arith.extui %sign3A_44 : i1 to i32
    %sign3A_46 = arith.constant 0 : i32
    %sign3A_47 = arith.cmpi slt, %jit3A, %sign3A_46 : i32
    %sign3A_48 = arith.extui %sign3A_47 : i1 to i32
    %sign3A_49 = arith.subi %sign3A_45, %sign3A_48 : i32
    %ne3A = arith.cmpi ne, %sign3A_42, %sign3A_49 : i32
    %rem3A = arith.remsi %sub3A_36, %jit3A : i32
    %ne3A_50 = arith.constant 0 : i32
    %ne3A_51 = arith.cmpi ne, %rem3A, %ne3A_50 : i32
    %and3A = arith.andi %ne3A, %ne3A_51 : i1
    %sub3A_52 = arith.constant 1 : i32
    %sub3A_53 = arith.subi %div3A, %sub3A_52 : i32
    %select_n3A = arith.select %and3A, %sub3A_53, %div3A : i32
    %mul3A_54 = arith.constant 156 : i32
    %mul3A_55 = arith.muli %arg1, %mul3A_54 : i32
    %add3A_56 = arith.constant 0 : i32
    %add3A_57 = arith.addi %mul3A_55, %add3A_56 : i32
    "tpu.region"() ({
      %run_scoped3A_231 = tpu.sem_alloc : memref<!tpu.dma_semaphore, #tpu.memory_space<semaphore_mem>>
      %dma_start3A = arith.constant 0 : i32
      %dma_start3A_232 = tpu.memref_slice %arg17[%add3A_57, %dma_start3A] : memref<2508x256xf32, #tpu.memory_space<vmem_shared>> -> memref<26x256xf32, #tpu.memory_space<vmem_shared>>
      %dma_start3A_233 = arith.constant 0 : i32
      %dma_start3A_234 = tpu.memref_slice %arg17[%add3A_57, %dma_start3A_233] : memref<2508x256xf32, #tpu.memory_space<vmem_shared>> -> memref<26x256xf32, #tpu.memory_space<vmem_shared>>
      tpu.enqueue_dma source(%arg16 : memref<26x256xf32, #tpu.memory_space<vmem>>) target(%dma_start3A_234 : memref<26x256xf32, #tpu.memory_space<vmem_shared>>) target_semaphore(%run_scoped3A_231 : memref<!tpu.dma_semaphore, #tpu.memory_space<semaphore_mem>>)
      %dma_wait3A = arith.constant 0 : i32
      %dma_wait3A_235 = tpu.memref_slice %arg17[%add3A_57, %dma_wait3A] : memref<2508x256xf32, #tpu.memory_space<vmem_shared>> -> memref<26x256xf32, #tpu.memory_space<vmem_shared>>
      %dma_wait3A_236 = arith.constant 0 : i32
      %dma_wait3A_237 = tpu.memref_slice %arg17[%add3A_57, %dma_wait3A_236] : memref<2508x256xf32, #tpu.memory_space<vmem_shared>> -> memref<26x256xf32, #tpu.memory_space<vmem_shared>>
      tpu.wait_dma2 semaphore(%run_scoped3A_231 : memref<!tpu.dma_semaphore, #tpu.memory_space<semaphore_mem>>) src(%arg16 : memref<26x256xf32, #tpu.memory_space<vmem>>) dst(%dma_wait3A_237 : memref<26x256xf32, #tpu.memory_space<vmem_shared>>)
      tpu.yield
    }) : () -> ()
    "tpu.region"() ({
      %run_scoped3A_231 = tpu.sem_alloc : memref<!tpu.dma_semaphore, #tpu.memory_space<semaphore_mem>>
      %dma_start3A = arith.constant 16 : i32
      %dma_start3A_232 = arith.constant 0 : i32
      %dma_start3A_233 = tpu.memref_slice %arg15[%dma_start3A, %dma_start3A_232] : memref<42x8xf32, #tpu.memory_space<vmem>> -> memref<26x8xf32, #tpu.memory_space<vmem>>
      %dma_start3A_234 = arith.constant 0 : i32
      %dma_start3A_235 = tpu.memref_slice %arg18[%add3A_57, %dma_start3A_234] : memref<2508x8xf32, #tpu.memory_space<vmem_shared>> -> memref<26x8xf32, #tpu.memory_space<vmem_shared>>
      %dma_start3A_236 = arith.constant 0 : i32
      %dma_start3A_237 = tpu.memref_slice %arg18[%add3A_57, %dma_start3A_236] : memref<2508x8xf32, #tpu.memory_space<vmem_shared>> -> memref<26x8xf32, #tpu.memory_space<vmem_shared>>
      %dma_start3A_238 = arith.constant 16 : i32
      %dma_start3A_239 = arith.constant 0 : i32
      %dma_start3A_240 = tpu.memref_slice %arg15[%dma_start3A_238, %dma_start3A_239] : memref<42x8xf32, #tpu.memory_space<vmem>> -> memref<26x8xf32, #tpu.memory_space<vmem>>
      tpu.enqueue_dma source(%dma_start3A_240 : memref<26x8xf32, #tpu.memory_space<vmem>>) target(%dma_start3A_237 : memref<26x8xf32, #tpu.memory_space<vmem_shared>>) target_semaphore(%run_scoped3A_231 : memref<!tpu.dma_semaphore, #tpu.memory_space<semaphore_mem>>)
      %dma_wait3A = arith.constant 16 : i32
      %dma_wait3A_241 = arith.constant 0 : i32
      %dma_wait3A_242 = tpu.memref_slice %arg15[%dma_wait3A, %dma_wait3A_241] : memref<42x8xf32, #tpu.memory_space<vmem>> -> memref<26x8xf32, #tpu.memory_space<vmem>>
      %dma_wait3A_243 = arith.constant 0 : i32
      %dma_wait3A_244 = tpu.memref_slice %arg18[%add3A_57, %dma_wait3A_243] : memref<2508x8xf32, #tpu.memory_space<vmem_shared>> -> memref<26x8xf32, #tpu.memory_space<vmem_shared>>
      %dma_wait3A_245 = arith.constant 0 : i32
      %dma_wait3A_246 = tpu.memref_slice %arg18[%add3A_57, %dma_wait3A_245] : memref<2508x8xf32, #tpu.memory_space<vmem_shared>> -> memref<26x8xf32, #tpu.memory_space<vmem_shared>>
      %dma_wait3A_247 = arith.constant 16 : i32
      %dma_wait3A_248 = arith.constant 0 : i32
      %dma_wait3A_249 = tpu.memref_slice %arg15[%dma_wait3A_247, %dma_wait3A_248] : memref<42x8xf32, #tpu.memory_space<vmem>> -> memref<26x8xf32, #tpu.memory_space<vmem>>
      tpu.wait_dma2 semaphore(%run_scoped3A_231 : memref<!tpu.dma_semaphore, #tpu.memory_space<semaphore_mem>>) src(%dma_wait3A_249 : memref<26x8xf32, #tpu.memory_space<vmem>>) dst(%dma_wait3A_246 : memref<26x8xf32, #tpu.memory_space<vmem_shared>>)
      tpu.yield
    }) : () -> ()
    %mul3A_58 = arith.constant 156 : i32
    %mul3A_59 = arith.muli %arg1, %mul3A_58 : i32
    %add3A_60 = arith.constant 26 : i32
    %add3A_61 = arith.addi %mul3A_59, %add3A_60 : i32
    "tpu.region"() ({
      %run_scoped3A_231 = tpu.sem_alloc : memref<!tpu.dma_semaphore, #tpu.memory_space<semaphore_mem>>
      %dma_start3A = arith.constant 0 : i32
      %dma_start3A_232 = tpu.memref_slice %arg17[%add3A_61, %dma_start3A] : memref<2508x256xf32, #tpu.memory_space<vmem_shared>> -> memref<26x256xf32, #tpu.memory_space<vmem_shared>>
      %dma_start3A_233 = arith.constant 0 : i32
      %dma_start3A_234 = tpu.memref_slice %arg17[%add3A_61, %dma_start3A_233] : memref<2508x256xf32, #tpu.memory_space<vmem_shared>> -> memref<26x256xf32, #tpu.memory_space<vmem_shared>>
      tpu.enqueue_dma source(%arg16 : memref<26x256xf32, #tpu.memory_space<vmem>>) target(%dma_start3A_234 : memref<26x256xf32, #tpu.memory_space<vmem_shared>>) target_semaphore(%run_scoped3A_231 : memref<!tpu.dma_semaphore, #tpu.memory_space<semaphore_mem>>)
      %dma_wait3A = arith.constant 0 : i32
      %dma_wait3A_235 = tpu.memref_slice %arg17[%add3A_61, %dma_wait3A] : memref<2508x256xf32, #tpu.memory_space<vmem_shared>> -> memref<26x256xf32, #tpu.memory_space<vmem_shared>>
      %dma_wait3A_236 = arith.constant 0 : i32
      %dma_wait3A_237 = tpu.memref_slice %arg17[%add3A_61, %dma_wait3A_236] : memref<2508x256xf32, #tpu.memory_space<vmem_shared>> -> memref<26x256xf32, #tpu.memory_space<vmem_shared>>
      tpu.wait_dma2 semaphore(%run_scoped3A_231 : memref<!tpu.dma_semaphore, #tpu.memory_space<semaphore_mem>>) src(%arg16 : memref<26x256xf32, #tpu.memory_space<vmem>>) dst(%dma_wait3A_237 : memref<26x256xf32, #tpu.memory_space<vmem_shared>>)
      tpu.yield
    }) : () -> ()
    "tpu.region"() ({
      %run_scoped3A_231 = tpu.sem_alloc : memref<!tpu.dma_semaphore, #tpu.memory_space<semaphore_mem>>
      %dma_start3A = arith.constant 16 : i32
      %dma_start3A_232 = arith.constant 0 : i32
      %dma_start3A_233 = tpu.memref_slice %arg15[%dma_start3A, %dma_start3A_232] : memref<42x8xf32, #tpu.memory_space<vmem>> -> memref<26x8xf32, #tpu.memory_space<vmem>>
      %dma_start3A_234 = arith.constant 0 : i32
      %dma_start3A_235 = tpu.memref_slice %arg18[%add3A_61, %dma_start3A_234] : memref<2508x8xf32, #tpu.memory_space<vmem_shared>> -> memref<26x8xf32, #tpu.memory_space<vmem_shared>>
      %dma_start3A_236 = arith.constant 0 : i32
      %dma_start3A_237 = tpu.memref_slice %arg18[%add3A_61, %dma_start3A_236] : memref<2508x8xf32, #tpu.memory_space<vmem_shared>> -> memref<26x8xf32, #tpu.memory_space<vmem_shared>>
      %dma_start3A_238 = arith.constant 16 : i32
      %dma_start3A_239 = arith.constant 0 : i32
      %dma_start3A_240 = tpu.memref_slice %arg15[%dma_start3A_238, %dma_start3A_239] : memref<42x8xf32, #tpu.memory_space<vmem>> -> memref<26x8xf32, #tpu.memory_space<vmem>>
      tpu.enqueue_dma source(%dma_start3A_240 : memref<26x8xf32, #tpu.memory_space<vmem>>) target(%dma_start3A_237 : memref<26x8xf32, #tpu.memory_space<vmem_shared>>) target_semaphore(%run_scoped3A_231 : memref<!tpu.dma_semaphore, #tpu.memory_space<semaphore_mem>>)
      %dma_wait3A = arith.constant 16 : i32
      %dma_wait3A_241 = arith.constant 0 : i32
      %dma_wait3A_242 = tpu.memref_slice %arg15[%dma_wait3A, %dma_wait3A_241] : memref<42x8xf32, #tpu.memory_space<vmem>> -> memref<26x8xf32, #tpu.memory_space<vmem>>
      %dma_wait3A_243 = arith.constant 0 : i32
      %dma_wait3A_244 = tpu.memref_slice %arg18[%add3A_61, %dma_wait3A_243] : memref<2508x8xf32, #tpu.memory_space<vmem_shared>> -> memref<26x8xf32, #tpu.memory_space<vmem_shared>>
      %dma_wait3A_245 = arith.constant 0 : i32
      %dma_wait3A_246 = tpu.memref_slice %arg18[%add3A_61, %dma_wait3A_245] : memref<2508x8xf32, #tpu.memory_space<vmem_shared>> -> memref<26x8xf32, #tpu.memory_space<vmem_shared>>
      %dma_wait3A_247 = arith.constant 16 : i32
      %dma_wait3A_248 = arith.constant 0 : i32
      %dma_wait3A_249 = tpu.memref_slice %arg15[%dma_wait3A_247, %dma_wait3A_248] : memref<42x8xf32, #tpu.memory_space<vmem>> -> memref<26x8xf32, #tpu.memory_space<vmem>>
      tpu.wait_dma2 semaphore(%run_scoped3A_231 : memref<!tpu.dma_semaphore, #tpu.memory_space<semaphore_mem>>) src(%dma_wait3A_249 : memref<26x8xf32, #tpu.memory_space<vmem>>) dst(%dma_wait3A_246 : memref<26x8xf32, #tpu.memory_space<vmem_shared>>)
      tpu.yield
    }) : () -> ()
    %mul3A_62 = arith.constant 156 : i32
    %mul3A_63 = arith.muli %arg1, %mul3A_62 : i32
    %add3A_64 = arith.constant 52 : i32
    %add3A_65 = arith.addi %mul3A_63, %add3A_64 : i32
    "tpu.region"() ({
      %run_scoped3A_231 = tpu.sem_alloc : memref<!tpu.dma_semaphore, #tpu.memory_space<semaphore_mem>>
      %dma_start3A = arith.constant 0 : i32
      %dma_start3A_232 = tpu.memref_slice %arg17[%add3A_65, %dma_start3A] : memref<2508x256xf32, #tpu.memory_space<vmem_shared>> -> memref<26x256xf32, #tpu.memory_space<vmem_shared>>
      %dma_start3A_233 = arith.constant 0 : i32
      %dma_start3A_234 = tpu.memref_slice %arg17[%add3A_65, %dma_start3A_233] : memref<2508x256xf32, #tpu.memory_space<vmem_shared>> -> memref<26x256xf32, #tpu.memory_space<vmem_shared>>
      tpu.enqueue_dma source(%arg16 : memref<26x256xf32, #tpu.memory_space<vmem>>) target(%dma_start3A_234 : memref<26x256xf32, #tpu.memory_space<vmem_shared>>) target_semaphore(%run_scoped3A_231 : memref<!tpu.dma_semaphore, #tpu.memory_space<semaphore_mem>>)
      %dma_wait3A = arith.constant 0 : i32
      %dma_wait3A_235 = tpu.memref_slice %arg17[%add3A_65, %dma_wait3A] : memref<2508x256xf32, #tpu.memory_space<vmem_shared>> -> memref<26x256xf32, #tpu.memory_space<vmem_shared>>
      %dma_wait3A_236 = arith.constant 0 : i32
      %dma_wait3A_237 = tpu.memref_slice %arg17[%add3A_65, %dma_wait3A_236] : memref<2508x256xf32, #tpu.memory_space<vmem_shared>> -> memref<26x256xf32, #tpu.memory_space<vmem_shared>>
      tpu.wait_dma2 semaphore(%run_scoped3A_231 : memref<!tpu.dma_semaphore, #tpu.memory_space<semaphore_mem>>) src(%arg16 : memref<26x256xf32, #tpu.memory_space<vmem>>) dst(%dma_wait3A_237 : memref<26x256xf32, #tpu.memory_space<vmem_shared>>)
      tpu.yield
    }) : () -> ()
    "tpu.region"() ({
      %run_scoped3A_231 = tpu.sem_alloc : memref<!tpu.dma_semaphore, #tpu.memory_space<semaphore_mem>>
      %dma_start3A = arith.constant 16 : i32
      %dma_start3A_232 = arith.constant 0 : i32
      %dma_start3A_233 = tpu.memref_slice %arg15[%dma_start3A, %dma_start3A_232] : memref<42x8xf32, #tpu.memory_space<vmem>> -> memref<26x8xf32, #tpu.memory_space<vmem>>
      %dma_start3A_234 = arith.constant 0 : i32
      %dma_start3A_235 = tpu.memref_slice %arg18[%add3A_65, %dma_start3A_234] : memref<2508x8xf32, #tpu.memory_space<vmem_shared>> -> memref<26x8xf32, #tpu.memory_space<vmem_shared>>
      %dma_start3A_236 = arith.constant 0 : i32
      %dma_start3A_237 = tpu.memref_slice %arg18[%add3A_65, %dma_start3A_236] : memref<2508x8xf32, #tpu.memory_space<vmem_shared>> -> memref<26x8xf32, #tpu.memory_space<vmem_shared>>
      %dma_start3A_238 = arith.constant 16 : i32
      %dma_start3A_239 = arith.constant 0 : i32
      %dma_start3A_240 = tpu.memref_slice %arg15[%dma_start3A_238, %dma_start3A_239] : memref<42x8xf32, #tpu.memory_space<vmem>> -> memref<26x8xf32, #tpu.memory_space<vmem>>
      tpu.enqueue_dma source(%dma_start3A_240 : memref<26x8xf32, #tpu.memory_space<vmem>>) target(%dma_start3A_237 : memref<26x8xf32, #tpu.memory_space<vmem_shared>>) target_semaphore(%run_scoped3A_231 : memref<!tpu.dma_semaphore, #tpu.memory_space<semaphore_mem>>)
      %dma_wait3A = arith.constant 16 : i32
      %dma_wait3A_241 = arith.constant 0 : i32
      %dma_wait3A_242 = tpu.memref_slice %arg15[%dma_wait3A, %dma_wait3A_241] : memref<42x8xf32, #tpu.memory_space<vmem>> -> memref<26x8xf32, #tpu.memory_space<vmem>>
      %dma_wait3A_243 = arith.constant 0 : i32
      %dma_wait3A_244 = tpu.memref_slice %arg18[%add3A_65, %dma_wait3A_243] : memref<2508x8xf32, #tpu.memory_space<vmem_shared>> -> memref<26x8xf32, #tpu.memory_space<vmem_shared>>
      %dma_wait3A_245 = arith.constant 0 : i32
      %dma_wait3A_246 = tpu.memref_slice %arg18[%add3A_65, %dma_wait3A_245] : memref<2508x8xf32, #tpu.memory_space<vmem_shared>> -> memref<26x8xf32, #tpu.memory_space<vmem_shared>>
      %dma_wait3A_247 = arith.constant 16 : i32
      %dma_wait3A_248 = arith.constant 0 : i32
      %dma_wait3A_249 = tpu.memref_slice %arg15[%dma_wait3A_247, %dma_wait3A_248] : memref<42x8xf32, #tpu.memory_space<vmem>> -> memref<26x8xf32, #tpu.memory_space<vmem>>
      tpu.wait_dma2 semaphore(%run_scoped3A_231 : memref<!tpu.dma_semaphore, #tpu.memory_space<semaphore_mem>>) src(%dma_wait3A_249 : memref<26x8xf32, #tpu.memory_space<vmem>>) dst(%dma_wait3A_246 : memref<26x8xf32, #tpu.memory_space<vmem_shared>>)
      tpu.yield
    }) : () -> ()
    %mul3A_66 = arith.constant 156 : i32
    %mul3A_67 = arith.muli %arg1, %mul3A_66 : i32
    %add3A_68 = arith.constant 78 : i32
    %add3A_69 = arith.addi %mul3A_67, %add3A_68 : i32
    "tpu.region"() ({
      %run_scoped3A_231 = tpu.sem_alloc : memref<!tpu.dma_semaphore, #tpu.memory_space<semaphore_mem>>
      %dma_start3A = arith.constant 0 : i32
      %dma_start3A_232 = tpu.memref_slice %arg17[%add3A_69, %dma_start3A] : memref<2508x256xf32, #tpu.memory_space<vmem_shared>> -> memref<26x256xf32, #tpu.memory_space<vmem_shared>>
      %dma_start3A_233 = arith.constant 0 : i32
      %dma_start3A_234 = tpu.memref_slice %arg17[%add3A_69, %dma_start3A_233] : memref<2508x256xf32, #tpu.memory_space<vmem_shared>> -> memref<26x256xf32, #tpu.memory_space<vmem_shared>>
      tpu.enqueue_dma source(%arg16 : memref<26x256xf32, #tpu.memory_space<vmem>>) target(%dma_start3A_234 : memref<26x256xf32, #tpu.memory_space<vmem_shared>>) target_semaphore(%run_scoped3A_231 : memref<!tpu.dma_semaphore, #tpu.memory_space<semaphore_mem>>)
      %dma_wait3A = arith.constant 0 : i32
      %dma_wait3A_235 = tpu.memref_slice %arg17[%add3A_69, %dma_wait3A] : memref<2508x256xf32, #tpu.memory_space<vmem_shared>> -> memref<26x256xf32, #tpu.memory_space<vmem_shared>>
      %dma_wait3A_236 = arith.constant 0 : i32
      %dma_wait3A_237 = tpu.memref_slice %arg17[%add3A_69, %dma_wait3A_236] : memref<2508x256xf32, #tpu.memory_space<vmem_shared>> -> memref<26x256xf32, #tpu.memory_space<vmem_shared>>
      tpu.wait_dma2 semaphore(%run_scoped3A_231 : memref<!tpu.dma_semaphore, #tpu.memory_space<semaphore_mem>>) src(%arg16 : memref<26x256xf32, #tpu.memory_space<vmem>>) dst(%dma_wait3A_237 : memref<26x256xf32, #tpu.memory_space<vmem_shared>>)
      tpu.yield
    }) : () -> ()
    "tpu.region"() ({
      %run_scoped3A_231 = tpu.sem_alloc : memref<!tpu.dma_semaphore, #tpu.memory_space<semaphore_mem>>
      %dma_start3A = arith.constant 16 : i32
      %dma_start3A_232 = arith.constant 0 : i32
      %dma_start3A_233 = tpu.memref_slice %arg15[%dma_start3A, %dma_start3A_232] : memref<42x8xf32, #tpu.memory_space<vmem>> -> memref<26x8xf32, #tpu.memory_space<vmem>>
      %dma_start3A_234 = arith.constant 0 : i32
      %dma_start3A_235 = tpu.memref_slice %arg18[%add3A_69, %dma_start3A_234] : memref<2508x8xf32, #tpu.memory_space<vmem_shared>> -> memref<26x8xf32, #tpu.memory_space<vmem_shared>>
      %dma_start3A_236 = arith.constant 0 : i32
      %dma_start3A_237 = tpu.memref_slice %arg18[%add3A_69, %dma_start3A_236] : memref<2508x8xf32, #tpu.memory_space<vmem_shared>> -> memref<26x8xf32, #tpu.memory_space<vmem_shared>>
      %dma_start3A_238 = arith.constant 16 : i32
      %dma_start3A_239 = arith.constant 0 : i32
      %dma_start3A_240 = tpu.memref_slice %arg15[%dma_start3A_238, %dma_start3A_239] : memref<42x8xf32, #tpu.memory_space<vmem>> -> memref<26x8xf32, #tpu.memory_space<vmem>>
      tpu.enqueue_dma source(%dma_start3A_240 : memref<26x8xf32, #tpu.memory_space<vmem>>) target(%dma_start3A_237 : memref<26x8xf32, #tpu.memory_space<vmem_shared>>) target_semaphore(%run_scoped3A_231 : memref<!tpu.dma_semaphore, #tpu.memory_space<semaphore_mem>>)
      %dma_wait3A = arith.constant 16 : i32
      %dma_wait3A_241 = arith.constant 0 : i32
      %dma_wait3A_242 = tpu.memref_slice %arg15[%dma_wait3A, %dma_wait3A_241] : memref<42x8xf32, #tpu.memory_space<vmem>> -> memref<26x8xf32, #tpu.memory_space<vmem>>
      %dma_wait3A_243 = arith.constant 0 : i32
      %dma_wait3A_244 = tpu.memref_slice %arg18[%add3A_69, %dma_wait3A_243] : memref<2508x8xf32, #tpu.memory_space<vmem_shared>> -> memref<26x8xf32, #tpu.memory_space<vmem_shared>>
      %dma_wait3A_245 = arith.constant 0 : i32
      %dma_wait3A_246 = tpu.memref_slice %arg18[%add3A_69, %dma_wait3A_245] : memref<2508x8xf32, #tpu.memory_space<vmem_shared>> -> memref<26x8xf32, #tpu.memory_space<vmem_shared>>
      %dma_wait3A_247 = arith.constant 16 : i32
      %dma_wait3A_248 = arith.constant 0 : i32
      %dma_wait3A_249 = tpu.memref_slice %arg15[%dma_wait3A_247, %dma_wait3A_248] : memref<42x8xf32, #tpu.memory_space<vmem>> -> memref<26x8xf32, #tpu.memory_space<vmem>>
      tpu.wait_dma2 semaphore(%run_scoped3A_231 : memref<!tpu.dma_semaphore, #tpu.memory_space<semaphore_mem>>) src(%dma_wait3A_249 : memref<26x8xf32, #tpu.memory_space<vmem>>) dst(%dma_wait3A_246 : memref<26x8xf32, #tpu.memory_space<vmem_shared>>)
      tpu.yield
    }) : () -> ()
    %mul3A_70 = arith.constant 156 : i32
    %mul3A_71 = arith.muli %arg1, %mul3A_70 : i32
    %add3A_72 = arith.constant 104 : i32
    %add3A_73 = arith.addi %mul3A_71, %add3A_72 : i32
    "tpu.region"() ({
      %run_scoped3A_231 = tpu.sem_alloc : memref<!tpu.dma_semaphore, #tpu.memory_space<semaphore_mem>>
      %dma_start3A = arith.constant 0 : i32
      %dma_start3A_232 = tpu.memref_slice %arg17[%add3A_73, %dma_start3A] : memref<2508x256xf32, #tpu.memory_space<vmem_shared>> -> memref<26x256xf32, #tpu.memory_space<vmem_shared>>
      %dma_start3A_233 = arith.constant 0 : i32
      %dma_start3A_234 = tpu.memref_slice %arg17[%add3A_73, %dma_start3A_233] : memref<2508x256xf32, #tpu.memory_space<vmem_shared>> -> memref<26x256xf32, #tpu.memory_space<vmem_shared>>
      tpu.enqueue_dma source(%arg16 : memref<26x256xf32, #tpu.memory_space<vmem>>) target(%dma_start3A_234 : memref<26x256xf32, #tpu.memory_space<vmem_shared>>) target_semaphore(%run_scoped3A_231 : memref<!tpu.dma_semaphore, #tpu.memory_space<semaphore_mem>>)
      %dma_wait3A = arith.constant 0 : i32
      %dma_wait3A_235 = tpu.memref_slice %arg17[%add3A_73, %dma_wait3A] : memref<2508x256xf32, #tpu.memory_space<vmem_shared>> -> memref<26x256xf32, #tpu.memory_space<vmem_shared>>
      %dma_wait3A_236 = arith.constant 0 : i32
      %dma_wait3A_237 = tpu.memref_slice %arg17[%add3A_73, %dma_wait3A_236] : memref<2508x256xf32, #tpu.memory_space<vmem_shared>> -> memref<26x256xf32, #tpu.memory_space<vmem_shared>>
      tpu.wait_dma2 semaphore(%run_scoped3A_231 : memref<!tpu.dma_semaphore, #tpu.memory_space<semaphore_mem>>) src(%arg16 : memref<26x256xf32, #tpu.memory_space<vmem>>) dst(%dma_wait3A_237 : memref<26x256xf32, #tpu.memory_space<vmem_shared>>)
      tpu.yield
    }) : () -> ()
    "tpu.region"() ({
      %run_scoped3A_231 = tpu.sem_alloc : memref<!tpu.dma_semaphore, #tpu.memory_space<semaphore_mem>>
      %dma_start3A = arith.constant 16 : i32
      %dma_start3A_232 = arith.constant 0 : i32
      %dma_start3A_233 = tpu.memref_slice %arg15[%dma_start3A, %dma_start3A_232] : memref<42x8xf32, #tpu.memory_space<vmem>> -> memref<26x8xf32, #tpu.memory_space<vmem>>
      %dma_start3A_234 = arith.constant 0 : i32
      %dma_start3A_235 = tpu.memref_slice %arg18[%add3A_73, %dma_start3A_234] : memref<2508x8xf32, #tpu.memory_space<vmem_shared>> -> memref<26x8xf32, #tpu.memory_space<vmem_shared>>
      %dma_start3A_236 = arith.constant 0 : i32
      %dma_start3A_237 = tpu.memref_slice %arg18[%add3A_73, %dma_start3A_236] : memref<2508x8xf32, #tpu.memory_space<vmem_shared>> -> memref<26x8xf32, #tpu.memory_space<vmem_shared>>
      %dma_start3A_238 = arith.constant 16 : i32
      %dma_start3A_239 = arith.constant 0 : i32
      %dma_start3A_240 = tpu.memref_slice %arg15[%dma_start3A_238, %dma_start3A_239] : memref<42x8xf32, #tpu.memory_space<vmem>> -> memref<26x8xf32, #tpu.memory_space<vmem>>
      tpu.enqueue_dma source(%dma_start3A_240 : memref<26x8xf32, #tpu.memory_space<vmem>>) target(%dma_start3A_237 : memref<26x8xf32, #tpu.memory_space<vmem_shared>>) target_semaphore(%run_scoped3A_231 : memref<!tpu.dma_semaphore, #tpu.memory_space<semaphore_mem>>)
      %dma_wait3A = arith.constant 16 : i32
      %dma_wait3A_241 = arith.constant 0 : i32
      %dma_wait3A_242 = tpu.memref_slice %arg15[%dma_wait3A, %dma_wait3A_241] : memref<42x8xf32, #tpu.memory_space<vmem>> -> memref<26x8xf32, #tpu.memory_space<vmem>>
      %dma_wait3A_243 = arith.constant 0 : i32
      %dma_wait3A_244 = tpu.memref_slice %arg18[%add3A_73, %dma_wait3A_243] : memref<2508x8xf32, #tpu.memory_space<vmem_shared>> -> memref<26x8xf32, #tpu.memory_space<vmem_shared>>
      %dma_wait3A_245 = arith.constant 0 : i32
      %dma_wait3A_246 = tpu.memref_slice %arg18[%add3A_73, %dma_wait3A_245] : memref<2508x8xf32, #tpu.memory_space<vmem_shared>> -> memref<26x8xf32, #tpu.memory_space<vmem_shared>>
      %dma_wait3A_247 = arith.constant 16 : i32
      %dma_wait3A_248 = arith.constant 0 : i32
      %dma_wait3A_249 = tpu.memref_slice %arg15[%dma_wait3A_247, %dma_wait3A_248] : memref<42x8xf32, #tpu.memory_space<vmem>> -> memref<26x8xf32, #tpu.memory_space<vmem>>
      tpu.wait_dma2 semaphore(%run_scoped3A_231 : memref<!tpu.dma_semaphore, #tpu.memory_space<semaphore_mem>>) src(%dma_wait3A_249 : memref<26x8xf32, #tpu.memory_space<vmem>>) dst(%dma_wait3A_246 : memref<26x8xf32, #tpu.memory_space<vmem_shared>>)
      tpu.yield
    }) : () -> ()
    %mul3A_74 = arith.constant 156 : i32
    %mul3A_75 = arith.muli %arg1, %mul3A_74 : i32
    %add3A_76 = arith.constant 130 : i32
    %add3A_77 = arith.addi %mul3A_75, %add3A_76 : i32
    "tpu.region"() ({
      %run_scoped3A_231 = tpu.sem_alloc : memref<!tpu.dma_semaphore, #tpu.memory_space<semaphore_mem>>
      %dma_start3A = arith.constant 0 : i32
      %dma_start3A_232 = tpu.memref_slice %arg17[%add3A_77, %dma_start3A] : memref<2508x256xf32, #tpu.memory_space<vmem_shared>> -> memref<26x256xf32, #tpu.memory_space<vmem_shared>>
      %dma_start3A_233 = arith.constant 0 : i32
      %dma_start3A_234 = tpu.memref_slice %arg17[%add3A_77, %dma_start3A_233] : memref<2508x256xf32, #tpu.memory_space<vmem_shared>> -> memref<26x256xf32, #tpu.memory_space<vmem_shared>>
      tpu.enqueue_dma source(%arg16 : memref<26x256xf32, #tpu.memory_space<vmem>>) target(%dma_start3A_234 : memref<26x256xf32, #tpu.memory_space<vmem_shared>>) target_semaphore(%run_scoped3A_231 : memref<!tpu.dma_semaphore, #tpu.memory_space<semaphore_mem>>)
      %dma_wait3A = arith.constant 0 : i32
      %dma_wait3A_235 = tpu.memref_slice %arg17[%add3A_77, %dma_wait3A] : memref<2508x256xf32, #tpu.memory_space<vmem_shared>> -> memref<26x256xf32, #tpu.memory_space<vmem_shared>>
      %dma_wait3A_236 = arith.constant 0 : i32
      %dma_wait3A_237 = tpu.memref_slice %arg17[%add3A_77, %dma_wait3A_236] : memref<2508x256xf32, #tpu.memory_space<vmem_shared>> -> memref<26x256xf32, #tpu.memory_space<vmem_shared>>
      tpu.wait_dma2 semaphore(%run_scoped3A_231 : memref<!tpu.dma_semaphore, #tpu.memory_space<semaphore_mem>>) src(%arg16 : memref<26x256xf32, #tpu.memory_space<vmem>>) dst(%dma_wait3A_237 : memref<26x256xf32, #tpu.memory_space<vmem_shared>>)
      tpu.yield
    }) : () -> ()
    "tpu.region"() ({
      %run_scoped3A_231 = tpu.sem_alloc : memref<!tpu.dma_semaphore, #tpu.memory_space<semaphore_mem>>
      %dma_start3A = arith.constant 16 : i32
      %dma_start3A_232 = arith.constant 0 : i32
      %dma_start3A_233 = tpu.memref_slice %arg15[%dma_start3A, %dma_start3A_232] : memref<42x8xf32, #tpu.memory_space<vmem>> -> memref<26x8xf32, #tpu.memory_space<vmem>>
      %dma_start3A_234 = arith.constant 0 : i32
      %dma_start3A_235 = tpu.memref_slice %arg18[%add3A_77, %dma_start3A_234] : memref<2508x8xf32, #tpu.memory_space<vmem_shared>> -> memref<26x8xf32, #tpu.memory_space<vmem_shared>>
      %dma_start3A_236 = arith.constant 0 : i32
      %dma_start3A_237 = tpu.memref_slice %arg18[%add3A_77, %dma_start3A_236] : memref<2508x8xf32, #tpu.memory_space<vmem_shared>> -> memref<26x8xf32, #tpu.memory_space<vmem_shared>>
      %dma_start3A_238 = arith.constant 16 : i32
      %dma_start3A_239 = arith.constant 0 : i32
      %dma_start3A_240 = tpu.memref_slice %arg15[%dma_start3A_238, %dma_start3A_239] : memref<42x8xf32, #tpu.memory_space<vmem>> -> memref<26x8xf32, #tpu.memory_space<vmem>>
      tpu.enqueue_dma source(%dma_start3A_240 : memref<26x8xf32, #tpu.memory_space<vmem>>) target(%dma_start3A_237 : memref<26x8xf32, #tpu.memory_space<vmem_shared>>) target_semaphore(%run_scoped3A_231 : memref<!tpu.dma_semaphore, #tpu.memory_space<semaphore_mem>>)
      %dma_wait3A = arith.constant 16 : i32
      %dma_wait3A_241 = arith.constant 0 : i32
      %dma_wait3A_242 = tpu.memref_slice %arg15[%dma_wait3A, %dma_wait3A_241] : memref<42x8xf32, #tpu.memory_space<vmem>> -> memref<26x8xf32, #tpu.memory_space<vmem>>
      %dma_wait3A_243 = arith.constant 0 : i32
      %dma_wait3A_244 = tpu.memref_slice %arg18[%add3A_77, %dma_wait3A_243] : memref<2508x8xf32, #tpu.memory_space<vmem_shared>> -> memref<26x8xf32, #tpu.memory_space<vmem_shared>>
      %dma_wait3A_245 = arith.constant 0 : i32
      %dma_wait3A_246 = tpu.memref_slice %arg18[%add3A_77, %dma_wait3A_245] : memref<2508x8xf32, #tpu.memory_space<vmem_shared>> -> memref<26x8xf32, #tpu.memory_space<vmem_shared>>
      %dma_wait3A_247 = arith.constant 16 : i32
      %dma_wait3A_248 = arith.constant 0 : i32
      %dma_wait3A_249 = tpu.memref_slice %arg15[%dma_wait3A_247, %dma_wait3A_248] : memref<42x8xf32, #tpu.memory_space<vmem>> -> memref<26x8xf32, #tpu.memory_space<vmem>>
      tpu.wait_dma2 semaphore(%run_scoped3A_231 : memref<!tpu.dma_semaphore, #tpu.memory_space<semaphore_mem>>) src(%dma_wait3A_249 : memref<26x8xf32, #tpu.memory_space<vmem>>) dst(%dma_wait3A_246 : memref<26x8xf32, #tpu.memory_space<vmem_shared>>)
      tpu.yield
    }) : () -> ()
    %eq3A = arith.constant 15 : i32
    %eq3A_78 = arith.cmpi eq, %arg1, %eq3A : i32
    %convert_element_type3A = arith.extui %eq3A_78 : i1 to i32
    %cond3A = arith.constant 0 : i32
    %cond3A_79 = arith.cmpi ne, %convert_element_type3A, %cond3A : i32
    scf.if %cond3A_79 {
      "tpu.region"() ({
        %run_scoped3A_231 = tpu.sem_alloc : memref<!tpu.dma_semaphore, #tpu.memory_space<semaphore_mem>>
        %dma_start3A = arith.constant 0 : i32
        %dma_start3A_232 = arith.constant 0 : i32
        %dma_start3A_233 = tpu.memref_slice %arg16[%dma_start3A, %dma_start3A_232] : memref<26x256xf32, #tpu.memory_space<vmem>> -> memref<12x256xf32, #tpu.memory_space<vmem>>
        %dma_start3A_234 = arith.constant 2496 : i32
        %dma_start3A_235 = arith.constant 0 : i32
        %dma_start3A_236 = tpu.memref_slice %arg17[%dma_start3A_234, %dma_start3A_235] : memref<2508x256xf32, #tpu.memory_space<vmem_shared>> -> memref<12x256xf32, #tpu.memory_space<vmem_shared>>
        %dma_start3A_237 = arith.constant 2496 : i32
        %dma_start3A_238 = arith.constant 0 : i32
        %dma_start3A_239 = tpu.memref_slice %arg17[%dma_start3A_237, %dma_start3A_238] : memref<2508x256xf32, #tpu.memory_space<vmem_shared>> -> memref<12x256xf32, #tpu.memory_space<vmem_shared>>
        %dma_start3A_240 = arith.constant 0 : i32
        %dma_start3A_241 = arith.constant 0 : i32
        %dma_start3A_242 = tpu.memref_slice %arg16[%dma_start3A_240, %dma_start3A_241] : memref<26x256xf32, #tpu.memory_space<vmem>> -> memref<12x256xf32, #tpu.memory_space<vmem>>
        tpu.enqueue_dma source(%dma_start3A_242 : memref<12x256xf32, #tpu.memory_space<vmem>>) target(%dma_start3A_239 : memref<12x256xf32, #tpu.memory_space<vmem_shared>>) target_semaphore(%run_scoped3A_231 : memref<!tpu.dma_semaphore, #tpu.memory_space<semaphore_mem>>)
        %dma_wait3A = arith.constant 0 : i32
        %dma_wait3A_243 = arith.constant 0 : i32
        %dma_wait3A_244 = tpu.memref_slice %arg16[%dma_wait3A, %dma_wait3A_243] : memref<26x256xf32, #tpu.memory_space<vmem>> -> memref<12x256xf32, #tpu.memory_space<vmem>>
        %dma_wait3A_245 = arith.constant 2496 : i32
        %dma_wait3A_246 = arith.constant 0 : i32
        %dma_wait3A_247 = tpu.memref_slice %arg17[%dma_wait3A_245, %dma_wait3A_246] : memref<2508x256xf32, #tpu.memory_space<vmem_shared>> -> memref<12x256xf32, #tpu.memory_space<vmem_shared>>
        %dma_wait3A_248 = arith.constant 2496 : i32
        %dma_wait3A_249 = arith.constant 0 : i32
        %dma_wait3A_250 = tpu.memref_slice %arg17[%dma_wait3A_248, %dma_wait3A_249] : memref<2508x256xf32, #tpu.memory_space<vmem_shared>> -> memref<12x256xf32, #tpu.memory_space<vmem_shared>>
        %dma_wait3A_251 = arith.constant 0 : i32
        %dma_wait3A_252 = arith.constant 0 : i32
        %dma_wait3A_253 = tpu.memref_slice %arg16[%dma_wait3A_251, %dma_wait3A_252] : memref<26x256xf32, #tpu.memory_space<vmem>> -> memref<12x256xf32, #tpu.memory_space<vmem>>
        tpu.wait_dma2 semaphore(%run_scoped3A_231 : memref<!tpu.dma_semaphore, #tpu.memory_space<semaphore_mem>>) src(%dma_wait3A_253 : memref<12x256xf32, #tpu.memory_space<vmem>>) dst(%dma_wait3A_250 : memref<12x256xf32, #tpu.memory_space<vmem_shared>>)
        tpu.yield
      }) : () -> ()
      "tpu.region"() ({
        %run_scoped3A_231 = tpu.sem_alloc : memref<!tpu.dma_semaphore, #tpu.memory_space<semaphore_mem>>
        %dma_start3A = arith.constant 16 : i32
        %dma_start3A_232 = arith.constant 0 : i32
        %dma_start3A_233 = tpu.memref_slice %arg15[%dma_start3A, %dma_start3A_232] : memref<42x8xf32, #tpu.memory_space<vmem>> -> memref<12x8xf32, #tpu.memory_space<vmem>>
        %dma_start3A_234 = arith.constant 2496 : i32
        %dma_start3A_235 = arith.constant 0 : i32
        %dma_start3A_236 = tpu.memref_slice %arg18[%dma_start3A_234, %dma_start3A_235] : memref<2508x8xf32, #tpu.memory_space<vmem_shared>> -> memref<12x8xf32, #tpu.memory_space<vmem_shared>>
        %dma_start3A_237 = arith.constant 2496 : i32
        %dma_start3A_238 = arith.constant 0 : i32
        %dma_start3A_239 = tpu.memref_slice %arg18[%dma_start3A_237, %dma_start3A_238] : memref<2508x8xf32, #tpu.memory_space<vmem_shared>> -> memref<12x8xf32, #tpu.memory_space<vmem_shared>>
        %dma_start3A_240 = arith.constant 16 : i32
        %dma_start3A_241 = arith.constant 0 : i32
        %dma_start3A_242 = tpu.memref_slice %arg15[%dma_start3A_240, %dma_start3A_241] : memref<42x8xf32, #tpu.memory_space<vmem>> -> memref<12x8xf32, #tpu.memory_space<vmem>>
        tpu.enqueue_dma source(%dma_start3A_242 : memref<12x8xf32, #tpu.memory_space<vmem>>) target(%dma_start3A_239 : memref<12x8xf32, #tpu.memory_space<vmem_shared>>) target_semaphore(%run_scoped3A_231 : memref<!tpu.dma_semaphore, #tpu.memory_space<semaphore_mem>>)
        %dma_wait3A = arith.constant 16 : i32
        %dma_wait3A_243 = arith.constant 0 : i32
        %dma_wait3A_244 = tpu.memref_slice %arg15[%dma_wait3A, %dma_wait3A_243] : memref<42x8xf32, #tpu.memory_space<vmem>> -> memref<12x8xf32, #tpu.memory_space<vmem>>
        %dma_wait3A_245 = arith.constant 2496 : i32
        %dma_wait3A_246 = arith.constant 0 : i32
        %dma_wait3A_247 = tpu.memref_slice %arg18[%dma_wait3A_245, %dma_wait3A_246] : memref<2508x8xf32, #tpu.memory_space<vmem_shared>> -> memref<12x8xf32, #tpu.memory_space<vmem_shared>>
        %dma_wait3A_248 = arith.constant 2496 : i32
        %dma_wait3A_249 = arith.constant 0 : i32
        %dma_wait3A_250 = tpu.memref_slice %arg18[%dma_wait3A_248, %dma_wait3A_249] : memref<2508x8xf32, #tpu.memory_space<vmem_shared>> -> memref<12x8xf32, #tpu.memory_space<vmem_shared>>
        %dma_wait3A_251 = arith.constant 16 : i32
        %dma_wait3A_252 = arith.constant 0 : i32
        %dma_wait3A_253 = tpu.memref_slice %arg15[%dma_wait3A_251, %dma_wait3A_252] : memref<42x8xf32, #tpu.memory_space<vmem>> -> memref<12x8xf32, #tpu.memory_space<vmem>>
        tpu.wait_dma2 semaphore(%run_scoped3A_231 : memref<!tpu.dma_semaphore, #tpu.memory_space<semaphore_mem>>) src(%dma_wait3A_253 : memref<12x8xf32, #tpu.memory_space<vmem>>) dst(%dma_wait3A_250 : memref<12x8xf32, #tpu.memory_space<vmem_shared>>)
        tpu.yield
      }) : () -> ()
    } else {
    }
    %barrier3A = arith.constant 0 : index
    tpu.barrier barrier_id(%barrier3A)
    %gt3A = arith.constant 0 : i32
    %gt3A_80 = arith.cmpi sgt, %select_n3A, %gt3A : i32
    %convert_element_type3A_81 = arith.extui %gt3A_80 : i1 to i32
    %cond3A_82 = arith.constant 0 : i32
    %cond3A_83 = arith.cmpi ne, %convert_element_type3A_81, %cond3A_82 : i32
    scf.if %cond3A_83 {
      %dma_start3A = arith.constant 0 : i32
      %dma_start3A_231 = tpu.memref_slice %arg9[%dma_start3A] : memref<10032xi32, #tpu.memory_space<vmem>> -> memref<16xi32, #tpu.memory_space<vmem>>
      %dma_start3A_232 = arith.constant 0 : i32
      %dma_start3A_233 = arith.constant 0 : i32
      %dma_start3A_234 = tpu.memref_slice %arg2[%dma_start3A_232, %dma_start3A_233] : memref<10000x256xf32, #tpu.memory_space<hbm>> -> memref<10000x256xf32, #tpu.memory_space<hbm>>
      tpu.enqueue_indirect_dma source(%dma_start3A_234 : memref<10000x256xf32, #tpu.memory_space<hbm>>) target(%arg13 : memref<16x256xf32, #tpu.memory_space<vmem>>) offsets(%dma_start3A_231 : memref<16xi32, #tpu.memory_space<vmem>>) semaphore(%arg19 : memref<!tpu.dma_semaphore, #tpu.memory_space<semaphore_mem>>)
    } else {
    }
    %while3A = arith.constant 0 : i32
    %while3A_84 = arith.constant 0 : i32
    %while3A_85 = arith.subi %select_n3A, %while3A : i32
    %while3A_86 = arith.addi %while3A, %while3A_85 : i32
    %while3A_87 = arith.constant 1 : i32
    %while3A_88 = arith.divsi %while3A_85, %while3A_87 : i32
    %while3A_89 = arith.muli %while3A_88, %while3A_87 : i32
    %while3A_90 = arith.addi %while3A, %while3A_89 : i32
    %while3A_91 = arith.constant 1 : i32
    %while3A_92 = scf.for %while3A_231 = %while3A to %while3A_90 step %while3A_91 iter_args(%while3A_232 = %while3A_84) -> (i32)  : i32 {
      %mul3A_233 = arith.constant 2 : i32
      %mul3A_234 = arith.muli %mul3A_233, %while3A_231 : i32
      %add3A_235 = arith.constant 1 : i32
      %add3A_236 = arith.addi %mul3A_234, %add3A_235 : i32
      %mul3A_237 = arith.constant 16 : i32
      %mul3A_238 = arith.muli %add3A_236, %mul3A_237 : i32
      %dma_start3A = tpu.memref_slice %arg9[%mul3A_238] : memref<10032xi32, #tpu.memory_space<vmem>> -> memref<16xi32, #tpu.memory_space<vmem>>
      %dma_start3A_239 = arith.constant 0 : i32
      %dma_start3A_240 = arith.constant 0 : i32
      %dma_start3A_241 = tpu.memref_slice %arg2[%dma_start3A_239, %dma_start3A_240] : memref<10000x256xf32, #tpu.memory_space<hbm>> -> memref<10000x256xf32, #tpu.memory_space<hbm>>
      tpu.enqueue_indirect_dma source(%dma_start3A_241 : memref<10000x256xf32, #tpu.memory_space<hbm>>) target(%arg14 : memref<16x256xf32, #tpu.memory_space<vmem>>) offsets(%dma_start3A : memref<16xi32, #tpu.memory_space<vmem>>) semaphore(%arg20 : memref<!tpu.dma_semaphore, #tpu.memory_space<semaphore_mem>>)
      %dma_wait3A = arith.constant 0 : i32
      %dma_wait3A_242 = arith.constant 0 : i32
      %dma_wait3A_243 = tpu.memref_slice %arg2[%dma_wait3A, %dma_wait3A_242] : memref<10000x256xf32, #tpu.memory_space<hbm>> -> memref<16x256xf32, #tpu.memory_space<hbm>>
      %dma_wait3A_244 = arith.constant 0 : i32
      %dma_wait3A_245 = arith.constant 0 : i32
      %dma_wait3A_246 = tpu.memref_slice %arg2[%dma_wait3A_244, %dma_wait3A_245] : memref<10000x256xf32, #tpu.memory_space<hbm>> -> memref<16x256xf32, #tpu.memory_space<hbm>>
      tpu.wait_dma2 semaphore(%arg19 : memref<!tpu.dma_semaphore, #tpu.memory_space<semaphore_mem>>) src(%dma_wait3A_246 : memref<16x256xf32, #tpu.memory_space<hbm>>) dst(%arg13 : memref<16x256xf32, #tpu.memory_space<vmem>>)
      %gt3A_247 = arith.constant 0 : i32
      %gt3A_248 = arith.cmpi sgt, %while3A_231, %gt3A_247 : i32
      %convert_element_type3A_249 = arith.extui %gt3A_248 : i1 to i32
      %cond3A_250 = arith.constant 0 : i32
      %cond3A_251 = arith.cmpi ne, %convert_element_type3A_249, %cond3A_250 : i32
      scf.if %cond3A_251 {
        %dma_wait3A_300 = arith.constant 0 : i32
        %dma_wait3A_301 = arith.constant 0 : i32
        %dma_wait3A_302 = tpu.memref_slice %arg15[%dma_wait3A_300, %dma_wait3A_301] : memref<42x8xf32, #tpu.memory_space<vmem>> -> memref<16x8xf32, #tpu.memory_space<vmem>>
        %dma_wait3A_303 = arith.constant 0 : i32
        %dma_wait3A_304 = arith.constant 0 : i32
        %dma_wait3A_305 = tpu.memref_slice %arg18[%dma_wait3A_303, %dma_wait3A_304] : memref<2508x8xf32, #tpu.memory_space<vmem_shared>> -> memref<2508x8xf32, #tpu.memory_space<vmem_shared>>
        tpu.wait_indirect_dma semaphore(%arg21 : memref<!tpu.dma_semaphore, #tpu.memory_space<semaphore_mem>>) src(%dma_wait3A_302 : memref<16x8xf32, #tpu.memory_space<vmem>>) dst(%dma_wait3A_305 : memref<2508x8xf32, #tpu.memory_space<vmem_shared>>)
      } else {
      }
      %mul3A_252 = arith.constant 16 : i32
      %mul3A_253 = arith.muli %mul3A_234, %mul3A_252 : i32
      %add3A_254 = arith.constant 0 : i32
      %add3A_255 = arith.addi %mul3A_253, %add3A_254 : i32
      %get3A = arith.index_cast %add3A_255 : i32 to index
      %get3A_256 = tpu.vector_load %arg10[%get3A] {strides = array<i32>} : memref<10032xi32, #tpu.memory_space<vmem>>, vector<16xi32>,
      %swap3A_257 = arith.constant 0 : index
      %swap3A_258 = tpu.vector_load %arg11[%swap3A_257] {strides = array<i32>} : memref<16xi32, #tpu.memory_space<vmem>>, vector<16xi32>,
      tpu.vector_store %arg11[%swap3A_257], %get3A_256 {strides = array<i32>} : memref<16xi32, #tpu.memory_space<vmem>>, vector<16xi32>,
      %dma_start3A_259 = arith.constant 0 : i32
      %dma_start3A_260 = arith.constant 0 : i32
      %dma_start3A_261 = tpu.memref_slice %arg15[%dma_start3A_259, %dma_start3A_260] : memref<42x8xf32, #tpu.memory_space<vmem>> -> memref<16x8xf32, #tpu.memory_space<vmem>>
      %dma_start3A_262 = arith.constant 0 : i32
      %dma_start3A_263 = arith.constant 0 : i32
      %dma_start3A_264 = tpu.memref_slice %arg18[%dma_start3A_262, %dma_start3A_263] : memref<2508x8xf32, #tpu.memory_space<vmem_shared>> -> memref<2508x8xf32, #tpu.memory_space<vmem_shared>>
      tpu.enqueue_indirect_dma source(%dma_start3A_261 : memref<16x8xf32, #tpu.memory_space<vmem>>) target(%dma_start3A_264 : memref<2508x8xf32, #tpu.memory_space<vmem_shared>>) offsets(%arg11 : memref<16xi32, #tpu.memory_space<vmem>>) semaphore(%arg21 : memref<!tpu.dma_semaphore, #tpu.memory_space<semaphore_mem>>) {add = true}
      "tpu.region"() ({
        %run_scoped3A_300 = tpu.sem_alloc : memref<!tpu.dma_semaphore, #tpu.memory_space<semaphore_mem>>
        %dma_start3A_301 = arith.constant 0 : i32
        %dma_start3A_302 = arith.constant 0 : i32
        %dma_start3A_303 = tpu.memref_slice %arg17[%dma_start3A_301, %dma_start3A_302] : memref<2508x256xf32, #tpu.memory_space<vmem_shared>> -> memref<2508x256xf32, #tpu.memory_space<vmem_shared>>
        tpu.enqueue_indirect_dma source(%arg13 : memref<16x256xf32, #tpu.memory_space<vmem>>) target(%dma_start3A_303 : memref<2508x256xf32, #tpu.memory_space<vmem_shared>>) offsets(%arg11 : memref<16xi32, #tpu.memory_space<vmem>>) semaphore(%run_scoped3A_300 : memref<!tpu.dma_semaphore, #tpu.memory_space<semaphore_mem>>) {add = true}
        %dma_wait3A_304 = arith.constant 0 : i32
        %dma_wait3A_305 = arith.constant 0 : i32
        %dma_wait3A_306 = tpu.memref_slice %arg17[%dma_wait3A_304, %dma_wait3A_305] : memref<2508x256xf32, #tpu.memory_space<vmem_shared>> -> memref<2508x256xf32, #tpu.memory_space<vmem_shared>>
        tpu.wait_indirect_dma semaphore(%run_scoped3A_300 : memref<!tpu.dma_semaphore, #tpu.memory_space<semaphore_mem>>) src(%arg13 : memref<16x256xf32, #tpu.memory_space<vmem>>) dst(%dma_wait3A_306 : memref<2508x256xf32, #tpu.memory_space<vmem_shared>>)
        tpu.yield
      }) : () -> ()
      %add3A_265 = arith.constant 1 : i32
      %add3A_266 = arith.addi %while3A_231, %add3A_265 : i32
      %lt3A = arith.cmpi slt, %add3A_266, %select_n3A : i32
      %convert_element_type3A_267 = arith.extui %lt3A : i1 to i32
      %cond3A_268 = arith.constant 0 : i32
      %cond3A_269 = arith.cmpi ne, %convert_element_type3A_267, %cond3A_268 : i32
      scf.if %cond3A_269 {
        %add3A_300 = arith.constant 2 : i32
        %add3A_301 = arith.addi %mul3A_234, %add3A_300 : i32
        %mul3A_302 = arith.constant 16 : i32
        %mul3A_303 = arith.muli %add3A_301, %mul3A_302 : i32
        %dma_start3A_304 = tpu.memref_slice %arg9[%mul3A_303] : memref<10032xi32, #tpu.memory_space<vmem>> -> memref<16xi32, #tpu.memory_space<vmem>>
        %dma_start3A_305 = arith.constant 0 : i32
        %dma_start3A_306 = arith.constant 0 : i32
        %dma_start3A_307 = tpu.memref_slice %arg2[%dma_start3A_305, %dma_start3A_306] : memref<10000x256xf32, #tpu.memory_space<hbm>> -> memref<10000x256xf32, #tpu.memory_space<hbm>>
        tpu.enqueue_indirect_dma source(%dma_start3A_307 : memref<10000x256xf32, #tpu.memory_space<hbm>>) target(%arg13 : memref<16x256xf32, #tpu.memory_space<vmem>>) offsets(%dma_start3A_304 : memref<16xi32, #tpu.memory_space<vmem>>) semaphore(%arg19 : memref<!tpu.dma_semaphore, #tpu.memory_space<semaphore_mem>>)
      } else {
      }
      %add3A_270 = arith.constant 1 : i32
      %add3A_271 = arith.addi %mul3A_234, %add3A_270 : i32
      %dma_wait3A_272 = arith.constant 0 : i32
      %dma_wait3A_273 = arith.constant 0 : i32
      %dma_wait3A_274 = tpu.memref_slice %arg2[%dma_wait3A_272, %dma_wait3A_273] : memref<10000x256xf32, #tpu.memory_space<hbm>> -> memref<16x256xf32, #tpu.memory_space<hbm>>
      %dma_wait3A_275 = arith.constant 0 : i32
      %dma_wait3A_276 = arith.constant 0 : i32
      %dma_wait3A_277 = tpu.memref_slice %arg2[%dma_wait3A_275, %dma_wait3A_276] : memref<10000x256xf32, #tpu.memory_space<hbm>> -> memref<16x256xf32, #tpu.memory_space<hbm>>
      tpu.wait_dma2 semaphore(%arg20 : memref<!tpu.dma_semaphore, #tpu.memory_space<semaphore_mem>>) src(%dma_wait3A_277 : memref<16x256xf32, #tpu.memory_space<hbm>>) dst(%arg14 : memref<16x256xf32, #tpu.memory_space<vmem>>)
      %gt3A_278 = arith.constant 0 : i32
      %gt3A_279 = arith.cmpi sgt, %while3A_231, %gt3A_278 : i32
      %convert_element_type3A_280 = arith.extui %gt3A_279 : i1 to i32
      %cond3A_281 = arith.constant 0 : i32
      %cond3A_282 = arith.cmpi ne, %convert_element_type3A_280, %cond3A_281 : i32
      scf.if %cond3A_282 {
        %dma_wait3A_300 = arith.constant 0 : i32
        %dma_wait3A_301 = arith.constant 0 : i32
        %dma_wait3A_302 = tpu.memref_slice %arg15[%dma_wait3A_300, %dma_wait3A_301] : memref<42x8xf32, #tpu.memory_space<vmem>> -> memref<16x8xf32, #tpu.memory_space<vmem>>
        %dma_wait3A_303 = arith.constant 0 : i32
        %dma_wait3A_304 = arith.constant 0 : i32
        %dma_wait3A_305 = tpu.memref_slice %arg18[%dma_wait3A_303, %dma_wait3A_304] : memref<2508x8xf32, #tpu.memory_space<vmem_shared>> -> memref<2508x8xf32, #tpu.memory_space<vmem_shared>>
        tpu.wait_indirect_dma semaphore(%arg22 : memref<!tpu.dma_semaphore, #tpu.memory_space<semaphore_mem>>) src(%dma_wait3A_302 : memref<16x8xf32, #tpu.memory_space<vmem>>) dst(%dma_wait3A_305 : memref<2508x8xf32, #tpu.memory_space<vmem_shared>>)
      } else {
      }
      %add3A_283 = arith.constant 1 : i32
      %add3A_284 = arith.addi %mul3A_234, %add3A_283 : i32
      %mul3A_285 = arith.constant 16 : i32
      %mul3A_286 = arith.muli %add3A_284, %mul3A_285 : i32
      %add3A_287 = arith.constant 0 : i32
      %add3A_288 = arith.addi %mul3A_286, %add3A_287 : i32
      %get3A_289 = arith.index_cast %add3A_288 : i32 to index
      %get3A_290 = tpu.vector_load %arg10[%get3A_289] {strides = array<i32>} : memref<10032xi32, #tpu.memory_space<vmem>>, vector<16xi32>,
      %swap3A_291 = arith.constant 0 : index
      %swap3A_292 = tpu.vector_load %arg12[%swap3A_291] {strides = array<i32>} : memref<16xi32, #tpu.memory_space<vmem>>, vector<16xi32>,
      tpu.vector_store %arg12[%swap3A_291], %get3A_290 {strides = array<i32>} : memref<16xi32, #tpu.memory_space<vmem>>, vector<16xi32>,
      %dma_start3A_293 = arith.constant 0 : i32
      %dma_start3A_294 = arith.constant 0 : i32
      %dma_start3A_295 = tpu.memref_slice %arg15[%dma_start3A_293, %dma_start3A_294] : memref<42x8xf32, #tpu.memory_space<vmem>> -> memref<16x8xf32, #tpu.memory_space<vmem>>
      %dma_start3A_296 = arith.constant 0 : i32
      %dma_start3A_297 = arith.constant 0 : i32
      %dma_start3A_298 = tpu.memref_slice %arg18[%dma_start3A_296, %dma_start3A_297] : memref<2508x8xf32, #tpu.memory_space<vmem_shared>> -> memref<2508x8xf32, #tpu.memory_space<vmem_shared>>
      tpu.enqueue_indirect_dma source(%dma_start3A_295 : memref<16x8xf32, #tpu.memory_space<vmem>>) target(%dma_start3A_298 : memref<2508x8xf32, #tpu.memory_space<vmem_shared>>) offsets(%arg12 : memref<16xi32, #tpu.memory_space<vmem>>) semaphore(%arg22 : memref<!tpu.dma_semaphore, #tpu.memory_space<semaphore_mem>>) {add = true}
      "tpu.region"() ({
        %run_scoped3A_300 = tpu.sem_alloc : memref<!tpu.dma_semaphore, #tpu.memory_space<semaphore_mem>>
        %dma_start3A_301 = arith.constant 0 : i32
        %dma_start3A_302 = arith.constant 0 : i32
        %dma_start3A_303 = tpu.memref_slice %arg17[%dma_start3A_301, %dma_start3A_302] : memref<2508x256xf32, #tpu.memory_space<vmem_shared>> -> memref<2508x256xf32, #tpu.memory_space<vmem_shared>>
        tpu.enqueue_indirect_dma source(%arg14 : memref<16x256xf32, #tpu.memory_space<vmem>>) target(%dma_start3A_303 : memref<2508x256xf32, #tpu.memory_space<vmem_shared>>) offsets(%arg12 : memref<16xi32, #tpu.memory_space<vmem>>) semaphore(%run_scoped3A_300 : memref<!tpu.dma_semaphore, #tpu.memory_space<semaphore_mem>>) {add = true}
        %dma_wait3A_304 = arith.constant 0 : i32
        %dma_wait3A_305 = arith.constant 0 : i32
        %dma_wait3A_306 = tpu.memref_slice %arg17[%dma_wait3A_304, %dma_wait3A_305] : memref<2508x256xf32, #tpu.memory_space<vmem_shared>> -> memref<2508x256xf32, #tpu.memory_space<vmem_shared>>
        tpu.wait_indirect_dma semaphore(%run_scoped3A_300 : memref<!tpu.dma_semaphore, #tpu.memory_space<semaphore_mem>>) src(%arg14 : memref<16x256xf32, #tpu.memory_space<vmem>>) dst(%dma_wait3A_306 : memref<2508x256xf32, #tpu.memory_space<vmem_shared>>)
        tpu.yield
      }) : () -> ()
      %while3A_299 = arith.constant 0 : i32
      scf.yield %while3A_299 : i32
    }
    %while3A_93 = arith.constant 1 : i32
    %while3A_94 = scf.for %while3A_231 = %while3A_90 to %while3A_86 step %while3A_93 iter_args(%while3A_232 = %while3A_92) -> (i32)  : i32 {
      %mul3A_233 = arith.constant 2 : i32
      %mul3A_234 = arith.muli %mul3A_233, %while3A_231 : i32
      %add3A_235 = arith.constant 1 : i32
      %add3A_236 = arith.addi %mul3A_234, %add3A_235 : i32
      %mul3A_237 = arith.constant 16 : i32
      %mul3A_238 = arith.muli %add3A_236, %mul3A_237 : i32
      %dma_start3A = tpu.memref_slice %arg9[%mul3A_238] : memref<10032xi32, #tpu.memory_space<vmem>> -> memref<16xi32, #tpu.memory_space<vmem>>
      %dma_start3A_239 = arith.constant 0 : i32
      %dma_start3A_240 = arith.constant 0 : i32
      %dma_start3A_241 = tpu.memref_slice %arg2[%dma_start3A_239, %dma_start3A_240] : memref<10000x256xf32, #tpu.memory_space<hbm>> -> memref<10000x256xf32, #tpu.memory_space<hbm>>
      tpu.enqueue_indirect_dma source(%dma_start3A_241 : memref<10000x256xf32, #tpu.memory_space<hbm>>) target(%arg14 : memref<16x256xf32, #tpu.memory_space<vmem>>) offsets(%dma_start3A : memref<16xi32, #tpu.memory_space<vmem>>) semaphore(%arg20 : memref<!tpu.dma_semaphore, #tpu.memory_space<semaphore_mem>>)
      %dma_wait3A = arith.constant 0 : i32
      %dma_wait3A_242 = arith.constant 0 : i32
      %dma_wait3A_243 = tpu.memref_slice %arg2[%dma_wait3A, %dma_wait3A_242] : memref<10000x256xf32, #tpu.memory_space<hbm>> -> memref<16x256xf32, #tpu.memory_space<hbm>>
      %dma_wait3A_244 = arith.constant 0 : i32
      %dma_wait3A_245 = arith.constant 0 : i32
      %dma_wait3A_246 = tpu.memref_slice %arg2[%dma_wait3A_244, %dma_wait3A_245] : memref<10000x256xf32, #tpu.memory_space<hbm>> -> memref<16x256xf32, #tpu.memory_space<hbm>>
      tpu.wait_dma2 semaphore(%arg19 : memref<!tpu.dma_semaphore, #tpu.memory_space<semaphore_mem>>) src(%dma_wait3A_246 : memref<16x256xf32, #tpu.memory_space<hbm>>) dst(%arg13 : memref<16x256xf32, #tpu.memory_space<vmem>>)
      %gt3A_247 = arith.constant 0 : i32
      %gt3A_248 = arith.cmpi sgt, %while3A_231, %gt3A_247 : i32
      %convert_element_type3A_249 = arith.extui %gt3A_248 : i1 to i32
      %cond3A_250 = arith.constant 0 : i32
      %cond3A_251 = arith.cmpi ne, %convert_element_type3A_249, %cond3A_250 : i32
      scf.if %cond3A_251 {
        %dma_wait3A_300 = arith.constant 0 : i32
        %dma_wait3A_301 = arith.constant 0 : i32
        %dma_wait3A_302 = tpu.memref_slice %arg15[%dma_wait3A_300, %dma_wait3A_301] : memref<42x8xf32, #tpu.memory_space<vmem>> -> memref<16x8xf32, #tpu.memory_space<vmem>>
        %dma_wait3A_303 = arith.constant 0 : i32
        %dma_wait3A_304 = arith.constant 0 : i32
        %dma_wait3A_305 = tpu.memref_slice %arg18[%dma_wait3A_303, %dma_wait3A_304] : memref<2508x8xf32, #tpu.memory_space<vmem_shared>> -> memref<2508x8xf32, #tpu.memory_space<vmem_shared>>
        tpu.wait_indirect_dma semaphore(%arg21 : memref<!tpu.dma_semaphore, #tpu.memory_space<semaphore_mem>>) src(%dma_wait3A_302 : memref<16x8xf32, #tpu.memory_space<vmem>>) dst(%dma_wait3A_305 : memref<2508x8xf32, #tpu.memory_space<vmem_shared>>)
      } else {
      }
      %mul3A_252 = arith.constant 16 : i32
      %mul3A_253 = arith.muli %mul3A_234, %mul3A_252 : i32
      %add3A_254 = arith.constant 0 : i32
      %add3A_255 = arith.addi %mul3A_253, %add3A_254 : i32
      %get3A = arith.index_cast %add3A_255 : i32 to index
      %get3A_256 = tpu.vector_load %arg10[%get3A] {strides = array<i32>} : memref<10032xi32, #tpu.memory_space<vmem>>, vector<16xi32>,
      %swap3A_257 = arith.constant 0 : index
      %swap3A_258 = tpu.vector_load %arg11[%swap3A_257] {strides = array<i32>} : memref<16xi32, #tpu.memory_space<vmem>>, vector<16xi32>,
      tpu.vector_store %arg11[%swap3A_257], %get3A_256 {strides = array<i32>} : memref<16xi32, #tpu.memory_space<vmem>>, vector<16xi32>,
      %dma_start3A_259 = arith.constant 0 : i32
      %dma_start3A_260 = arith.constant 0 : i32
      %dma_start3A_261 = tpu.memref_slice %arg15[%dma_start3A_259, %dma_start3A_260] : memref<42x8xf32, #tpu.memory_space<vmem>> -> memref<16x8xf32, #tpu.memory_space<vmem>>
      %dma_start3A_262 = arith.constant 0 : i32
      %dma_start3A_263 = arith.constant 0 : i32
      %dma_start3A_264 = tpu.memref_slice %arg18[%dma_start3A_262, %dma_start3A_263] : memref<2508x8xf32, #tpu.memory_space<vmem_shared>> -> memref<2508x8xf32, #tpu.memory_space<vmem_shared>>
      tpu.enqueue_indirect_dma source(%dma_start3A_261 : memref<16x8xf32, #tpu.memory_space<vmem>>) target(%dma_start3A_264 : memref<2508x8xf32, #tpu.memory_space<vmem_shared>>) offsets(%arg11 : memref<16xi32, #tpu.memory_space<vmem>>) semaphore(%arg21 : memref<!tpu.dma_semaphore, #tpu.memory_space<semaphore_mem>>) {add = true}
      "tpu.region"() ({
        %run_scoped3A_300 = tpu.sem_alloc : memref<!tpu.dma_semaphore, #tpu.memory_space<semaphore_mem>>
        %dma_start3A_301 = arith.constant 0 : i32
        %dma_start3A_302 = arith.constant 0 : i32
        %dma_start3A_303 = tpu.memref_slice %arg17[%dma_start3A_301, %dma_start3A_302] : memref<2508x256xf32, #tpu.memory_space<vmem_shared>> -> memref<2508x256xf32, #tpu.memory_space<vmem_shared>>
        tpu.enqueue_indirect_dma source(%arg13 : memref<16x256xf32, #tpu.memory_space<vmem>>) target(%dma_start3A_303 : memref<2508x256xf32, #tpu.memory_space<vmem_shared>>) offsets(%arg11 : memref<16xi32, #tpu.memory_space<vmem>>) semaphore(%run_scoped3A_300 : memref<!tpu.dma_semaphore, #tpu.memory_space<semaphore_mem>>) {add = true}
        %dma_wait3A_304 = arith.constant 0 : i32
        %dma_wait3A_305 = arith.constant 0 : i32
        %dma_wait3A_306 = tpu.memref_slice %arg17[%dma_wait3A_304, %dma_wait3A_305] : memref<2508x256xf32, #tpu.memory_space<vmem_shared>> -> memref<2508x256xf32, #tpu.memory_space<vmem_shared>>
        tpu.wait_indirect_dma semaphore(%run_scoped3A_300 : memref<!tpu.dma_semaphore, #tpu.memory_space<semaphore_mem>>) src(%arg13 : memref<16x256xf32, #tpu.memory_space<vmem>>) dst(%dma_wait3A_306 : memref<2508x256xf32, #tpu.memory_space<vmem_shared>>)
        tpu.yield
      }) : () -> ()
      %add3A_265 = arith.constant 1 : i32
      %add3A_266 = arith.addi %while3A_231, %add3A_265 : i32
      %lt3A = arith.cmpi slt, %add3A_266, %select_n3A : i32
      %convert_element_type3A_267 = arith.extui %lt3A : i1 to i32
      %cond3A_268 = arith.constant 0 : i32
      %cond3A_269 = arith.cmpi ne, %convert_element_type3A_267, %cond3A_268 : i32
      scf.if %cond3A_269 {
        %add3A_300 = arith.constant 2 : i32
        %add3A_301 = arith.addi %mul3A_234, %add3A_300 : i32
        %mul3A_302 = arith.constant 16 : i32
        %mul3A_303 = arith.muli %add3A_301, %mul3A_302 : i32
        %dma_start3A_304 = tpu.memref_slice %arg9[%mul3A_303] : memref<10032xi32, #tpu.memory_space<vmem>> -> memref<16xi32, #tpu.memory_space<vmem>>
        %dma_start3A_305 = arith.constant 0 : i32
        %dma_start3A_306 = arith.constant 0 : i32
        %dma_start3A_307 = tpu.memref_slice %arg2[%dma_start3A_305, %dma_start3A_306] : memref<10000x256xf32, #tpu.memory_space<hbm>> -> memref<10000x256xf32, #tpu.memory_space<hbm>>
        tpu.enqueue_indirect_dma source(%dma_start3A_307 : memref<10000x256xf32, #tpu.memory_space<hbm>>) target(%arg13 : memref<16x256xf32, #tpu.memory_space<vmem>>) offsets(%dma_start3A_304 : memref<16xi32, #tpu.memory_space<vmem>>) semaphore(%arg19 : memref<!tpu.dma_semaphore, #tpu.memory_space<semaphore_mem>>)
      } else {
      }
      %add3A_270 = arith.constant 1 : i32
      %add3A_271 = arith.addi %mul3A_234, %add3A_270 : i32
      %dma_wait3A_272 = arith.constant 0 : i32
      %dma_wait3A_273 = arith.constant 0 : i32
      %dma_wait3A_274 = tpu.memref_slice %arg2[%dma_wait3A_272, %dma_wait3A_273] : memref<10000x256xf32, #tpu.memory_space<hbm>> -> memref<16x256xf32, #tpu.memory_space<hbm>>
      %dma_wait3A_275 = arith.constant 0 : i32
      %dma_wait3A_276 = arith.constant 0 : i32
      %dma_wait3A_277 = tpu.memref_slice %arg2[%dma_wait3A_275, %dma_wait3A_276] : memref<10000x256xf32, #tpu.memory_space<hbm>> -> memref<16x256xf32, #tpu.memory_space<hbm>>
      tpu.wait_dma2 semaphore(%arg20 : memref<!tpu.dma_semaphore, #tpu.memory_space<semaphore_mem>>) src(%dma_wait3A_277 : memref<16x256xf32, #tpu.memory_space<hbm>>) dst(%arg14 : memref<16x256xf32, #tpu.memory_space<vmem>>)
      %gt3A_278 = arith.constant 0 : i32
      %gt3A_279 = arith.cmpi sgt, %while3A_231, %gt3A_278 : i32
      %convert_element_type3A_280 = arith.extui %gt3A_279 : i1 to i32
      %cond3A_281 = arith.constant 0 : i32
      %cond3A_282 = arith.cmpi ne, %convert_element_type3A_280, %cond3A_281 : i32
      scf.if %cond3A_282 {
        %dma_wait3A_300 = arith.constant 0 : i32
        %dma_wait3A_301 = arith.constant 0 : i32
        %dma_wait3A_302 = tpu.memref_slice %arg15[%dma_wait3A_300, %dma_wait3A_301] : memref<42x8xf32, #tpu.memory_space<vmem>> -> memref<16x8xf32, #tpu.memory_space<vmem>>
        %dma_wait3A_303 = arith.constant 0 : i32
        %dma_wait3A_304 = arith.constant 0 : i32
        %dma_wait3A_305 = tpu.memref_slice %arg18[%dma_wait3A_303, %dma_wait3A_304] : memref<2508x8xf32, #tpu.memory_space<vmem_shared>> -> memref<2508x8xf32, #tpu.memory_space<vmem_shared>>
        tpu.wait_indirect_dma semaphore(%arg22 : memref<!tpu.dma_semaphore, #tpu.memory_space<semaphore_mem>>) src(%dma_wait3A_302 : memref<16x8xf32, #tpu.memory_space<vmem>>) dst(%dma_wait3A_305 : memref<2508x8xf32, #tpu.memory_space<vmem_shared>>)
      } else {
      }
      %add3A_283 = arith.constant 1 : i32
      %add3A_284 = arith.addi %mul3A_234, %add3A_283 : i32
      %mul3A_285 = arith.constant 16 : i32
      %mul3A_286 = arith.muli %add3A_284, %mul3A_285 : i32
      %add3A_287 = arith.constant 0 : i32
      %add3A_288 = arith.addi %mul3A_286, %add3A_287 : i32
      %get3A_289 = arith.index_cast %add3A_288 : i32 to index
      %get3A_290 = tpu.vector_load %arg10[%get3A_289] {strides = array<i32>} : memref<10032xi32, #tpu.memory_space<vmem>>, vector<16xi32>,
      %swap3A_291 = arith.constant 0 : index
      %swap3A_292 = tpu.vector_load %arg12[%swap3A_291] {strides = array<i32>} : memref<16xi32, #tpu.memory_space<vmem>>, vector<16xi32>,
      tpu.vector_store %arg12[%swap3A_291], %get3A_290 {strides = array<i32>} : memref<16xi32, #tpu.memory_space<vmem>>, vector<16xi32>,
      %dma_start3A_293 = arith.constant 0 : i32
      %dma_start3A_294 = arith.constant 0 : i32
      %dma_start3A_295 = tpu.memref_slice %arg15[%dma_start3A_293, %dma_start3A_294] : memref<42x8xf32, #tpu.memory_space<vmem>> -> memref<16x8xf32, #tpu.memory_space<vmem>>
      %dma_start3A_296 = arith.constant 0 : i32
      %dma_start3A_297 = arith.constant 0 : i32
      %dma_start3A_298 = tpu.memref_slice %arg18[%dma_start3A_296, %dma_start3A_297] : memref<2508x8xf32, #tpu.memory_space<vmem_shared>> -> memref<2508x8xf32, #tpu.memory_space<vmem_shared>>
      tpu.enqueue_indirect_dma source(%dma_start3A_295 : memref<16x8xf32, #tpu.memory_space<vmem>>) target(%dma_start3A_298 : memref<2508x8xf32, #tpu.memory_space<vmem_shared>>) offsets(%arg12 : memref<16xi32, #tpu.memory_space<vmem>>) semaphore(%arg22 : memref<!tpu.dma_semaphore, #tpu.memory_space<semaphore_mem>>) {add = true}
      "tpu.region"() ({
        %run_scoped3A_300 = tpu.sem_alloc : memref<!tpu.dma_semaphore, #tpu.memory_space<semaphore_mem>>
        %dma_start3A_301 = arith.constant 0 : i32
        %dma_start3A_302 = arith.constant 0 : i32
        %dma_start3A_303 = tpu.memref_slice %arg17[%dma_start3A_301, %dma_start3A_302] : memref<2508x256xf32, #tpu.memory_space<vmem_shared>> -> memref<2508x256xf32, #tpu.memory_space<vmem_shared>>
        tpu.enqueue_indirect_dma source(%arg14 : memref<16x256xf32, #tpu.memory_space<vmem>>) target(%dma_start3A_303 : memref<2508x256xf32, #tpu.memory_space<vmem_shared>>) offsets(%arg12 : memref<16xi32, #tpu.memory_space<vmem>>) semaphore(%run_scoped3A_300 : memref<!tpu.dma_semaphore, #tpu.memory_space<semaphore_mem>>) {add = true}
        %dma_wait3A_304 = arith.constant 0 : i32
        %dma_wait3A_305 = arith.constant 0 : i32
        %dma_wait3A_306 = tpu.memref_slice %arg17[%dma_wait3A_304, %dma_wait3A_305] : memref<2508x256xf32, #tpu.memory_space<vmem_shared>> -> memref<2508x256xf32, #tpu.memory_space<vmem_shared>>
        tpu.wait_indirect_dma semaphore(%run_scoped3A_300 : memref<!tpu.dma_semaphore, #tpu.memory_space<semaphore_mem>>) src(%arg14 : memref<16x256xf32, #tpu.memory_space<vmem>>) dst(%dma_wait3A_306 : memref<2508x256xf32, #tpu.memory_space<vmem_shared>>)
        tpu.yield
      }) : () -> ()
      %while3A_299 = arith.constant 0 : i32
      scf.yield %while3A_299 : i32
    }
    %gt3A_95 = arith.constant 0 : i32
    %gt3A_96 = arith.cmpi sgt, %select_n3A, %gt3A_95 : i32
    %convert_element_type3A_97 = arith.extui %gt3A_96 : i1 to i32
    %cond3A_98 = arith.constant 0 : i32
    %cond3A_99 = arith.cmpi ne, %convert_element_type3A_97, %cond3A_98 : i32
    scf.if %cond3A_99 {
      %dma_wait3A = arith.constant 0 : i32
      %dma_wait3A_231 = arith.constant 0 : i32
      %dma_wait3A_232 = tpu.memref_slice %arg15[%dma_wait3A, %dma_wait3A_231] : memref<42x8xf32, #tpu.memory_space<vmem>> -> memref<16x8xf32, #tpu.memory_space<vmem>>
      %dma_wait3A_233 = arith.constant 0 : i32
      %dma_wait3A_234 = arith.constant 0 : i32
      %dma_wait3A_235 = tpu.memref_slice %arg18[%dma_wait3A_233, %dma_wait3A_234] : memref<2508x8xf32, #tpu.memory_space<vmem_shared>> -> memref<2508x8xf32, #tpu.memory_space<vmem_shared>>
      tpu.wait_indirect_dma semaphore(%arg21 : memref<!tpu.dma_semaphore, #tpu.memory_space<semaphore_mem>>) src(%dma_wait3A_232 : memref<16x8xf32, #tpu.memory_space<vmem>>) dst(%dma_wait3A_235 : memref<2508x8xf32, #tpu.memory_space<vmem_shared>>)
      %dma_wait3A_236 = arith.constant 0 : i32
      %dma_wait3A_237 = arith.constant 0 : i32
      %dma_wait3A_238 = tpu.memref_slice %arg15[%dma_wait3A_236, %dma_wait3A_237] : memref<42x8xf32, #tpu.memory_space<vmem>> -> memref<16x8xf32, #tpu.memory_space<vmem>>
      %dma_wait3A_239 = arith.constant 0 : i32
      %dma_wait3A_240 = arith.constant 0 : i32
      %dma_wait3A_241 = tpu.memref_slice %arg18[%dma_wait3A_239, %dma_wait3A_240] : memref<2508x8xf32, #tpu.memory_space<vmem_shared>> -> memref<2508x8xf32, #tpu.memory_space<vmem_shared>>
      tpu.wait_indirect_dma semaphore(%arg22 : memref<!tpu.dma_semaphore, #tpu.memory_space<semaphore_mem>>) src(%dma_wait3A_238 : memref<16x8xf32, #tpu.memory_space<vmem>>) dst(%dma_wait3A_241 : memref<2508x8xf32, #tpu.memory_space<vmem_shared>>)
    } else {
    }
    %barrier3A_100 = arith.constant 0 : index
    tpu.barrier barrier_id(%barrier3A_100)
    %mul3A_101 = arith.constant 156 : i32
    %mul3A_102 = arith.muli %arg1, %mul3A_101 : i32
    %add3A_103 = arith.addi %mul3A_8, %mul3A_102 : i32
    "tpu.region"() ({
      %run_scoped3A_231 = tpu.sem_alloc : memref<!tpu.dma_semaphore, #tpu.memory_space<semaphore_mem>>
      %dma_start3A = arith.constant 0 : i32
      %dma_start3A_232 = tpu.memref_slice %arg5[%add3A_103, %dma_start3A] : memref<10000x256xf32, #tpu.memory_space<hbm>> -> memref<156x256xf32, #tpu.memory_space<hbm>>
      %dma_start3A_233 = arith.constant 0 : i32
      %dma_start3A_234 = tpu.memref_slice %arg17[%mul3A_102, %dma_start3A_233] : memref<2508x256xf32, #tpu.memory_space<vmem_shared>> -> memref<156x256xf32, #tpu.memory_space<vmem_shared>>
      tpu.enqueue_dma source(%dma_start3A_234 : memref<156x256xf32, #tpu.memory_space<vmem_shared>>) target(%dma_start3A_232 : memref<156x256xf32, #tpu.memory_space<hbm>>) target_semaphore(%run_scoped3A_231 : memref<!tpu.dma_semaphore, #tpu.memory_space<semaphore_mem>>)
      %dma_wait3A = arith.constant 0 : i32
      %dma_wait3A_235 = tpu.memref_slice %arg5[%add3A_103, %dma_wait3A] : memref<10000x256xf32, #tpu.memory_space<hbm>> -> memref<156x256xf32, #tpu.memory_space<hbm>>
      %dma_wait3A_236 = arith.constant 0 : i32
      %dma_wait3A_237 = tpu.memref_slice %arg17[%mul3A_102, %dma_wait3A_236] : memref<2508x256xf32, #tpu.memory_space<vmem_shared>> -> memref<156x256xf32, #tpu.memory_space<vmem_shared>>
      tpu.wait_dma2 semaphore(%run_scoped3A_231 : memref<!tpu.dma_semaphore, #tpu.memory_space<semaphore_mem>>) src(%dma_wait3A_237 : memref<156x256xf32, #tpu.memory_space<vmem_shared>>) dst(%dma_wait3A_235 : memref<156x256xf32, #tpu.memory_space<hbm>>)
      tpu.yield
    }) : () -> ()
    "tpu.region"() ({
      %run_scoped3A_231 = tpu.sem_alloc : memref<!tpu.dma_semaphore, #tpu.memory_space<semaphore_mem>>
      %dma_start3A = arith.constant 0 : i32
      %dma_start3A_232 = tpu.memref_slice %arg6[%add3A_103, %dma_start3A] : memref<10000x8xf32, #tpu.memory_space<hbm>> -> memref<156x8xf32, #tpu.memory_space<hbm>>
      %dma_start3A_233 = arith.constant 0 : i32
      %dma_start3A_234 = tpu.memref_slice %arg18[%mul3A_102, %dma_start3A_233] : memref<2508x8xf32, #tpu.memory_space<vmem_shared>> -> memref<156x8xf32, #tpu.memory_space<vmem_shared>>
      tpu.enqueue_dma source(%dma_start3A_234 : memref<156x8xf32, #tpu.memory_space<vmem_shared>>) target(%dma_start3A_232 : memref<156x8xf32, #tpu.memory_space<hbm>>) target_semaphore(%run_scoped3A_231 : memref<!tpu.dma_semaphore, #tpu.memory_space<semaphore_mem>>)
      %dma_wait3A = arith.constant 0 : i32
      %dma_wait3A_235 = tpu.memref_slice %arg6[%add3A_103, %dma_wait3A] : memref<10000x8xf32, #tpu.memory_space<hbm>> -> memref<156x8xf32, #tpu.memory_space<hbm>>
      %dma_wait3A_236 = arith.constant 0 : i32
      %dma_wait3A_237 = tpu.memref_slice %arg18[%mul3A_102, %dma_wait3A_236] : memref<2508x8xf32, #tpu.memory_space<vmem_shared>> -> memref<156x8xf32, #tpu.memory_space<vmem_shared>>
      tpu.wait_dma2 semaphore(%run_scoped3A_231 : memref<!tpu.dma_semaphore, #tpu.memory_space<semaphore_mem>>) src(%dma_wait3A_237 : memref<156x8xf32, #tpu.memory_space<vmem_shared>>) dst(%dma_wait3A_235 : memref<156x8xf32, #tpu.memory_space<hbm>>)
      tpu.yield
    }) : () -> ()
    %eq3A_104 = arith.constant 15 : i32
    %eq3A_105 = arith.cmpi eq, %arg1, %eq3A_104 : i32
    %convert_element_type3A_106 = arith.extui %eq3A_105 : i1 to i32
    %cond3A_107 = arith.constant 0 : i32
    %cond3A_108 = arith.cmpi ne, %convert_element_type3A_106, %cond3A_107 : i32
    scf.if %cond3A_108 {
      %add3A_231 = arith.constant 2500 : i32
      %add3A_232 = arith.addi %mul3A_8, %add3A_231 : i32
      %sub3A_233 = arith.constant 4 : i32
      %sub3A_234 = arith.subi %add3A_232, %sub3A_233 : i32
      "tpu.region"() ({
        %run_scoped3A_239 = tpu.sem_alloc : memref<!tpu.dma_semaphore, #tpu.memory_space<semaphore_mem>>
        %dma_start3A = arith.constant 0 : i32
        %dma_start3A_240 = tpu.memref_slice %arg5[%sub3A_234, %dma_start3A] : memref<10000x256xf32, #tpu.memory_space<hbm>> -> memref<4x256xf32, #tpu.memory_space<hbm>>
        %dma_start3A_241 = arith.constant 2496 : i32
        %dma_start3A_242 = arith.constant 0 : i32
        %dma_start3A_243 = tpu.memref_slice %arg17[%dma_start3A_241, %dma_start3A_242] : memref<2508x256xf32, #tpu.memory_space<vmem_shared>> -> memref<4x256xf32, #tpu.memory_space<vmem_shared>>
        tpu.enqueue_dma source(%dma_start3A_243 : memref<4x256xf32, #tpu.memory_space<vmem_shared>>) target(%dma_start3A_240 : memref<4x256xf32, #tpu.memory_space<hbm>>) target_semaphore(%run_scoped3A_239 : memref<!tpu.dma_semaphore, #tpu.memory_space<semaphore_mem>>)
        %dma_wait3A = arith.constant 0 : i32
        %dma_wait3A_244 = tpu.memref_slice %arg5[%sub3A_234, %dma_wait3A] : memref<10000x256xf32, #tpu.memory_space<hbm>> -> memref<4x256xf32, #tpu.memory_space<hbm>>
        %dma_wait3A_245 = arith.constant 2496 : i32
        %dma_wait3A_246 = arith.constant 0 : i32
        %dma_wait3A_247 = tpu.memref_slice %arg17[%dma_wait3A_245, %dma_wait3A_246] : memref<2508x256xf32, #tpu.memory_space<vmem_shared>> -> memref<4x256xf32, #tpu.memory_space<vmem_shared>>
        tpu.wait_dma2 semaphore(%run_scoped3A_239 : memref<!tpu.dma_semaphore, #tpu.memory_space<semaphore_mem>>) src(%dma_wait3A_247 : memref<4x256xf32, #tpu.memory_space<vmem_shared>>) dst(%dma_wait3A_244 : memref<4x256xf32, #tpu.memory_space<hbm>>)
        tpu.yield
      }) : () -> ()
      %add3A_235 = arith.constant 2500 : i32
      %add3A_236 = arith.addi %mul3A_8, %add3A_235 : i32
      %sub3A_237 = arith.constant 4 : i32
      %sub3A_238 = arith.subi %add3A_236, %sub3A_237 : i32
      "tpu.region"() ({
        %run_scoped3A_239 = tpu.sem_alloc : memref<!tpu.dma_semaphore, #tpu.memory_space<semaphore_mem>>
        %dma_start3A = arith.constant 0 : i32
        %dma_start3A_240 = tpu.memref_slice %arg6[%sub3A_238, %dma_start3A] : memref<10000x8xf32, #tpu.memory_space<hbm>> -> memref<4x8xf32, #tpu.memory_space<hbm>>
        %dma_start3A_241 = arith.constant 2496 : i32
        %dma_start3A_242 = arith.constant 0 : i32
        %dma_start3A_243 = tpu.memref_slice %arg18[%dma_start3A_241, %dma_start3A_242] : memref<2508x8xf32, #tpu.memory_space<vmem_shared>> -> memref<4x8xf32, #tpu.memory_space<vmem_shared>>
        tpu.enqueue_dma source(%dma_start3A_243 : memref<4x8xf32, #tpu.memory_space<vmem_shared>>) target(%dma_start3A_240 : memref<4x8xf32, #tpu.memory_space<hbm>>) target_semaphore(%run_scoped3A_239 : memref<!tpu.dma_semaphore, #tpu.memory_space<semaphore_mem>>)
        %dma_wait3A = arith.constant 0 : i32
        %dma_wait3A_244 = tpu.memref_slice %arg6[%sub3A_238, %dma_wait3A] : memref<10000x8xf32, #tpu.memory_space<hbm>> -> memref<4x8xf32, #tpu.memory_space<hbm>>
        %dma_wait3A_245 = arith.constant 2496 : i32
        %dma_wait3A_246 = arith.constant 0 : i32
        %dma_wait3A_247 = tpu.memref_slice %arg18[%dma_wait3A_245, %dma_wait3A_246] : memref<2508x8xf32, #tpu.memory_space<vmem_shared>> -> memref<4x8xf32, #tpu.memory_space<vmem_shared>>
        tpu.wait_dma2 semaphore(%run_scoped3A_239 : memref<!tpu.dma_semaphore, #tpu.memory_space<semaphore_mem>>) src(%dma_wait3A_247 : memref<4x8xf32, #tpu.memory_space<vmem_shared>>) dst(%dma_wait3A_244 : memref<4x8xf32, #tpu.memory_space<hbm>>)
        tpu.yield
      }) : () -> ()
    } else {
    }
    %barrier3A_109 = arith.constant 0 : index
    tpu.barrier barrier_id(%barrier3A_109)
    %add3A_110 = arith.constant 2 : i32
    %add3A_111 = arith.addi %add3A_110, %arg0 : i32
    %mul3A_112 = arith.constant 2500 : i32
    %mul3A_113 = arith.muli %add3A_111, %mul3A_112 : i32
    %scan3A_114 = arith.constant 0 : i32
    %scan3A_115 = arith.constant 0 : i32
    %scan3A_116 = arith.constant 625 : i32
    %scan3A_117 = arith.addi %scan3A_115, %scan3A_116 : i32
    %scan3A_118 = arith.constant 1 : i32
    %scan3A_119 = scf.for %scan3A_231 = %scan3A_115 to %scan3A_117 step %scan3A_118 iter_args(%scan3A_232 = %scan3A_114) -> (i32)  : i32 {
      %mul3A_233 = arith.constant 16 : i32
      %mul3A_234 = arith.muli %scan3A_231, %mul3A_233 : i32
      %get3A = arith.index_cast %mul3A_234 : i32 to index
      %get3A_235 = tpu.vector_load %arg7[%get3A] {strides = array<i32>} : memref<10000xi32, #tpu.memory_space<vmem>>, vector<16xi32>,
      %mul3A_236 = arith.constant 16 : i32
      %mul3A_237 = arith.muli %scan3A_231, %mul3A_236 : i32
      %get3A_238 = arith.index_cast %mul3A_237 : i32 to index
      %get3A_239 = tpu.vector_load %arg8[%get3A_238] {strides = array<i32>} : memref<10000xi32, #tpu.memory_space<vmem>>, vector<16xi32>,
      %sub3A_240 = vector.broadcast %mul3A_113 : i32 to vector<16xi32>
      %sub3A_241 = arith.subi %get3A_239, %sub3A_240 : vector<16xi32>
      %ge3A = arith.constant 0 : i32
      %ge3A_242 = vector.broadcast %ge3A : i32 to vector<16xi32>
      %ge3A_243 = arith.cmpi sge, %sub3A_241, %ge3A_242 : vector<16xi32>
      %lt3A = arith.constant 2500 : i32
      %lt3A_244 = vector.broadcast %lt3A : i32 to vector<16xi32>
      %lt3A_245 = arith.cmpi slt, %sub3A_241, %lt3A_244 : vector<16xi32>
      %and3A_246 = arith.andi %ge3A_243, %lt3A_245 : vector<16xi1>
      %swap3A_247 = arith.index_cast %scan3A_232 : i32 to index
      %swap3A_248 = tpu.vector_load %arg9[%swap3A_247] masked %and3A_246 {strides = array<i32>} : memref<10032xi32, #tpu.memory_space<vmem>>, vector<16xi32>, vector<16xi1>
      tpu.vector_store %arg9[%swap3A_247], %get3A_235 masked %and3A_246 {strides = array<i32>} : memref<10032xi32, #tpu.memory_space<vmem>>, vector<16xi32>, vector<16xi1>
      %swap3A_249 = arith.index_cast %scan3A_232 : i32 to index
      %swap3A_250 = tpu.vector_load %arg10[%swap3A_249] masked %and3A_246 {strides = array<i32>} : memref<10032xi32, #tpu.memory_space<vmem>>, vector<16xi32>, vector<16xi1>
      tpu.vector_store %arg10[%swap3A_249], %sub3A_241 masked %and3A_246 {strides = array<i32>} : memref<10032xi32, #tpu.memory_space<vmem>>, vector<16xi32>, vector<16xi1>
      %jit3A_251 = arith.constant 1 : i32
      %jit3A_252 = arith.constant 0 : i32
      %broadcast_in_dim3A_253 = vector.broadcast %jit3A_251 : i32 to vector<16xi32>
      %broadcast_in_dim3A_254 = vector.broadcast %jit3A_252 : i32 to vector<16xi32>
      %select_n3A_255 = arith.select %and3A_246, %broadcast_in_dim3A_253, %broadcast_in_dim3A_254 : vector<16xi1>, vector<16xi32>
      %reduce_sum3A = arith.constant true
      %reduce_sum3A_256 = vector.broadcast %reduce_sum3A : i1 to vector<16xi1>
      %reduce_sum3A_257 = tpu.scan <sum>, %select_n3A_255 masked %reduce_sum3A_256 : vector<16xi32>, vector<16xi1> -> vector<16xi32>
      %reduce_sum3A_258 = vector.extract %reduce_sum3A_257[15] : i32 from vector<16xi32>
      %add3A_259 = arith.addi %scan3A_232, %reduce_sum3A_258 : i32
      scf.yield %add3A_259 : i32
    }
    %scan3A_120 = arith.constant 625 : i32
    %broadcast_in_dim3A_121 = arith.constant 0 : i32
    %broadcast_in_dim3A_122 = vector.broadcast %broadcast_in_dim3A_121 : i32 to vector<16xi32>
    %broadcast_in_dim3A_123 = arith.constant 2500 : i32
    %broadcast_in_dim3A_124 = vector.broadcast %broadcast_in_dim3A_123 : i32 to vector<16xi32>
    %add3A_125 = arith.constant 0 : i32
    %add3A_126 = arith.addi %scan3A_119, %add3A_125 : i32
    %swap3A_127 = arith.index_cast %add3A_126 : i32 to index
    %swap3A_128 = tpu.vector_load %arg9[%swap3A_127] {strides = array<i32>} : memref<10032xi32, #tpu.memory_space<vmem>>, vector<16xi32>,
    tpu.vector_store %arg9[%swap3A_127], %broadcast_in_dim3A_122 {strides = array<i32>} : memref<10032xi32, #tpu.memory_space<vmem>>, vector<16xi32>,
    %add3A_129 = arith.constant 0 : i32
    %add3A_130 = arith.addi %scan3A_119, %add3A_129 : i32
    %swap3A_131 = arith.index_cast %add3A_130 : i32 to index
    %swap3A_132 = tpu.vector_load %arg10[%swap3A_131] {strides = array<i32>} : memref<10032xi32, #tpu.memory_space<vmem>>, vector<16xi32>,
    tpu.vector_store %arg10[%swap3A_131], %broadcast_in_dim3A_124 {strides = array<i32>} : memref<10032xi32, #tpu.memory_space<vmem>>, vector<16xi32>,
    %add3A_133 = arith.constant 16 : i32
    %add3A_134 = arith.addi %scan3A_119, %add3A_133 : i32
    %swap3A_135 = arith.index_cast %add3A_134 : i32 to index
    %swap3A_136 = tpu.vector_load %arg9[%swap3A_135] {strides = array<i32>} : memref<10032xi32, #tpu.memory_space<vmem>>, vector<16xi32>,
    tpu.vector_store %arg9[%swap3A_135], %broadcast_in_dim3A_122 {strides = array<i32>} : memref<10032xi32, #tpu.memory_space<vmem>>, vector<16xi32>,
    %add3A_137 = arith.constant 16 : i32
    %add3A_138 = arith.addi %scan3A_119, %add3A_137 : i32
    %swap3A_139 = arith.index_cast %add3A_138 : i32 to index
    %swap3A_140 = tpu.vector_load %arg10[%swap3A_139] {strides = array<i32>} : memref<10032xi32, #tpu.memory_space<vmem>>, vector<16xi32>,
    tpu.vector_store %arg10[%swap3A_139], %broadcast_in_dim3A_124 {strides = array<i32>} : memref<10032xi32, #tpu.memory_space<vmem>>, vector<16xi32>,
    %add3A_141 = arith.constant 32 : i32
    %add3A_142 = arith.addi %scan3A_119, %add3A_141 : i32
    %sub3A_143 = arith.constant 1 : i32
    %sub3A_144 = arith.subi %add3A_142, %sub3A_143 : i32
    %jit3A_145 = arith.constant 32 : i32
    %div3A_146 = arith.divsi %sub3A_144, %jit3A_145 : i32
    %sign3A_147 = arith.constant 0 : i32
    %sign3A_148 = arith.cmpi sgt, %sub3A_144, %sign3A_147 : i32
    %sign3A_149 = arith.extui %sign3A_148 : i1 to i32
    %sign3A_150 = arith.constant 0 : i32
    %sign3A_151 = arith.cmpi slt, %sub3A_144, %sign3A_150 : i32
    %sign3A_152 = arith.extui %sign3A_151 : i1 to i32
    %sign3A_153 = arith.subi %sign3A_149, %sign3A_152 : i32
    %sign3A_154 = arith.constant 0 : i32
    %sign3A_155 = arith.cmpi sgt, %jit3A_145, %sign3A_154 : i32
    %sign3A_156 = arith.extui %sign3A_155 : i1 to i32
    %sign3A_157 = arith.constant 0 : i32
    %sign3A_158 = arith.cmpi slt, %jit3A_145, %sign3A_157 : i32
    %sign3A_159 = arith.extui %sign3A_158 : i1 to i32
    %sign3A_160 = arith.subi %sign3A_156, %sign3A_159 : i32
    %ne3A_161 = arith.cmpi ne, %sign3A_153, %sign3A_160 : i32
    %rem3A_162 = arith.remsi %sub3A_144, %jit3A_145 : i32
    %ne3A_163 = arith.constant 0 : i32
    %ne3A_164 = arith.cmpi ne, %rem3A_162, %ne3A_163 : i32
    %and3A_165 = arith.andi %ne3A_161, %ne3A_164 : i1
    %sub3A_166 = arith.constant 1 : i32
    %sub3A_167 = arith.subi %div3A_146, %sub3A_166 : i32
    %select_n3A_168 = arith.select %and3A_165, %sub3A_167, %div3A_146 : i32
    %mul3A_169 = arith.constant 156 : i32
    %mul3A_170 = arith.muli %arg1, %mul3A_169 : i32
    %add3A_171 = arith.constant 0 : i32
    %add3A_172 = arith.addi %mul3A_170, %add3A_171 : i32
    "tpu.region"() ({
      %run_scoped3A_231 = tpu.sem_alloc : memref<!tpu.dma_semaphore, #tpu.memory_space<semaphore_mem>>
      %dma_start3A = arith.constant 0 : i32
      %dma_start3A_232 = tpu.memref_slice %arg17[%add3A_172, %dma_start3A] : memref<2508x256xf32, #tpu.memory_space<vmem_shared>> -> memref<26x256xf32, #tpu.memory_space<vmem_shared>>
      %dma_start3A_233 = arith.constant 0 : i32
      %dma_start3A_234 = tpu.memref_slice %arg17[%add3A_172, %dma_start3A_233] : memref<2508x256xf32, #tpu.memory_space<vmem_shared>> -> memref<26x256xf32, #tpu.memory_space<vmem_shared>>
      tpu.enqueue_dma source(%arg16 : memref<26x256xf32, #tpu.memory_space<vmem>>) target(%dma_start3A_234 : memref<26x256xf32, #tpu.memory_space<vmem_shared>>) target_semaphore(%run_scoped3A_231 : memref<!tpu.dma_semaphore, #tpu.memory_space<semaphore_mem>>)
      %dma_wait3A = arith.constant 0 : i32
      %dma_wait3A_235 = tpu.memref_slice %arg17[%add3A_172, %dma_wait3A] : memref<2508x256xf32, #tpu.memory_space<vmem_shared>> -> memref<26x256xf32, #tpu.memory_space<vmem_shared>>
      %dma_wait3A_236 = arith.constant 0 : i32
      %dma_wait3A_237 = tpu.memref_slice %arg17[%add3A_172, %dma_wait3A_236] : memref<2508x256xf32, #tpu.memory_space<vmem_shared>> -> memref<26x256xf32, #tpu.memory_space<vmem_shared>>
      tpu.wait_dma2 semaphore(%run_scoped3A_231 : memref<!tpu.dma_semaphore, #tpu.memory_space<semaphore_mem>>) src(%arg16 : memref<26x256xf32, #tpu.memory_space<vmem>>) dst(%dma_wait3A_237 : memref<26x256xf32, #tpu.memory_space<vmem_shared>>)
      tpu.yield
    }) : () -> ()
    "tpu.region"() ({
      %run_scoped3A_231 = tpu.sem_alloc : memref<!tpu.dma_semaphore, #tpu.memory_space<semaphore_mem>>
      %dma_start3A = arith.constant 16 : i32
      %dma_start3A_232 = arith.constant 0 : i32
      %dma_start3A_233 = tpu.memref_slice %arg15[%dma_start3A, %dma_start3A_232] : memref<42x8xf32, #tpu.memory_space<vmem>> -> memref<26x8xf32, #tpu.memory_space<vmem>>
      %dma_start3A_234 = arith.constant 0 : i32
      %dma_start3A_235 = tpu.memref_slice %arg18[%add3A_172, %dma_start3A_234] : memref<2508x8xf32, #tpu.memory_space<vmem_shared>> -> memref<26x8xf32, #tpu.memory_space<vmem_shared>>
      %dma_start3A_236 = arith.constant 0 : i32
      %dma_start3A_237 = tpu.memref_slice %arg18[%add3A_172, %dma_start3A_236] : memref<2508x8xf32, #tpu.memory_space<vmem_shared>> -> memref<26x8xf32, #tpu.memory_space<vmem_shared>>
      %dma_start3A_238 = arith.constant 16 : i32
      %dma_start3A_239 = arith.constant 0 : i32
      %dma_start3A_240 = tpu.memref_slice %arg15[%dma_start3A_238, %dma_start3A_239] : memref<42x8xf32, #tpu.memory_space<vmem>> -> memref<26x8xf32, #tpu.memory_space<vmem>>
      tpu.enqueue_dma source(%dma_start3A_240 : memref<26x8xf32, #tpu.memory_space<vmem>>) target(%dma_start3A_237 : memref<26x8xf32, #tpu.memory_space<vmem_shared>>) target_semaphore(%run_scoped3A_231 : memref<!tpu.dma_semaphore, #tpu.memory_space<semaphore_mem>>)
      %dma_wait3A = arith.constant 16 : i32
      %dma_wait3A_241 = arith.constant 0 : i32
      %dma_wait3A_242 = tpu.memref_slice %arg15[%dma_wait3A, %dma_wait3A_241] : memref<42x8xf32, #tpu.memory_space<vmem>> -> memref<26x8xf32, #tpu.memory_space<vmem>>
      %dma_wait3A_243 = arith.constant 0 : i32
      %dma_wait3A_244 = tpu.memref_slice %arg18[%add3A_172, %dma_wait3A_243] : memref<2508x8xf32, #tpu.memory_space<vmem_shared>> -> memref<26x8xf32, #tpu.memory_space<vmem_shared>>
      %dma_wait3A_245 = arith.constant 0 : i32
      %dma_wait3A_246 = tpu.memref_slice %arg18[%add3A_172, %dma_wait3A_245] : memref<2508x8xf32, #tpu.memory_space<vmem_shared>> -> memref<26x8xf32, #tpu.memory_space<vmem_shared>>
      %dma_wait3A_247 = arith.constant 16 : i32
      %dma_wait3A_248 = arith.constant 0 : i32
      %dma_wait3A_249 = tpu.memref_slice %arg15[%dma_wait3A_247, %dma_wait3A_248] : memref<42x8xf32, #tpu.memory_space<vmem>> -> memref<26x8xf32, #tpu.memory_space<vmem>>
      tpu.wait_dma2 semaphore(%run_scoped3A_231 : memref<!tpu.dma_semaphore, #tpu.memory_space<semaphore_mem>>) src(%dma_wait3A_249 : memref<26x8xf32, #tpu.memory_space<vmem>>) dst(%dma_wait3A_246 : memref<26x8xf32, #tpu.memory_space<vmem_shared>>)
      tpu.yield
    }) : () -> ()
    %mul3A_173 = arith.constant 156 : i32
    %mul3A_174 = arith.muli %arg1, %mul3A_173 : i32
    %add3A_175 = arith.constant 26 : i32
    %add3A_176 = arith.addi %mul3A_174, %add3A_175 : i32
    "tpu.region"() ({
      %run_scoped3A_231 = tpu.sem_alloc : memref<!tpu.dma_semaphore, #tpu.memory_space<semaphore_mem>>
      %dma_start3A = arith.constant 0 : i32
      %dma_start3A_232 = tpu.memref_slice %arg17[%add3A_176, %dma_start3A] : memref<2508x256xf32, #tpu.memory_space<vmem_shared>> -> memref<26x256xf32, #tpu.memory_space<vmem_shared>>
      %dma_start3A_233 = arith.constant 0 : i32
      %dma_start3A_234 = tpu.memref_slice %arg17[%add3A_176, %dma_start3A_233] : memref<2508x256xf32, #tpu.memory_space<vmem_shared>> -> memref<26x256xf32, #tpu.memory_space<vmem_shared>>
      tpu.enqueue_dma source(%arg16 : memref<26x256xf32, #tpu.memory_space<vmem>>) target(%dma_start3A_234 : memref<26x256xf32, #tpu.memory_space<vmem_shared>>) target_semaphore(%run_scoped3A_231 : memref<!tpu.dma_semaphore, #tpu.memory_space<semaphore_mem>>)
      %dma_wait3A = arith.constant 0 : i32
      %dma_wait3A_235 = tpu.memref_slice %arg17[%add3A_176, %dma_wait3A] : memref<2508x256xf32, #tpu.memory_space<vmem_shared>> -> memref<26x256xf32, #tpu.memory_space<vmem_shared>>
      %dma_wait3A_236 = arith.constant 0 : i32
      %dma_wait3A_237 = tpu.memref_slice %arg17[%add3A_176, %dma_wait3A_236] : memref<2508x256xf32, #tpu.memory_space<vmem_shared>> -> memref<26x256xf32, #tpu.memory_space<vmem_shared>>
      tpu.wait_dma2 semaphore(%run_scoped3A_231 : memref<!tpu.dma_semaphore, #tpu.memory_space<semaphore_mem>>) src(%arg16 : memref<26x256xf32, #tpu.memory_space<vmem>>) dst(%dma_wait3A_237 : memref<26x256xf32, #tpu.memory_space<vmem_shared>>)
      tpu.yield
    }) : () -> ()
    "tpu.region"() ({
      %run_scoped3A_231 = tpu.sem_alloc : memref<!tpu.dma_semaphore, #tpu.memory_space<semaphore_mem>>
      %dma_start3A = arith.constant 16 : i32
      %dma_start3A_232 = arith.constant 0 : i32
      %dma_start3A_233 = tpu.memref_slice %arg15[%dma_start3A, %dma_start3A_232] : memref<42x8xf32, #tpu.memory_space<vmem>> -> memref<26x8xf32, #tpu.memory_space<vmem>>
      %dma_start3A_234 = arith.constant 0 : i32
      %dma_start3A_235 = tpu.memref_slice %arg18[%add3A_176, %dma_start3A_234] : memref<2508x8xf32, #tpu.memory_space<vmem_shared>> -> memref<26x8xf32, #tpu.memory_space<vmem_shared>>
      %dma_start3A_236 = arith.constant 0 : i32
      %dma_start3A_237 = tpu.memref_slice %arg18[%add3A_176, %dma_start3A_236] : memref<2508x8xf32, #tpu.memory_space<vmem_shared>> -> memref<26x8xf32, #tpu.memory_space<vmem_shared>>
      %dma_start3A_238 = arith.constant 16 : i32
      %dma_start3A_239 = arith.constant 0 : i32
      %dma_start3A_240 = tpu.memref_slice %arg15[%dma_start3A_238, %dma_start3A_239] : memref<42x8xf32, #tpu.memory_space<vmem>> -> memref<26x8xf32, #tpu.memory_space<vmem>>
      tpu.enqueue_dma source(%dma_start3A_240 : memref<26x8xf32, #tpu.memory_space<vmem>>) target(%dma_start3A_237 : memref<26x8xf32, #tpu.memory_space<vmem_shared>>) target_semaphore(%run_scoped3A_231 : memref<!tpu.dma_semaphore, #tpu.memory_space<semaphore_mem>>)
      %dma_wait3A = arith.constant 16 : i32
      %dma_wait3A_241 = arith.constant 0 : i32
      %dma_wait3A_242 = tpu.memref_slice %arg15[%dma_wait3A, %dma_wait3A_241] : memref<42x8xf32, #tpu.memory_space<vmem>> -> memref<26x8xf32, #tpu.memory_space<vmem>>
      %dma_wait3A_243 = arith.constant 0 : i32
      %dma_wait3A_244 = tpu.memref_slice %arg18[%add3A_176, %dma_wait3A_243] : memref<2508x8xf32, #tpu.memory_space<vmem_shared>> -> memref<26x8xf32, #tpu.memory_space<vmem_shared>>
      %dma_wait3A_245 = arith.constant 0 : i32
      %dma_wait3A_246 = tpu.memref_slice %arg18[%add3A_176, %dma_wait3A_245] : memref<2508x8xf32, #tpu.memory_space<vmem_shared>> -> memref<26x8xf32, #tpu.memory_space<vmem_shared>>
      %dma_wait3A_247 = arith.constant 16 : i32
      %dma_wait3A_248 = arith.constant 0 : i32
      %dma_wait3A_249 = tpu.memref_slice %arg15[%dma_wait3A_247, %dma_wait3A_248] : memref<42x8xf32, #tpu.memory_space<vmem>> -> memref<26x8xf32, #tpu.memory_space<vmem>>
      tpu.wait_dma2 semaphore(%run_scoped3A_231 : memref<!tpu.dma_semaphore, #tpu.memory_space<semaphore_mem>>) src(%dma_wait3A_249 : memref<26x8xf32, #tpu.memory_space<vmem>>) dst(%dma_wait3A_246 : memref<26x8xf32, #tpu.memory_space<vmem_shared>>)
      tpu.yield
    }) : () -> ()
    %mul3A_177 = arith.constant 156 : i32
    %mul3A_178 = arith.muli %arg1, %mul3A_177 : i32
    %add3A_179 = arith.constant 52 : i32
    %add3A_180 = arith.addi %mul3A_178, %add3A_179 : i32
    "tpu.region"() ({
      %run_scoped3A_231 = tpu.sem_alloc : memref<!tpu.dma_semaphore, #tpu.memory_space<semaphore_mem>>
      %dma_start3A = arith.constant 0 : i32
      %dma_start3A_232 = tpu.memref_slice %arg17[%add3A_180, %dma_start3A] : memref<2508x256xf32, #tpu.memory_space<vmem_shared>> -> memref<26x256xf32, #tpu.memory_space<vmem_shared>>
      %dma_start3A_233 = arith.constant 0 : i32
      %dma_start3A_234 = tpu.memref_slice %arg17[%add3A_180, %dma_start3A_233] : memref<2508x256xf32, #tpu.memory_space<vmem_shared>> -> memref<26x256xf32, #tpu.memory_space<vmem_shared>>
      tpu.enqueue_dma source(%arg16 : memref<26x256xf32, #tpu.memory_space<vmem>>) target(%dma_start3A_234 : memref<26x256xf32, #tpu.memory_space<vmem_shared>>) target_semaphore(%run_scoped3A_231 : memref<!tpu.dma_semaphore, #tpu.memory_space<semaphore_mem>>)
      %dma_wait3A = arith.constant 0 : i32
      %dma_wait3A_235 = tpu.memref_slice %arg17[%add3A_180, %dma_wait3A] : memref<2508x256xf32, #tpu.memory_space<vmem_shared>> -> memref<26x256xf32, #tpu.memory_space<vmem_shared>>
      %dma_wait3A_236 = arith.constant 0 : i32
      %dma_wait3A_237 = tpu.memref_slice %arg17[%add3A_180, %dma_wait3A_236] : memref<2508x256xf32, #tpu.memory_space<vmem_shared>> -> memref<26x256xf32, #tpu.memory_space<vmem_shared>>
      tpu.wait_dma2 semaphore(%run_scoped3A_231 : memref<!tpu.dma_semaphore, #tpu.memory_space<semaphore_mem>>) src(%arg16 : memref<26x256xf32, #tpu.memory_space<vmem>>) dst(%dma_wait3A_237 : memref<26x256xf32, #tpu.memory_space<vmem_shared>>)
      tpu.yield
    }) : () -> ()
    "tpu.region"() ({
      %run_scoped3A_231 = tpu.sem_alloc : memref<!tpu.dma_semaphore, #tpu.memory_space<semaphore_mem>>
      %dma_start3A = arith.constant 16 : i32
      %dma_start3A_232 = arith.constant 0 : i32
      %dma_start3A_233 = tpu.memref_slice %arg15[%dma_start3A, %dma_start3A_232] : memref<42x8xf32, #tpu.memory_space<vmem>> -> memref<26x8xf32, #tpu.memory_space<vmem>>
      %dma_start3A_234 = arith.constant 0 : i32
      %dma_start3A_235 = tpu.memref_slice %arg18[%add3A_180, %dma_start3A_234] : memref<2508x8xf32, #tpu.memory_space<vmem_shared>> -> memref<26x8xf32, #tpu.memory_space<vmem_shared>>
      %dma_start3A_236 = arith.constant 0 : i32
      %dma_start3A_237 = tpu.memref_slice %arg18[%add3A_180, %dma_start3A_236] : memref<2508x8xf32, #tpu.memory_space<vmem_shared>> -> memref<26x8xf32, #tpu.memory_space<vmem_shared>>
      %dma_start3A_238 = arith.constant 16 : i32
      %dma_start3A_239 = arith.constant 0 : i32
      %dma_start3A_240 = tpu.memref_slice %arg15[%dma_start3A_238, %dma_start3A_239] : memref<42x8xf32, #tpu.memory_space<vmem>> -> memref<26x8xf32, #tpu.memory_space<vmem>>
      tpu.enqueue_dma source(%dma_start3A_240 : memref<26x8xf32, #tpu.memory_space<vmem>>) target(%dma_start3A_237 : memref<26x8xf32, #tpu.memory_space<vmem_shared>>) target_semaphore(%run_scoped3A_231 : memref<!tpu.dma_semaphore, #tpu.memory_space<semaphore_mem>>)
      %dma_wait3A = arith.constant 16 : i32
      %dma_wait3A_241 = arith.constant 0 : i32
      %dma_wait3A_242 = tpu.memref_slice %arg15[%dma_wait3A, %dma_wait3A_241] : memref<42x8xf32, #tpu.memory_space<vmem>> -> memref<26x8xf32, #tpu.memory_space<vmem>>
      %dma_wait3A_243 = arith.constant 0 : i32
      %dma_wait3A_244 = tpu.memref_slice %arg18[%add3A_180, %dma_wait3A_243] : memref<2508x8xf32, #tpu.memory_space<vmem_shared>> -> memref<26x8xf32, #tpu.memory_space<vmem_shared>>
      %dma_wait3A_245 = arith.constant 0 : i32
      %dma_wait3A_246 = tpu.memref_slice %arg18[%add3A_180, %dma_wait3A_245] : memref<2508x8xf32, #tpu.memory_space<vmem_shared>> -> memref<26x8xf32, #tpu.memory_space<vmem_shared>>
      %dma_wait3A_247 = arith.constant 16 : i32
      %dma_wait3A_248 = arith.constant 0 : i32
      %dma_wait3A_249 = tpu.memref_slice %arg15[%dma_wait3A_247, %dma_wait3A_248] : memref<42x8xf32, #tpu.memory_space<vmem>> -> memref<26x8xf32, #tpu.memory_space<vmem>>
      tpu.wait_dma2 semaphore(%run_scoped3A_231 : memref<!tpu.dma_semaphore, #tpu.memory_space<semaphore_mem>>) src(%dma_wait3A_249 : memref<26x8xf32, #tpu.memory_space<vmem>>) dst(%dma_wait3A_246 : memref<26x8xf32, #tpu.memory_space<vmem_shared>>)
      tpu.yield
    }) : () -> ()
    %mul3A_181 = arith.constant 156 : i32
    %mul3A_182 = arith.muli %arg1, %mul3A_181 : i32
    %add3A_183 = arith.constant 78 : i32
    %add3A_184 = arith.addi %mul3A_182, %add3A_183 : i32
    "tpu.region"() ({
      %run_scoped3A_231 = tpu.sem_alloc : memref<!tpu.dma_semaphore, #tpu.memory_space<semaphore_mem>>
      %dma_start3A = arith.constant 0 : i32
      %dma_start3A_232 = tpu.memref_slice %arg17[%add3A_184, %dma_start3A] : memref<2508x256xf32, #tpu.memory_space<vmem_shared>> -> memref<26x256xf32, #tpu.memory_space<vmem_shared>>
      %dma_start3A_233 = arith.constant 0 : i32
      %dma_start3A_234 = tpu.memref_slice %arg17[%add3A_184, %dma_start3A_233] : memref<2508x256xf32, #tpu.memory_space<vmem_shared>> -> memref<26x256xf32, #tpu.memory_space<vmem_shared>>
      tpu.enqueue_dma source(%arg16 : memref<26x256xf32, #tpu.memory_space<vmem>>) target(%dma_start3A_234 : memref<26x256xf32, #tpu.memory_space<vmem_shared>>) target_semaphore(%run_scoped3A_231 : memref<!tpu.dma_semaphore, #tpu.memory_space<semaphore_mem>>)
      %dma_wait3A = arith.constant 0 : i32
      %dma_wait3A_235 = tpu.memref_slice %arg17[%add3A_184, %dma_wait3A] : memref<2508x256xf32, #tpu.memory_space<vmem_shared>> -> memref<26x256xf32, #tpu.memory_space<vmem_shared>>
      %dma_wait3A_236 = arith.constant 0 : i32
      %dma_wait3A_237 = tpu.memref_slice %arg17[%add3A_184, %dma_wait3A_236] : memref<2508x256xf32, #tpu.memory_space<vmem_shared>> -> memref<26x256xf32, #tpu.memory_space<vmem_shared>>
      tpu.wait_dma2 semaphore(%run_scoped3A_231 : memref<!tpu.dma_semaphore, #tpu.memory_space<semaphore_mem>>) src(%arg16 : memref<26x256xf32, #tpu.memory_space<vmem>>) dst(%dma_wait3A_237 : memref<26x256xf32, #tpu.memory_space<vmem_shared>>)
      tpu.yield
    }) : () -> ()
    "tpu.region"() ({
      %run_scoped3A_231 = tpu.sem_alloc : memref<!tpu.dma_semaphore, #tpu.memory_space<semaphore_mem>>
      %dma_start3A = arith.constant 16 : i32
      %dma_start3A_232 = arith.constant 0 : i32
      %dma_start3A_233 = tpu.memref_slice %arg15[%dma_start3A, %dma_start3A_232] : memref<42x8xf32, #tpu.memory_space<vmem>> -> memref<26x8xf32, #tpu.memory_space<vmem>>
      %dma_start3A_234 = arith.constant 0 : i32
      %dma_start3A_235 = tpu.memref_slice %arg18[%add3A_184, %dma_start3A_234] : memref<2508x8xf32, #tpu.memory_space<vmem_shared>> -> memref<26x8xf32, #tpu.memory_space<vmem_shared>>
      %dma_start3A_236 = arith.constant 0 : i32
      %dma_start3A_237 = tpu.memref_slice %arg18[%add3A_184, %dma_start3A_236] : memref<2508x8xf32, #tpu.memory_space<vmem_shared>> -> memref<26x8xf32, #tpu.memory_space<vmem_shared>>
      %dma_start3A_238 = arith.constant 16 : i32
      %dma_start3A_239 = arith.constant 0 : i32
      %dma_start3A_240 = tpu.memref_slice %arg15[%dma_start3A_238, %dma_start3A_239] : memref<42x8xf32, #tpu.memory_space<vmem>> -> memref<26x8xf32, #tpu.memory_space<vmem>>
      tpu.enqueue_dma source(%dma_start3A_240 : memref<26x8xf32, #tpu.memory_space<vmem>>) target(%dma_start3A_237 : memref<26x8xf32, #tpu.memory_space<vmem_shared>>) target_semaphore(%run_scoped3A_231 : memref<!tpu.dma_semaphore, #tpu.memory_space<semaphore_mem>>)
      %dma_wait3A = arith.constant 16 : i32
      %dma_wait3A_241 = arith.constant 0 : i32
      %dma_wait3A_242 = tpu.memref_slice %arg15[%dma_wait3A, %dma_wait3A_241] : memref<42x8xf32, #tpu.memory_space<vmem>> -> memref<26x8xf32, #tpu.memory_space<vmem>>
      %dma_wait3A_243 = arith.constant 0 : i32
      %dma_wait3A_244 = tpu.memref_slice %arg18[%add3A_184, %dma_wait3A_243] : memref<2508x8xf32, #tpu.memory_space<vmem_shared>> -> memref<26x8xf32, #tpu.memory_space<vmem_shared>>
      %dma_wait3A_245 = arith.constant 0 : i32
      %dma_wait3A_246 = tpu.memref_slice %arg18[%add3A_184, %dma_wait3A_245] : memref<2508x8xf32, #tpu.memory_space<vmem_shared>> -> memref<26x8xf32, #tpu.memory_space<vmem_shared>>
      %dma_wait3A_247 = arith.constant 16 : i32
      %dma_wait3A_248 = arith.constant 0 : i32
      %dma_wait3A_249 = tpu.memref_slice %arg15[%dma_wait3A_247, %dma_wait3A_248] : memref<42x8xf32, #tpu.memory_space<vmem>> -> memref<26x8xf32, #tpu.memory_space<vmem>>
      tpu.wait_dma2 semaphore(%run_scoped3A_231 : memref<!tpu.dma_semaphore, #tpu.memory_space<semaphore_mem>>) src(%dma_wait3A_249 : memref<26x8xf32, #tpu.memory_space<vmem>>) dst(%dma_wait3A_246 : memref<26x8xf32, #tpu.memory_space<vmem_shared>>)
      tpu.yield
    }) : () -> ()
    %mul3A_185 = arith.constant 156 : i32
    %mul3A_186 = arith.muli %arg1, %mul3A_185 : i32
    %add3A_187 = arith.constant 104 : i32
    %add3A_188 = arith.addi %mul3A_186, %add3A_187 : i32
    "tpu.region"() ({
      %run_scoped3A_231 = tpu.sem_alloc : memref<!tpu.dma_semaphore, #tpu.memory_space<semaphore_mem>>
      %dma_start3A = arith.constant 0 : i32
      %dma_start3A_232 = tpu.memref_slice %arg17[%add3A_188, %dma_start3A] : memref<2508x256xf32, #tpu.memory_space<vmem_shared>> -> memref<26x256xf32, #tpu.memory_space<vmem_shared>>
      %dma_start3A_233 = arith.constant 0 : i32
      %dma_start3A_234 = tpu.memref_slice %arg17[%add3A_188, %dma_start3A_233] : memref<2508x256xf32, #tpu.memory_space<vmem_shared>> -> memref<26x256xf32, #tpu.memory_space<vmem_shared>>
      tpu.enqueue_dma source(%arg16 : memref<26x256xf32, #tpu.memory_space<vmem>>) target(%dma_start3A_234 : memref<26x256xf32, #tpu.memory_space<vmem_shared>>) target_semaphore(%run_scoped3A_231 : memref<!tpu.dma_semaphore, #tpu.memory_space<semaphore_mem>>)
      %dma_wait3A = arith.constant 0 : i32
      %dma_wait3A_235 = tpu.memref_slice %arg17[%add3A_188, %dma_wait3A] : memref<2508x256xf32, #tpu.memory_space<vmem_shared>> -> memref<26x256xf32, #tpu.memory_space<vmem_shared>>
      %dma_wait3A_236 = arith.constant 0 : i32
      %dma_wait3A_237 = tpu.memref_slice %arg17[%add3A_188, %dma_wait3A_236] : memref<2508x256xf32, #tpu.memory_space<vmem_shared>> -> memref<26x256xf32, #tpu.memory_space<vmem_shared>>
      tpu.wait_dma2 semaphore(%run_scoped3A_231 : memref<!tpu.dma_semaphore, #tpu.memory_space<semaphore_mem>>) src(%arg16 : memref<26x256xf32, #tpu.memory_space<vmem>>) dst(%dma_wait3A_237 : memref<26x256xf32, #tpu.memory_space<vmem_shared>>)
      tpu.yield
    }) : () -> ()
    "tpu.region"() ({
      %run_scoped3A_231 = tpu.sem_alloc : memref<!tpu.dma_semaphore, #tpu.memory_space<semaphore_mem>>
      %dma_start3A = arith.constant 16 : i32
      %dma_start3A_232 = arith.constant 0 : i32
      %dma_start3A_233 = tpu.memref_slice %arg15[%dma_start3A, %dma_start3A_232] : memref<42x8xf32, #tpu.memory_space<vmem>> -> memref<26x8xf32, #tpu.memory_space<vmem>>
      %dma_start3A_234 = arith.constant 0 : i32
      %dma_start3A_235 = tpu.memref_slice %arg18[%add3A_188, %dma_start3A_234] : memref<2508x8xf32, #tpu.memory_space<vmem_shared>> -> memref<26x8xf32, #tpu.memory_space<vmem_shared>>
      %dma_start3A_236 = arith.constant 0 : i32
      %dma_start3A_237 = tpu.memref_slice %arg18[%add3A_188, %dma_start3A_236] : memref<2508x8xf32, #tpu.memory_space<vmem_shared>> -> memref<26x8xf32, #tpu.memory_space<vmem_shared>>
      %dma_start3A_238 = arith.constant 16 : i32
      %dma_start3A_239 = arith.constant 0 : i32
      %dma_start3A_240 = tpu.memref_slice %arg15[%dma_start3A_238, %dma_start3A_239] : memref<42x8xf32, #tpu.memory_space<vmem>> -> memref<26x8xf32, #tpu.memory_space<vmem>>
      tpu.enqueue_dma source(%dma_start3A_240 : memref<26x8xf32, #tpu.memory_space<vmem>>) target(%dma_start3A_237 : memref<26x8xf32, #tpu.memory_space<vmem_shared>>) target_semaphore(%run_scoped3A_231 : memref<!tpu.dma_semaphore, #tpu.memory_space<semaphore_mem>>)
      %dma_wait3A = arith.constant 16 : i32
      %dma_wait3A_241 = arith.constant 0 : i32
      %dma_wait3A_242 = tpu.memref_slice %arg15[%dma_wait3A, %dma_wait3A_241] : memref<42x8xf32, #tpu.memory_space<vmem>> -> memref<26x8xf32, #tpu.memory_space<vmem>>
      %dma_wait3A_243 = arith.constant 0 : i32
      %dma_wait3A_244 = tpu.memref_slice %arg18[%add3A_188, %dma_wait3A_243] : memref<2508x8xf32, #tpu.memory_space<vmem_shared>> -> memref<26x8xf32, #tpu.memory_space<vmem_shared>>
      %dma_wait3A_245 = arith.constant 0 : i32
      %dma_wait3A_246 = tpu.memref_slice %arg18[%add3A_188, %dma_wait3A_245] : memref<2508x8xf32, #tpu.memory_space<vmem_shared>> -> memref<26x8xf32, #tpu.memory_space<vmem_shared>>
      %dma_wait3A_247 = arith.constant 16 : i32
      %dma_wait3A_248 = arith.constant 0 : i32
      %dma_wait3A_249 = tpu.memref_slice %arg15[%dma_wait3A_247, %dma_wait3A_248] : memref<42x8xf32, #tpu.memory_space<vmem>> -> memref<26x8xf32, #tpu.memory_space<vmem>>
      tpu.wait_dma2 semaphore(%run_scoped3A_231 : memref<!tpu.dma_semaphore, #tpu.memory_space<semaphore_mem>>) src(%dma_wait3A_249 : memref<26x8xf32, #tpu.memory_space<vmem>>) dst(%dma_wait3A_246 : memref<26x8xf32, #tpu.memory_space<vmem_shared>>)
      tpu.yield
    }) : () -> ()
    %mul3A_189 = arith.constant 156 : i32
    %mul3A_190 = arith.muli %arg1, %mul3A_189 : i32
    %add3A_191 = arith.constant 130 : i32
    %add3A_192 = arith.addi %mul3A_190, %add3A_191 : i32
    "tpu.region"() ({
      %run_scoped3A_231 = tpu.sem_alloc : memref<!tpu.dma_semaphore, #tpu.memory_space<semaphore_mem>>
      %dma_start3A = arith.constant 0 : i32
      %dma_start3A_232 = tpu.memref_slice %arg17[%add3A_192, %dma_start3A] : memref<2508x256xf32, #tpu.memory_space<vmem_shared>> -> memref<26x256xf32, #tpu.memory_space<vmem_shared>>
      %dma_start3A_233 = arith.constant 0 : i32
      %dma_start3A_234 = tpu.memref_slice %arg17[%add3A_192, %dma_start3A_233] : memref<2508x256xf32, #tpu.memory_space<vmem_shared>> -> memref<26x256xf32, #tpu.memory_space<vmem_shared>>
      tpu.enqueue_dma source(%arg16 : memref<26x256xf32, #tpu.memory_space<vmem>>) target(%dma_start3A_234 : memref<26x256xf32, #tpu.memory_space<vmem_shared>>) target_semaphore(%run_scoped3A_231 : memref<!tpu.dma_semaphore, #tpu.memory_space<semaphore_mem>>)
      %dma_wait3A = arith.constant 0 : i32
      %dma_wait3A_235 = tpu.memref_slice %arg17[%add3A_192, %dma_wait3A] : memref<2508x256xf32, #tpu.memory_space<vmem_shared>> -> memref<26x256xf32, #tpu.memory_space<vmem_shared>>
      %dma_wait3A_236 = arith.constant 0 : i32
      %dma_wait3A_237 = tpu.memref_slice %arg17[%add3A_192, %dma_wait3A_236] : memref<2508x256xf32, #tpu.memory_space<vmem_shared>> -> memref<26x256xf32, #tpu.memory_space<vmem_shared>>
      tpu.wait_dma2 semaphore(%run_scoped3A_231 : memref<!tpu.dma_semaphore, #tpu.memory_space<semaphore_mem>>) src(%arg16 : memref<26x256xf32, #tpu.memory_space<vmem>>) dst(%dma_wait3A_237 : memref<26x256xf32, #tpu.memory_space<vmem_shared>>)
      tpu.yield
    }) : () -> ()
    "tpu.region"() ({
      %run_scoped3A_231 = tpu.sem_alloc : memref<!tpu.dma_semaphore, #tpu.memory_space<semaphore_mem>>
      %dma_start3A = arith.constant 16 : i32
      %dma_start3A_232 = arith.constant 0 : i32
      %dma_start3A_233 = tpu.memref_slice %arg15[%dma_start3A, %dma_start3A_232] : memref<42x8xf32, #tpu.memory_space<vmem>> -> memref<26x8xf32, #tpu.memory_space<vmem>>
      %dma_start3A_234 = arith.constant 0 : i32
      %dma_start3A_235 = tpu.memref_slice %arg18[%add3A_192, %dma_start3A_234] : memref<2508x8xf32, #tpu.memory_space<vmem_shared>> -> memref<26x8xf32, #tpu.memory_space<vmem_shared>>
      %dma_start3A_236 = arith.constant 0 : i32
      %dma_start3A_237 = tpu.memref_slice %arg18[%add3A_192, %dma_start3A_236] : memref<2508x8xf32, #tpu.memory_space<vmem_shared>> -> memref<26x8xf32, #tpu.memory_space<vmem_shared>>
      %dma_start3A_238 = arith.constant 16 : i32
      %dma_start3A_239 = arith.constant 0 : i32
      %dma_start3A_240 = tpu.memref_slice %arg15[%dma_start3A_238, %dma_start3A_239] : memref<42x8xf32, #tpu.memory_space<vmem>> -> memref<26x8xf32, #tpu.memory_space<vmem>>
      tpu.enqueue_dma source(%dma_start3A_240 : memref<26x8xf32, #tpu.memory_space<vmem>>) target(%dma_start3A_237 : memref<26x8xf32, #tpu.memory_space<vmem_shared>>) target_semaphore(%run_scoped3A_231 : memref<!tpu.dma_semaphore, #tpu.memory_space<semaphore_mem>>)
      %dma_wait3A = arith.constant 16 : i32
      %dma_wait3A_241 = arith.constant 0 : i32
      %dma_wait3A_242 = tpu.memref_slice %arg15[%dma_wait3A, %dma_wait3A_241] : memref<42x8xf32, #tpu.memory_space<vmem>> -> memref<26x8xf32, #tpu.memory_space<vmem>>
      %dma_wait3A_243 = arith.constant 0 : i32
      %dma_wait3A_244 = tpu.memref_slice %arg18[%add3A_192, %dma_wait3A_243] : memref<2508x8xf32, #tpu.memory_space<vmem_shared>> -> memref<26x8xf32, #tpu.memory_space<vmem_shared>>
      %dma_wait3A_245 = arith.constant 0 : i32
      %dma_wait3A_246 = tpu.memref_slice %arg18[%add3A_192, %dma_wait3A_245] : memref<2508x8xf32, #tpu.memory_space<vmem_shared>> -> memref<26x8xf32, #tpu.memory_space<vmem_shared>>
      %dma_wait3A_247 = arith.constant 16 : i32
      %dma_wait3A_248 = arith.constant 0 : i32
      %dma_wait3A_249 = tpu.memref_slice %arg15[%dma_wait3A_247, %dma_wait3A_248] : memref<42x8xf32, #tpu.memory_space<vmem>> -> memref<26x8xf32, #tpu.memory_space<vmem>>
      tpu.wait_dma2 semaphore(%run_scoped3A_231 : memref<!tpu.dma_semaphore, #tpu.memory_space<semaphore_mem>>) src(%dma_wait3A_249 : memref<26x8xf32, #tpu.memory_space<vmem>>) dst(%dma_wait3A_246 : memref<26x8xf32, #tpu.memory_space<vmem_shared>>)
      tpu.yield
    }) : () -> ()
    %eq3A_193 = arith.constant 15 : i32
    %eq3A_194 = arith.cmpi eq, %arg1, %eq3A_193 : i32
    %convert_element_type3A_195 = arith.extui %eq3A_194 : i1 to i32
    %cond3A_196 = arith.constant 0 : i32
    %cond3A_197 = arith.cmpi ne, %convert_element_type3A_195, %cond3A_196 : i32
    scf.if %cond3A_197 {
      "tpu.region"() ({
        %run_scoped3A_231 = tpu.sem_alloc : memref<!tpu.dma_semaphore, #tpu.memory_space<semaphore_mem>>
        %dma_start3A = arith.constant 0 : i32
        %dma_start3A_232 = arith.constant 0 : i32
        %dma_start3A_233 = tpu.memref_slice %arg16[%dma_start3A, %dma_start3A_232] : memref<26x256xf32, #tpu.memory_space<vmem>> -> memref<12x256xf32, #tpu.memory_space<vmem>>
        %dma_start3A_234 = arith.constant 2496 : i32
        %dma_start3A_235 = arith.constant 0 : i32
        %dma_start3A_236 = tpu.memref_slice %arg17[%dma_start3A_234, %dma_start3A_235] : memref<2508x256xf32, #tpu.memory_space<vmem_shared>> -> memref<12x256xf32, #tpu.memory_space<vmem_shared>>
        %dma_start3A_237 = arith.constant 2496 : i32
        %dma_start3A_238 = arith.constant 0 : i32
        %dma_start3A_239 = tpu.memref_slice %arg17[%dma_start3A_237, %dma_start3A_238] : memref<2508x256xf32, #tpu.memory_space<vmem_shared>> -> memref<12x256xf32, #tpu.memory_space<vmem_shared>>
        %dma_start3A_240 = arith.constant 0 : i32
        %dma_start3A_241 = arith.constant 0 : i32
        %dma_start3A_242 = tpu.memref_slice %arg16[%dma_start3A_240, %dma_start3A_241] : memref<26x256xf32, #tpu.memory_space<vmem>> -> memref<12x256xf32, #tpu.memory_space<vmem>>
        tpu.enqueue_dma source(%dma_start3A_242 : memref<12x256xf32, #tpu.memory_space<vmem>>) target(%dma_start3A_239 : memref<12x256xf32, #tpu.memory_space<vmem_shared>>) target_semaphore(%run_scoped3A_231 : memref<!tpu.dma_semaphore, #tpu.memory_space<semaphore_mem>>)
        %dma_wait3A = arith.constant 0 : i32
        %dma_wait3A_243 = arith.constant 0 : i32
        %dma_wait3A_244 = tpu.memref_slice %arg16[%dma_wait3A, %dma_wait3A_243] : memref<26x256xf32, #tpu.memory_space<vmem>> -> memref<12x256xf32, #tpu.memory_space<vmem>>
        %dma_wait3A_245 = arith.constant 2496 : i32
        %dma_wait3A_246 = arith.constant 0 : i32
        %dma_wait3A_247 = tpu.memref_slice %arg17[%dma_wait3A_245, %dma_wait3A_246] : memref<2508x256xf32, #tpu.memory_space<vmem_shared>> -> memref<12x256xf32, #tpu.memory_space<vmem_shared>>
        %dma_wait3A_248 = arith.constant 2496 : i32
        %dma_wait3A_249 = arith.constant 0 : i32
        %dma_wait3A_250 = tpu.memref_slice %arg17[%dma_wait3A_248, %dma_wait3A_249] : memref<2508x256xf32, #tpu.memory_space<vmem_shared>> -> memref<12x256xf32, #tpu.memory_space<vmem_shared>>
        %dma_wait3A_251 = arith.constant 0 : i32
        %dma_wait3A_252 = arith.constant 0 : i32
        %dma_wait3A_253 = tpu.memref_slice %arg16[%dma_wait3A_251, %dma_wait3A_252] : memref<26x256xf32, #tpu.memory_space<vmem>> -> memref<12x256xf32, #tpu.memory_space<vmem>>
        tpu.wait_dma2 semaphore(%run_scoped3A_231 : memref<!tpu.dma_semaphore, #tpu.memory_space<semaphore_mem>>) src(%dma_wait3A_253 : memref<12x256xf32, #tpu.memory_space<vmem>>) dst(%dma_wait3A_250 : memref<12x256xf32, #tpu.memory_space<vmem_shared>>)
        tpu.yield
      }) : () -> ()
      "tpu.region"() ({
        %run_scoped3A_231 = tpu.sem_alloc : memref<!tpu.dma_semaphore, #tpu.memory_space<semaphore_mem>>
        %dma_start3A = arith.constant 16 : i32
        %dma_start3A_232 = arith.constant 0 : i32
        %dma_start3A_233 = tpu.memref_slice %arg15[%dma_start3A, %dma_start3A_232] : memref<42x8xf32, #tpu.memory_space<vmem>> -> memref<12x8xf32, #tpu.memory_space<vmem>>
        %dma_start3A_234 = arith.constant 2496 : i32
        %dma_start3A_235 = arith.constant 0 : i32
        %dma_start3A_236 = tpu.memref_slice %arg18[%dma_start3A_234, %dma_start3A_235] : memref<2508x8xf32, #tpu.memory_space<vmem_shared>> -> memref<12x8xf32, #tpu.memory_space<vmem_shared>>
        %dma_start3A_237 = arith.constant 2496 : i32
        %dma_start3A_238 = arith.constant 0 : i32
        %dma_start3A_239 = tpu.memref_slice %arg18[%dma_start3A_237, %dma_start3A_238] : memref<2508x8xf32, #tpu.memory_space<vmem_shared>> -> memref<12x8xf32, #tpu.memory_space<vmem_shared>>
        %dma_start3A_240 = arith.constant 16 : i32
        %dma_start3A_241 = arith.constant 0 : i32
        %dma_start3A_242 = tpu.memref_slice %arg15[%dma_start3A_240, %dma_start3A_241] : memref<42x8xf32, #tpu.memory_space<vmem>> -> memref<12x8xf32, #tpu.memory_space<vmem>>
        tpu.enqueue_dma source(%dma_start3A_242 : memref<12x8xf32, #tpu.memory_space<vmem>>) target(%dma_start3A_239 : memref<12x8xf32, #tpu.memory_space<vmem_shared>>) target_semaphore(%run_scoped3A_231 : memref<!tpu.dma_semaphore, #tpu.memory_space<semaphore_mem>>)
        %dma_wait3A = arith.constant 16 : i32
        %dma_wait3A_243 = arith.constant 0 : i32
        %dma_wait3A_244 = tpu.memref_slice %arg15[%dma_wait3A, %dma_wait3A_243] : memref<42x8xf32, #tpu.memory_space<vmem>> -> memref<12x8xf32, #tpu.memory_space<vmem>>
        %dma_wait3A_245 = arith.constant 2496 : i32
        %dma_wait3A_246 = arith.constant 0 : i32
        %dma_wait3A_247 = tpu.memref_slice %arg18[%dma_wait3A_245, %dma_wait3A_246] : memref<2508x8xf32, #tpu.memory_space<vmem_shared>> -> memref<12x8xf32, #tpu.memory_space<vmem_shared>>
        %dma_wait3A_248 = arith.constant 2496 : i32
        %dma_wait3A_249 = arith.constant 0 : i32
        %dma_wait3A_250 = tpu.memref_slice %arg18[%dma_wait3A_248, %dma_wait3A_249] : memref<2508x8xf32, #tpu.memory_space<vmem_shared>> -> memref<12x8xf32, #tpu.memory_space<vmem_shared>>
        %dma_wait3A_251 = arith.constant 16 : i32
        %dma_wait3A_252 = arith.constant 0 : i32
        %dma_wait3A_253 = tpu.memref_slice %arg15[%dma_wait3A_251, %dma_wait3A_252] : memref<42x8xf32, #tpu.memory_space<vmem>> -> memref<12x8xf32, #tpu.memory_space<vmem>>
        tpu.wait_dma2 semaphore(%run_scoped3A_231 : memref<!tpu.dma_semaphore, #tpu.memory_space<semaphore_mem>>) src(%dma_wait3A_253 : memref<12x8xf32, #tpu.memory_space<vmem>>) dst(%dma_wait3A_250 : memref<12x8xf32, #tpu.memory_space<vmem_shared>>)
        tpu.yield
      }) : () -> ()
    } else {
    }
    %barrier3A_198 = arith.constant 0 : index
    tpu.barrier barrier_id(%barrier3A_198)
    %gt3A_199 = arith.constant 0 : i32
    %gt3A_200 = arith.cmpi sgt, %select_n3A_168, %gt3A_199 : i32
    %convert_element_type3A_201 = arith.extui %gt3A_200 : i1 to i32
    %cond3A_202 = arith.constant 0 : i32
    %cond3A_203 = arith.cmpi ne, %convert_element_type3A_201, %cond3A_202 : i32
    scf.if %cond3A_203 {
      %dma_start3A = arith.constant 0 : i32
      %dma_start3A_231 = tpu.memref_slice %arg9[%dma_start3A] : memref<10032xi32, #tpu.memory_space<vmem>> -> memref<16xi32, #tpu.memory_space<vmem>>
      %dma_start3A_232 = arith.constant 0 : i32
      %dma_start3A_233 = arith.constant 0 : i32
      %dma_start3A_234 = tpu.memref_slice %arg2[%dma_start3A_232, %dma_start3A_233] : memref<10000x256xf32, #tpu.memory_space<hbm>> -> memref<10000x256xf32, #tpu.memory_space<hbm>>
      tpu.enqueue_indirect_dma source(%dma_start3A_234 : memref<10000x256xf32, #tpu.memory_space<hbm>>) target(%arg13 : memref<16x256xf32, #tpu.memory_space<vmem>>) offsets(%dma_start3A_231 : memref<16xi32, #tpu.memory_space<vmem>>) semaphore(%arg19 : memref<!tpu.dma_semaphore, #tpu.memory_space<semaphore_mem>>)
    } else {
    }
    %while3A_204 = arith.constant 0 : i32
    %while3A_205 = arith.constant 0 : i32
    %while3A_206 = arith.subi %select_n3A_168, %while3A_204 : i32
    %while3A_207 = arith.addi %while3A_204, %while3A_206 : i32
    %while3A_208 = arith.constant 1 : i32
    %while3A_209 = arith.divsi %while3A_206, %while3A_208 : i32
    %while3A_210 = arith.muli %while3A_209, %while3A_208 : i32
    %while3A_211 = arith.addi %while3A_204, %while3A_210 : i32
    %while3A_212 = arith.constant 1 : i32
    %while3A_213 = scf.for %while3A_231 = %while3A_204 to %while3A_211 step %while3A_212 iter_args(%while3A_232 = %while3A_205) -> (i32)  : i32 {
      %mul3A_233 = arith.constant 2 : i32
      %mul3A_234 = arith.muli %mul3A_233, %while3A_231 : i32
      %add3A_235 = arith.constant 1 : i32
      %add3A_236 = arith.addi %mul3A_234, %add3A_235 : i32
      %mul3A_237 = arith.constant 16 : i32
      %mul3A_238 = arith.muli %add3A_236, %mul3A_237 : i32
      %dma_start3A = tpu.memref_slice %arg9[%mul3A_238] : memref<10032xi32, #tpu.memory_space<vmem>> -> memref<16xi32, #tpu.memory_space<vmem>>
      %dma_start3A_239 = arith.constant 0 : i32
      %dma_start3A_240 = arith.constant 0 : i32
      %dma_start3A_241 = tpu.memref_slice %arg2[%dma_start3A_239, %dma_start3A_240] : memref<10000x256xf32, #tpu.memory_space<hbm>> -> memref<10000x256xf32, #tpu.memory_space<hbm>>
      tpu.enqueue_indirect_dma source(%dma_start3A_241 : memref<10000x256xf32, #tpu.memory_space<hbm>>) target(%arg14 : memref<16x256xf32, #tpu.memory_space<vmem>>) offsets(%dma_start3A : memref<16xi32, #tpu.memory_space<vmem>>) semaphore(%arg20 : memref<!tpu.dma_semaphore, #tpu.memory_space<semaphore_mem>>)
      %dma_wait3A = arith.constant 0 : i32
      %dma_wait3A_242 = arith.constant 0 : i32
      %dma_wait3A_243 = tpu.memref_slice %arg2[%dma_wait3A, %dma_wait3A_242] : memref<10000x256xf32, #tpu.memory_space<hbm>> -> memref<16x256xf32, #tpu.memory_space<hbm>>
      %dma_wait3A_244 = arith.constant 0 : i32
      %dma_wait3A_245 = arith.constant 0 : i32
      %dma_wait3A_246 = tpu.memref_slice %arg2[%dma_wait3A_244, %dma_wait3A_245] : memref<10000x256xf32, #tpu.memory_space<hbm>> -> memref<16x256xf32, #tpu.memory_space<hbm>>
      tpu.wait_dma2 semaphore(%arg19 : memref<!tpu.dma_semaphore, #tpu.memory_space<semaphore_mem>>) src(%dma_wait3A_246 : memref<16x256xf32, #tpu.memory_space<hbm>>) dst(%arg13 : memref<16x256xf32, #tpu.memory_space<vmem>>)
      %gt3A_247 = arith.constant 0 : i32
      %gt3A_248 = arith.cmpi sgt, %while3A_231, %gt3A_247 : i32
      %convert_element_type3A_249 = arith.extui %gt3A_248 : i1 to i32
      %cond3A_250 = arith.constant 0 : i32
      %cond3A_251 = arith.cmpi ne, %convert_element_type3A_249, %cond3A_250 : i32
      scf.if %cond3A_251 {
        %dma_wait3A_300 = arith.constant 0 : i32
        %dma_wait3A_301 = arith.constant 0 : i32
        %dma_wait3A_302 = tpu.memref_slice %arg15[%dma_wait3A_300, %dma_wait3A_301] : memref<42x8xf32, #tpu.memory_space<vmem>> -> memref<16x8xf32, #tpu.memory_space<vmem>>
        %dma_wait3A_303 = arith.constant 0 : i32
        %dma_wait3A_304 = arith.constant 0 : i32
        %dma_wait3A_305 = tpu.memref_slice %arg18[%dma_wait3A_303, %dma_wait3A_304] : memref<2508x8xf32, #tpu.memory_space<vmem_shared>> -> memref<2508x8xf32, #tpu.memory_space<vmem_shared>>
        tpu.wait_indirect_dma semaphore(%arg21 : memref<!tpu.dma_semaphore, #tpu.memory_space<semaphore_mem>>) src(%dma_wait3A_302 : memref<16x8xf32, #tpu.memory_space<vmem>>) dst(%dma_wait3A_305 : memref<2508x8xf32, #tpu.memory_space<vmem_shared>>)
      } else {
      }
      %mul3A_252 = arith.constant 16 : i32
      %mul3A_253 = arith.muli %mul3A_234, %mul3A_252 : i32
      %add3A_254 = arith.constant 0 : i32
      %add3A_255 = arith.addi %mul3A_253, %add3A_254 : i32
      %get3A = arith.index_cast %add3A_255 : i32 to index
      %get3A_256 = tpu.vector_load %arg10[%get3A] {strides = array<i32>} : memref<10032xi32, #tpu.memory_space<vmem>>, vector<16xi32>,
      %swap3A_257 = arith.constant 0 : index
      %swap3A_258 = tpu.vector_load %arg11[%swap3A_257] {strides = array<i32>} : memref<16xi32, #tpu.memory_space<vmem>>, vector<16xi32>,
      tpu.vector_store %arg11[%swap3A_257], %get3A_256 {strides = array<i32>} : memref<16xi32, #tpu.memory_space<vmem>>, vector<16xi32>,
      %dma_start3A_259 = arith.constant 0 : i32
      %dma_start3A_260 = arith.constant 0 : i32
      %dma_start3A_261 = tpu.memref_slice %arg15[%dma_start3A_259, %dma_start3A_260] : memref<42x8xf32, #tpu.memory_space<vmem>> -> memref<16x8xf32, #tpu.memory_space<vmem>>
      %dma_start3A_262 = arith.constant 0 : i32
      %dma_start3A_263 = arith.constant 0 : i32
      %dma_start3A_264 = tpu.memref_slice %arg18[%dma_start3A_262, %dma_start3A_263] : memref<2508x8xf32, #tpu.memory_space<vmem_shared>> -> memref<2508x8xf32, #tpu.memory_space<vmem_shared>>
      tpu.enqueue_indirect_dma source(%dma_start3A_261 : memref<16x8xf32, #tpu.memory_space<vmem>>) target(%dma_start3A_264 : memref<2508x8xf32, #tpu.memory_space<vmem_shared>>) offsets(%arg11 : memref<16xi32, #tpu.memory_space<vmem>>) semaphore(%arg21 : memref<!tpu.dma_semaphore, #tpu.memory_space<semaphore_mem>>) {add = true}
      "tpu.region"() ({
        %run_scoped3A_300 = tpu.sem_alloc : memref<!tpu.dma_semaphore, #tpu.memory_space<semaphore_mem>>
        %dma_start3A_301 = arith.constant 0 : i32
        %dma_start3A_302 = arith.constant 0 : i32
        %dma_start3A_303 = tpu.memref_slice %arg17[%dma_start3A_301, %dma_start3A_302] : memref<2508x256xf32, #tpu.memory_space<vmem_shared>> -> memref<2508x256xf32, #tpu.memory_space<vmem_shared>>
        tpu.enqueue_indirect_dma source(%arg13 : memref<16x256xf32, #tpu.memory_space<vmem>>) target(%dma_start3A_303 : memref<2508x256xf32, #tpu.memory_space<vmem_shared>>) offsets(%arg11 : memref<16xi32, #tpu.memory_space<vmem>>) semaphore(%run_scoped3A_300 : memref<!tpu.dma_semaphore, #tpu.memory_space<semaphore_mem>>) {add = true}
        %dma_wait3A_304 = arith.constant 0 : i32
        %dma_wait3A_305 = arith.constant 0 : i32
        %dma_wait3A_306 = tpu.memref_slice %arg17[%dma_wait3A_304, %dma_wait3A_305] : memref<2508x256xf32, #tpu.memory_space<vmem_shared>> -> memref<2508x256xf32, #tpu.memory_space<vmem_shared>>
        tpu.wait_indirect_dma semaphore(%run_scoped3A_300 : memref<!tpu.dma_semaphore, #tpu.memory_space<semaphore_mem>>) src(%arg13 : memref<16x256xf32, #tpu.memory_space<vmem>>) dst(%dma_wait3A_306 : memref<2508x256xf32, #tpu.memory_space<vmem_shared>>)
        tpu.yield
      }) : () -> ()
      %add3A_265 = arith.constant 1 : i32
      %add3A_266 = arith.addi %while3A_231, %add3A_265 : i32
      %lt3A = arith.cmpi slt, %add3A_266, %select_n3A_168 : i32
      %convert_element_type3A_267 = arith.extui %lt3A : i1 to i32
      %cond3A_268 = arith.constant 0 : i32
      %cond3A_269 = arith.cmpi ne, %convert_element_type3A_267, %cond3A_268 : i32
      scf.if %cond3A_269 {
        %add3A_300 = arith.constant 2 : i32
        %add3A_301 = arith.addi %mul3A_234, %add3A_300 : i32
        %mul3A_302 = arith.constant 16 : i32
        %mul3A_303 = arith.muli %add3A_301, %mul3A_302 : i32
        %dma_start3A_304 = tpu.memref_slice %arg9[%mul3A_303] : memref<10032xi32, #tpu.memory_space<vmem>> -> memref<16xi32, #tpu.memory_space<vmem>>
        %dma_start3A_305 = arith.constant 0 : i32
        %dma_start3A_306 = arith.constant 0 : i32
        %dma_start3A_307 = tpu.memref_slice %arg2[%dma_start3A_305, %dma_start3A_306] : memref<10000x256xf32, #tpu.memory_space<hbm>> -> memref<10000x256xf32, #tpu.memory_space<hbm>>
        tpu.enqueue_indirect_dma source(%dma_start3A_307 : memref<10000x256xf32, #tpu.memory_space<hbm>>) target(%arg13 : memref<16x256xf32, #tpu.memory_space<vmem>>) offsets(%dma_start3A_304 : memref<16xi32, #tpu.memory_space<vmem>>) semaphore(%arg19 : memref<!tpu.dma_semaphore, #tpu.memory_space<semaphore_mem>>)
      } else {
      }
      %add3A_270 = arith.constant 1 : i32
      %add3A_271 = arith.addi %mul3A_234, %add3A_270 : i32
      %dma_wait3A_272 = arith.constant 0 : i32
      %dma_wait3A_273 = arith.constant 0 : i32
      %dma_wait3A_274 = tpu.memref_slice %arg2[%dma_wait3A_272, %dma_wait3A_273] : memref<10000x256xf32, #tpu.memory_space<hbm>> -> memref<16x256xf32, #tpu.memory_space<hbm>>
      %dma_wait3A_275 = arith.constant 0 : i32
      %dma_wait3A_276 = arith.constant 0 : i32
      %dma_wait3A_277 = tpu.memref_slice %arg2[%dma_wait3A_275, %dma_wait3A_276] : memref<10000x256xf32, #tpu.memory_space<hbm>> -> memref<16x256xf32, #tpu.memory_space<hbm>>
      tpu.wait_dma2 semaphore(%arg20 : memref<!tpu.dma_semaphore, #tpu.memory_space<semaphore_mem>>) src(%dma_wait3A_277 : memref<16x256xf32, #tpu.memory_space<hbm>>) dst(%arg14 : memref<16x256xf32, #tpu.memory_space<vmem>>)
      %gt3A_278 = arith.constant 0 : i32
      %gt3A_279 = arith.cmpi sgt, %while3A_231, %gt3A_278 : i32
      %convert_element_type3A_280 = arith.extui %gt3A_279 : i1 to i32
      %cond3A_281 = arith.constant 0 : i32
      %cond3A_282 = arith.cmpi ne, %convert_element_type3A_280, %cond3A_281 : i32
      scf.if %cond3A_282 {
        %dma_wait3A_300 = arith.constant 0 : i32
        %dma_wait3A_301 = arith.constant 0 : i32
        %dma_wait3A_302 = tpu.memref_slice %arg15[%dma_wait3A_300, %dma_wait3A_301] : memref<42x8xf32, #tpu.memory_space<vmem>> -> memref<16x8xf32, #tpu.memory_space<vmem>>
        %dma_wait3A_303 = arith.constant 0 : i32
        %dma_wait3A_304 = arith.constant 0 : i32
        %dma_wait3A_305 = tpu.memref_slice %arg18[%dma_wait3A_303, %dma_wait3A_304] : memref<2508x8xf32, #tpu.memory_space<vmem_shared>> -> memref<2508x8xf32, #tpu.memory_space<vmem_shared>>
        tpu.wait_indirect_dma semaphore(%arg22 : memref<!tpu.dma_semaphore, #tpu.memory_space<semaphore_mem>>) src(%dma_wait3A_302 : memref<16x8xf32, #tpu.memory_space<vmem>>) dst(%dma_wait3A_305 : memref<2508x8xf32, #tpu.memory_space<vmem_shared>>)
      } else {
      }
      %add3A_283 = arith.constant 1 : i32
      %add3A_284 = arith.addi %mul3A_234, %add3A_283 : i32
      %mul3A_285 = arith.constant 16 : i32
      %mul3A_286 = arith.muli %add3A_284, %mul3A_285 : i32
      %add3A_287 = arith.constant 0 : i32
      %add3A_288 = arith.addi %mul3A_286, %add3A_287 : i32
      %get3A_289 = arith.index_cast %add3A_288 : i32 to index
      %get3A_290 = tpu.vector_load %arg10[%get3A_289] {strides = array<i32>} : memref<10032xi32, #tpu.memory_space<vmem>>, vector<16xi32>,
      %swap3A_291 = arith.constant 0 : index
      %swap3A_292 = tpu.vector_load %arg12[%swap3A_291] {strides = array<i32>} : memref<16xi32, #tpu.memory_space<vmem>>, vector<16xi32>,
      tpu.vector_store %arg12[%swap3A_291], %get3A_290 {strides = array<i32>} : memref<16xi32, #tpu.memory_space<vmem>>, vector<16xi32>,
      %dma_start3A_293 = arith.constant 0 : i32
      %dma_start3A_294 = arith.constant 0 : i32
      %dma_start3A_295 = tpu.memref_slice %arg15[%dma_start3A_293, %dma_start3A_294] : memref<42x8xf32, #tpu.memory_space<vmem>> -> memref<16x8xf32, #tpu.memory_space<vmem>>
      %dma_start3A_296 = arith.constant 0 : i32
      %dma_start3A_297 = arith.constant 0 : i32
      %dma_start3A_298 = tpu.memref_slice %arg18[%dma_start3A_296, %dma_start3A_297] : memref<2508x8xf32, #tpu.memory_space<vmem_shared>> -> memref<2508x8xf32, #tpu.memory_space<vmem_shared>>
      tpu.enqueue_indirect_dma source(%dma_start3A_295 : memref<16x8xf32, #tpu.memory_space<vmem>>) target(%dma_start3A_298 : memref<2508x8xf32, #tpu.memory_space<vmem_shared>>) offsets(%arg12 : memref<16xi32, #tpu.memory_space<vmem>>) semaphore(%arg22 : memref<!tpu.dma_semaphore, #tpu.memory_space<semaphore_mem>>) {add = true}
      "tpu.region"() ({
        %run_scoped3A_300 = tpu.sem_alloc : memref<!tpu.dma_semaphore, #tpu.memory_space<semaphore_mem>>
        %dma_start3A_301 = arith.constant 0 : i32
        %dma_start3A_302 = arith.constant 0 : i32
        %dma_start3A_303 = tpu.memref_slice %arg17[%dma_start3A_301, %dma_start3A_302] : memref<2508x256xf32, #tpu.memory_space<vmem_shared>> -> memref<2508x256xf32, #tpu.memory_space<vmem_shared>>
        tpu.enqueue_indirect_dma source(%arg14 : memref<16x256xf32, #tpu.memory_space<vmem>>) target(%dma_start3A_303 : memref<2508x256xf32, #tpu.memory_space<vmem_shared>>) offsets(%arg12 : memref<16xi32, #tpu.memory_space<vmem>>) semaphore(%run_scoped3A_300 : memref<!tpu.dma_semaphore, #tpu.memory_space<semaphore_mem>>) {add = true}
        %dma_wait3A_304 = arith.constant 0 : i32
        %dma_wait3A_305 = arith.constant 0 : i32
        %dma_wait3A_306 = tpu.memref_slice %arg17[%dma_wait3A_304, %dma_wait3A_305] : memref<2508x256xf32, #tpu.memory_space<vmem_shared>> -> memref<2508x256xf32, #tpu.memory_space<vmem_shared>>
        tpu.wait_indirect_dma semaphore(%run_scoped3A_300 : memref<!tpu.dma_semaphore, #tpu.memory_space<semaphore_mem>>) src(%arg14 : memref<16x256xf32, #tpu.memory_space<vmem>>) dst(%dma_wait3A_306 : memref<2508x256xf32, #tpu.memory_space<vmem_shared>>)
        tpu.yield
      }) : () -> ()
      %while3A_299 = arith.constant 0 : i32
      scf.yield %while3A_299 : i32
    }
    %while3A_214 = arith.constant 1 : i32
    %while3A_215 = scf.for %while3A_231 = %while3A_211 to %while3A_207 step %while3A_214 iter_args(%while3A_232 = %while3A_213) -> (i32)  : i32 {
      %mul3A_233 = arith.constant 2 : i32
      %mul3A_234 = arith.muli %mul3A_233, %while3A_231 : i32
      %add3A_235 = arith.constant 1 : i32
      %add3A_236 = arith.addi %mul3A_234, %add3A_235 : i32
      %mul3A_237 = arith.constant 16 : i32
      %mul3A_238 = arith.muli %add3A_236, %mul3A_237 : i32
      %dma_start3A = tpu.memref_slice %arg9[%mul3A_238] : memref<10032xi32, #tpu.memory_space<vmem>> -> memref<16xi32, #tpu.memory_space<vmem>>
      %dma_start3A_239 = arith.constant 0 : i32
      %dma_start3A_240 = arith.constant 0 : i32
      %dma_start3A_241 = tpu.memref_slice %arg2[%dma_start3A_239, %dma_start3A_240] : memref<10000x256xf32, #tpu.memory_space<hbm>> -> memref<10000x256xf32, #tpu.memory_space<hbm>>
      tpu.enqueue_indirect_dma source(%dma_start3A_241 : memref<10000x256xf32, #tpu.memory_space<hbm>>) target(%arg14 : memref<16x256xf32, #tpu.memory_space<vmem>>) offsets(%dma_start3A : memref<16xi32, #tpu.memory_space<vmem>>) semaphore(%arg20 : memref<!tpu.dma_semaphore, #tpu.memory_space<semaphore_mem>>)
      %dma_wait3A = arith.constant 0 : i32
      %dma_wait3A_242 = arith.constant 0 : i32
      %dma_wait3A_243 = tpu.memref_slice %arg2[%dma_wait3A, %dma_wait3A_242] : memref<10000x256xf32, #tpu.memory_space<hbm>> -> memref<16x256xf32, #tpu.memory_space<hbm>>
      %dma_wait3A_244 = arith.constant 0 : i32
      %dma_wait3A_245 = arith.constant 0 : i32
      %dma_wait3A_246 = tpu.memref_slice %arg2[%dma_wait3A_244, %dma_wait3A_245] : memref<10000x256xf32, #tpu.memory_space<hbm>> -> memref<16x256xf32, #tpu.memory_space<hbm>>
      tpu.wait_dma2 semaphore(%arg19 : memref<!tpu.dma_semaphore, #tpu.memory_space<semaphore_mem>>) src(%dma_wait3A_246 : memref<16x256xf32, #tpu.memory_space<hbm>>) dst(%arg13 : memref<16x256xf32, #tpu.memory_space<vmem>>)
      %gt3A_247 = arith.constant 0 : i32
      %gt3A_248 = arith.cmpi sgt, %while3A_231, %gt3A_247 : i32
      %convert_element_type3A_249 = arith.extui %gt3A_248 : i1 to i32
      %cond3A_250 = arith.constant 0 : i32
      %cond3A_251 = arith.cmpi ne, %convert_element_type3A_249, %cond3A_250 : i32
      scf.if %cond3A_251 {
        %dma_wait3A_300 = arith.constant 0 : i32
        %dma_wait3A_301 = arith.constant 0 : i32
        %dma_wait3A_302 = tpu.memref_slice %arg15[%dma_wait3A_300, %dma_wait3A_301] : memref<42x8xf32, #tpu.memory_space<vmem>> -> memref<16x8xf32, #tpu.memory_space<vmem>>
        %dma_wait3A_303 = arith.constant 0 : i32
        %dma_wait3A_304 = arith.constant 0 : i32
        %dma_wait3A_305 = tpu.memref_slice %arg18[%dma_wait3A_303, %dma_wait3A_304] : memref<2508x8xf32, #tpu.memory_space<vmem_shared>> -> memref<2508x8xf32, #tpu.memory_space<vmem_shared>>
        tpu.wait_indirect_dma semaphore(%arg21 : memref<!tpu.dma_semaphore, #tpu.memory_space<semaphore_mem>>) src(%dma_wait3A_302 : memref<16x8xf32, #tpu.memory_space<vmem>>) dst(%dma_wait3A_305 : memref<2508x8xf32, #tpu.memory_space<vmem_shared>>)
      } else {
      }
      %mul3A_252 = arith.constant 16 : i32
      %mul3A_253 = arith.muli %mul3A_234, %mul3A_252 : i32
      %add3A_254 = arith.constant 0 : i32
      %add3A_255 = arith.addi %mul3A_253, %add3A_254 : i32
      %get3A = arith.index_cast %add3A_255 : i32 to index
      %get3A_256 = tpu.vector_load %arg10[%get3A] {strides = array<i32>} : memref<10032xi32, #tpu.memory_space<vmem>>, vector<16xi32>,
      %swap3A_257 = arith.constant 0 : index
      %swap3A_258 = tpu.vector_load %arg11[%swap3A_257] {strides = array<i32>} : memref<16xi32, #tpu.memory_space<vmem>>, vector<16xi32>,
      tpu.vector_store %arg11[%swap3A_257], %get3A_256 {strides = array<i32>} : memref<16xi32, #tpu.memory_space<vmem>>, vector<16xi32>,
      %dma_start3A_259 = arith.constant 0 : i32
      %dma_start3A_260 = arith.constant 0 : i32
      %dma_start3A_261 = tpu.memref_slice %arg15[%dma_start3A_259, %dma_start3A_260] : memref<42x8xf32, #tpu.memory_space<vmem>> -> memref<16x8xf32, #tpu.memory_space<vmem>>
      %dma_start3A_262 = arith.constant 0 : i32
      %dma_start3A_263 = arith.constant 0 : i32
      %dma_start3A_264 = tpu.memref_slice %arg18[%dma_start3A_262, %dma_start3A_263] : memref<2508x8xf32, #tpu.memory_space<vmem_shared>> -> memref<2508x8xf32, #tpu.memory_space<vmem_shared>>
      tpu.enqueue_indirect_dma source(%dma_start3A_261 : memref<16x8xf32, #tpu.memory_space<vmem>>) target(%dma_start3A_264 : memref<2508x8xf32, #tpu.memory_space<vmem_shared>>) offsets(%arg11 : memref<16xi32, #tpu.memory_space<vmem>>) semaphore(%arg21 : memref<!tpu.dma_semaphore, #tpu.memory_space<semaphore_mem>>) {add = true}
      "tpu.region"() ({
        %run_scoped3A_300 = tpu.sem_alloc : memref<!tpu.dma_semaphore, #tpu.memory_space<semaphore_mem>>
        %dma_start3A_301 = arith.constant 0 : i32
        %dma_start3A_302 = arith.constant 0 : i32
        %dma_start3A_303 = tpu.memref_slice %arg17[%dma_start3A_301, %dma_start3A_302] : memref<2508x256xf32, #tpu.memory_space<vmem_shared>> -> memref<2508x256xf32, #tpu.memory_space<vmem_shared>>
        tpu.enqueue_indirect_dma source(%arg13 : memref<16x256xf32, #tpu.memory_space<vmem>>) target(%dma_start3A_303 : memref<2508x256xf32, #tpu.memory_space<vmem_shared>>) offsets(%arg11 : memref<16xi32, #tpu.memory_space<vmem>>) semaphore(%run_scoped3A_300 : memref<!tpu.dma_semaphore, #tpu.memory_space<semaphore_mem>>) {add = true}
        %dma_wait3A_304 = arith.constant 0 : i32
        %dma_wait3A_305 = arith.constant 0 : i32
        %dma_wait3A_306 = tpu.memref_slice %arg17[%dma_wait3A_304, %dma_wait3A_305] : memref<2508x256xf32, #tpu.memory_space<vmem_shared>> -> memref<2508x256xf32, #tpu.memory_space<vmem_shared>>
        tpu.wait_indirect_dma semaphore(%run_scoped3A_300 : memref<!tpu.dma_semaphore, #tpu.memory_space<semaphore_mem>>) src(%arg13 : memref<16x256xf32, #tpu.memory_space<vmem>>) dst(%dma_wait3A_306 : memref<2508x256xf32, #tpu.memory_space<vmem_shared>>)
        tpu.yield
      }) : () -> ()
      %add3A_265 = arith.constant 1 : i32
      %add3A_266 = arith.addi %while3A_231, %add3A_265 : i32
      %lt3A = arith.cmpi slt, %add3A_266, %select_n3A_168 : i32
      %convert_element_type3A_267 = arith.extui %lt3A : i1 to i32
      %cond3A_268 = arith.constant 0 : i32
      %cond3A_269 = arith.cmpi ne, %convert_element_type3A_267, %cond3A_268 : i32
      scf.if %cond3A_269 {
        %add3A_300 = arith.constant 2 : i32
        %add3A_301 = arith.addi %mul3A_234, %add3A_300 : i32
        %mul3A_302 = arith.constant 16 : i32
        %mul3A_303 = arith.muli %add3A_301, %mul3A_302 : i32
        %dma_start3A_304 = tpu.memref_slice %arg9[%mul3A_303] : memref<10032xi32, #tpu.memory_space<vmem>> -> memref<16xi32, #tpu.memory_space<vmem>>
        %dma_start3A_305 = arith.constant 0 : i32
        %dma_start3A_306 = arith.constant 0 : i32
        %dma_start3A_307 = tpu.memref_slice %arg2[%dma_start3A_305, %dma_start3A_306] : memref<10000x256xf32, #tpu.memory_space<hbm>> -> memref<10000x256xf32, #tpu.memory_space<hbm>>
        tpu.enqueue_indirect_dma source(%dma_start3A_307 : memref<10000x256xf32, #tpu.memory_space<hbm>>) target(%arg13 : memref<16x256xf32, #tpu.memory_space<vmem>>) offsets(%dma_start3A_304 : memref<16xi32, #tpu.memory_space<vmem>>) semaphore(%arg19 : memref<!tpu.dma_semaphore, #tpu.memory_space<semaphore_mem>>)
      } else {
      }
      %add3A_270 = arith.constant 1 : i32
      %add3A_271 = arith.addi %mul3A_234, %add3A_270 : i32
      %dma_wait3A_272 = arith.constant 0 : i32
      %dma_wait3A_273 = arith.constant 0 : i32
      %dma_wait3A_274 = tpu.memref_slice %arg2[%dma_wait3A_272, %dma_wait3A_273] : memref<10000x256xf32, #tpu.memory_space<hbm>> -> memref<16x256xf32, #tpu.memory_space<hbm>>
      %dma_wait3A_275 = arith.constant 0 : i32
      %dma_wait3A_276 = arith.constant 0 : i32
      %dma_wait3A_277 = tpu.memref_slice %arg2[%dma_wait3A_275, %dma_wait3A_276] : memref<10000x256xf32, #tpu.memory_space<hbm>> -> memref<16x256xf32, #tpu.memory_space<hbm>>
      tpu.wait_dma2 semaphore(%arg20 : memref<!tpu.dma_semaphore, #tpu.memory_space<semaphore_mem>>) src(%dma_wait3A_277 : memref<16x256xf32, #tpu.memory_space<hbm>>) dst(%arg14 : memref<16x256xf32, #tpu.memory_space<vmem>>)
      %gt3A_278 = arith.constant 0 : i32
      %gt3A_279 = arith.cmpi sgt, %while3A_231, %gt3A_278 : i32
      %convert_element_type3A_280 = arith.extui %gt3A_279 : i1 to i32
      %cond3A_281 = arith.constant 0 : i32
      %cond3A_282 = arith.cmpi ne, %convert_element_type3A_280, %cond3A_281 : i32
      scf.if %cond3A_282 {
        %dma_wait3A_300 = arith.constant 0 : i32
        %dma_wait3A_301 = arith.constant 0 : i32
        %dma_wait3A_302 = tpu.memref_slice %arg15[%dma_wait3A_300, %dma_wait3A_301] : memref<42x8xf32, #tpu.memory_space<vmem>> -> memref<16x8xf32, #tpu.memory_space<vmem>>
        %dma_wait3A_303 = arith.constant 0 : i32
        %dma_wait3A_304 = arith.constant 0 : i32
        %dma_wait3A_305 = tpu.memref_slice %arg18[%dma_wait3A_303, %dma_wait3A_304] : memref<2508x8xf32, #tpu.memory_space<vmem_shared>> -> memref<2508x8xf32, #tpu.memory_space<vmem_shared>>
        tpu.wait_indirect_dma semaphore(%arg22 : memref<!tpu.dma_semaphore, #tpu.memory_space<semaphore_mem>>) src(%dma_wait3A_302 : memref<16x8xf32, #tpu.memory_space<vmem>>) dst(%dma_wait3A_305 : memref<2508x8xf32, #tpu.memory_space<vmem_shared>>)
      } else {
      }
      %add3A_283 = arith.constant 1 : i32
      %add3A_284 = arith.addi %mul3A_234, %add3A_283 : i32
      %mul3A_285 = arith.constant 16 : i32
      %mul3A_286 = arith.muli %add3A_284, %mul3A_285 : i32
      %add3A_287 = arith.constant 0 : i32
      %add3A_288 = arith.addi %mul3A_286, %add3A_287 : i32
      %get3A_289 = arith.index_cast %add3A_288 : i32 to index
      %get3A_290 = tpu.vector_load %arg10[%get3A_289] {strides = array<i32>} : memref<10032xi32, #tpu.memory_space<vmem>>, vector<16xi32>,
      %swap3A_291 = arith.constant 0 : index
      %swap3A_292 = tpu.vector_load %arg12[%swap3A_291] {strides = array<i32>} : memref<16xi32, #tpu.memory_space<vmem>>, vector<16xi32>,
      tpu.vector_store %arg12[%swap3A_291], %get3A_290 {strides = array<i32>} : memref<16xi32, #tpu.memory_space<vmem>>, vector<16xi32>,
      %dma_start3A_293 = arith.constant 0 : i32
      %dma_start3A_294 = arith.constant 0 : i32
      %dma_start3A_295 = tpu.memref_slice %arg15[%dma_start3A_293, %dma_start3A_294] : memref<42x8xf32, #tpu.memory_space<vmem>> -> memref<16x8xf32, #tpu.memory_space<vmem>>
      %dma_start3A_296 = arith.constant 0 : i32
      %dma_start3A_297 = arith.constant 0 : i32
      %dma_start3A_298 = tpu.memref_slice %arg18[%dma_start3A_296, %dma_start3A_297] : memref<2508x8xf32, #tpu.memory_space<vmem_shared>> -> memref<2508x8xf32, #tpu.memory_space<vmem_shared>>
      tpu.enqueue_indirect_dma source(%dma_start3A_295 : memref<16x8xf32, #tpu.memory_space<vmem>>) target(%dma_start3A_298 : memref<2508x8xf32, #tpu.memory_space<vmem_shared>>) offsets(%arg12 : memref<16xi32, #tpu.memory_space<vmem>>) semaphore(%arg22 : memref<!tpu.dma_semaphore, #tpu.memory_space<semaphore_mem>>) {add = true}
      "tpu.region"() ({
        %run_scoped3A_300 = tpu.sem_alloc : memref<!tpu.dma_semaphore, #tpu.memory_space<semaphore_mem>>
        %dma_start3A_301 = arith.constant 0 : i32
        %dma_start3A_302 = arith.constant 0 : i32
        %dma_start3A_303 = tpu.memref_slice %arg17[%dma_start3A_301, %dma_start3A_302] : memref<2508x256xf32, #tpu.memory_space<vmem_shared>> -> memref<2508x256xf32, #tpu.memory_space<vmem_shared>>
        tpu.enqueue_indirect_dma source(%arg14 : memref<16x256xf32, #tpu.memory_space<vmem>>) target(%dma_start3A_303 : memref<2508x256xf32, #tpu.memory_space<vmem_shared>>) offsets(%arg12 : memref<16xi32, #tpu.memory_space<vmem>>) semaphore(%run_scoped3A_300 : memref<!tpu.dma_semaphore, #tpu.memory_space<semaphore_mem>>) {add = true}
        %dma_wait3A_304 = arith.constant 0 : i32
        %dma_wait3A_305 = arith.constant 0 : i32
        %dma_wait3A_306 = tpu.memref_slice %arg17[%dma_wait3A_304, %dma_wait3A_305] : memref<2508x256xf32, #tpu.memory_space<vmem_shared>> -> memref<2508x256xf32, #tpu.memory_space<vmem_shared>>
        tpu.wait_indirect_dma semaphore(%run_scoped3A_300 : memref<!tpu.dma_semaphore, #tpu.memory_space<semaphore_mem>>) src(%arg14 : memref<16x256xf32, #tpu.memory_space<vmem>>) dst(%dma_wait3A_306 : memref<2508x256xf32, #tpu.memory_space<vmem_shared>>)
        tpu.yield
      }) : () -> ()
      %while3A_299 = arith.constant 0 : i32
      scf.yield %while3A_299 : i32
    }
    %gt3A_216 = arith.constant 0 : i32
    %gt3A_217 = arith.cmpi sgt, %select_n3A_168, %gt3A_216 : i32
    %convert_element_type3A_218 = arith.extui %gt3A_217 : i1 to i32
    %cond3A_219 = arith.constant 0 : i32
    %cond3A_220 = arith.cmpi ne, %convert_element_type3A_218, %cond3A_219 : i32
    scf.if %cond3A_220 {
      %dma_wait3A = arith.constant 0 : i32
      %dma_wait3A_231 = arith.constant 0 : i32
      %dma_wait3A_232 = tpu.memref_slice %arg15[%dma_wait3A, %dma_wait3A_231] : memref<42x8xf32, #tpu.memory_space<vmem>> -> memref<16x8xf32, #tpu.memory_space<vmem>>
      %dma_wait3A_233 = arith.constant 0 : i32
      %dma_wait3A_234 = arith.constant 0 : i32
      %dma_wait3A_235 = tpu.memref_slice %arg18[%dma_wait3A_233, %dma_wait3A_234] : memref<2508x8xf32, #tpu.memory_space<vmem_shared>> -> memref<2508x8xf32, #tpu.memory_space<vmem_shared>>
      tpu.wait_indirect_dma semaphore(%arg21 : memref<!tpu.dma_semaphore, #tpu.memory_space<semaphore_mem>>) src(%dma_wait3A_232 : memref<16x8xf32, #tpu.memory_space<vmem>>) dst(%dma_wait3A_235 : memref<2508x8xf32, #tpu.memory_space<vmem_shared>>)
      %dma_wait3A_236 = arith.constant 0 : i32
      %dma_wait3A_237 = arith.constant 0 : i32
      %dma_wait3A_238 = tpu.memref_slice %arg15[%dma_wait3A_236, %dma_wait3A_237] : memref<42x8xf32, #tpu.memory_space<vmem>> -> memref<16x8xf32, #tpu.memory_space<vmem>>
      %dma_wait3A_239 = arith.constant 0 : i32
      %dma_wait3A_240 = arith.constant 0 : i32
      %dma_wait3A_241 = tpu.memref_slice %arg18[%dma_wait3A_239, %dma_wait3A_240] : memref<2508x8xf32, #tpu.memory_space<vmem_shared>> -> memref<2508x8xf32, #tpu.memory_space<vmem_shared>>
      tpu.wait_indirect_dma semaphore(%arg22 : memref<!tpu.dma_semaphore, #tpu.memory_space<semaphore_mem>>) src(%dma_wait3A_238 : memref<16x8xf32, #tpu.memory_space<vmem>>) dst(%dma_wait3A_241 : memref<2508x8xf32, #tpu.memory_space<vmem_shared>>)
    } else {
    }
    %barrier3A_221 = arith.constant 0 : index
    tpu.barrier barrier_id(%barrier3A_221)
    %mul3A_222 = arith.constant 156 : i32
    %mul3A_223 = arith.muli %arg1, %mul3A_222 : i32
    %add3A_224 = arith.addi %mul3A_113, %mul3A_223 : i32
    "tpu.region"() ({
      %run_scoped3A_231 = tpu.sem_alloc : memref<!tpu.dma_semaphore, #tpu.memory_space<semaphore_mem>>
      %dma_start3A = arith.constant 0 : i32
      %dma_start3A_232 = tpu.memref_slice %arg5[%add3A_224, %dma_start3A] : memref<10000x256xf32, #tpu.memory_space<hbm>> -> memref<156x256xf32, #tpu.memory_space<hbm>>
      %dma_start3A_233 = arith.constant 0 : i32
      %dma_start3A_234 = tpu.memref_slice %arg17[%mul3A_223, %dma_start3A_233] : memref<2508x256xf32, #tpu.memory_space<vmem_shared>> -> memref<156x256xf32, #tpu.memory_space<vmem_shared>>
      tpu.enqueue_dma source(%dma_start3A_234 : memref<156x256xf32, #tpu.memory_space<vmem_shared>>) target(%dma_start3A_232 : memref<156x256xf32, #tpu.memory_space<hbm>>) target_semaphore(%run_scoped3A_231 : memref<!tpu.dma_semaphore, #tpu.memory_space<semaphore_mem>>)
      %dma_wait3A = arith.constant 0 : i32
      %dma_wait3A_235 = tpu.memref_slice %arg5[%add3A_224, %dma_wait3A] : memref<10000x256xf32, #tpu.memory_space<hbm>> -> memref<156x256xf32, #tpu.memory_space<hbm>>
      %dma_wait3A_236 = arith.constant 0 : i32
      %dma_wait3A_237 = tpu.memref_slice %arg17[%mul3A_223, %dma_wait3A_236] : memref<2508x256xf32, #tpu.memory_space<vmem_shared>> -> memref<156x256xf32, #tpu.memory_space<vmem_shared>>
      tpu.wait_dma2 semaphore(%run_scoped3A_231 : memref<!tpu.dma_semaphore, #tpu.memory_space<semaphore_mem>>) src(%dma_wait3A_237 : memref<156x256xf32, #tpu.memory_space<vmem_shared>>) dst(%dma_wait3A_235 : memref<156x256xf32, #tpu.memory_space<hbm>>)
      tpu.yield
    }) : () -> ()
    "tpu.region"() ({
      %run_scoped3A_231 = tpu.sem_alloc : memref<!tpu.dma_semaphore, #tpu.memory_space<semaphore_mem>>
      %dma_start3A = arith.constant 0 : i32
      %dma_start3A_232 = tpu.memref_slice %arg6[%add3A_224, %dma_start3A] : memref<10000x8xf32, #tpu.memory_space<hbm>> -> memref<156x8xf32, #tpu.memory_space<hbm>>
      %dma_start3A_233 = arith.constant 0 : i32
      %dma_start3A_234 = tpu.memref_slice %arg18[%mul3A_223, %dma_start3A_233] : memref<2508x8xf32, #tpu.memory_space<vmem_shared>> -> memref<156x8xf32, #tpu.memory_space<vmem_shared>>
      tpu.enqueue_dma source(%dma_start3A_234 : memref<156x8xf32, #tpu.memory_space<vmem_shared>>) target(%dma_start3A_232 : memref<156x8xf32, #tpu.memory_space<hbm>>) target_semaphore(%run_scoped3A_231 : memref<!tpu.dma_semaphore, #tpu.memory_space<semaphore_mem>>)
      %dma_wait3A = arith.constant 0 : i32
      %dma_wait3A_235 = tpu.memref_slice %arg6[%add3A_224, %dma_wait3A] : memref<10000x8xf32, #tpu.memory_space<hbm>> -> memref<156x8xf32, #tpu.memory_space<hbm>>
      %dma_wait3A_236 = arith.constant 0 : i32
      %dma_wait3A_237 = tpu.memref_slice %arg18[%mul3A_223, %dma_wait3A_236] : memref<2508x8xf32, #tpu.memory_space<vmem_shared>> -> memref<156x8xf32, #tpu.memory_space<vmem_shared>>
      tpu.wait_dma2 semaphore(%run_scoped3A_231 : memref<!tpu.dma_semaphore, #tpu.memory_space<semaphore_mem>>) src(%dma_wait3A_237 : memref<156x8xf32, #tpu.memory_space<vmem_shared>>) dst(%dma_wait3A_235 : memref<156x8xf32, #tpu.memory_space<hbm>>)
      tpu.yield
    }) : () -> ()
    %eq3A_225 = arith.constant 15 : i32
    %eq3A_226 = arith.cmpi eq, %arg1, %eq3A_225 : i32
    %convert_element_type3A_227 = arith.extui %eq3A_226 : i1 to i32
    %cond3A_228 = arith.constant 0 : i32
    %cond3A_229 = arith.cmpi ne, %convert_element_type3A_227, %cond3A_228 : i32
    scf.if %cond3A_229 {
      %add3A_231 = arith.constant 2500 : i32
      %add3A_232 = arith.addi %mul3A_113, %add3A_231 : i32
      %sub3A_233 = arith.constant 4 : i32
      %sub3A_234 = arith.subi %add3A_232, %sub3A_233 : i32
      "tpu.region"() ({
        %run_scoped3A_239 = tpu.sem_alloc : memref<!tpu.dma_semaphore, #tpu.memory_space<semaphore_mem>>
        %dma_start3A = arith.constant 0 : i32
        %dma_start3A_240 = tpu.memref_slice %arg5[%sub3A_234, %dma_start3A] : memref<10000x256xf32, #tpu.memory_space<hbm>> -> memref<4x256xf32, #tpu.memory_space<hbm>>
        %dma_start3A_241 = arith.constant 2496 : i32
        %dma_start3A_242 = arith.constant 0 : i32
        %dma_start3A_243 = tpu.memref_slice %arg17[%dma_start3A_241, %dma_start3A_242] : memref<2508x256xf32, #tpu.memory_space<vmem_shared>> -> memref<4x256xf32, #tpu.memory_space<vmem_shared>>
        tpu.enqueue_dma source(%dma_start3A_243 : memref<4x256xf32, #tpu.memory_space<vmem_shared>>) target(%dma_start3A_240 : memref<4x256xf32, #tpu.memory_space<hbm>>) target_semaphore(%run_scoped3A_239 : memref<!tpu.dma_semaphore, #tpu.memory_space<semaphore_mem>>)
        %dma_wait3A = arith.constant 0 : i32
        %dma_wait3A_244 = tpu.memref_slice %arg5[%sub3A_234, %dma_wait3A] : memref<10000x256xf32, #tpu.memory_space<hbm>> -> memref<4x256xf32, #tpu.memory_space<hbm>>
        %dma_wait3A_245 = arith.constant 2496 : i32
        %dma_wait3A_246 = arith.constant 0 : i32
        %dma_wait3A_247 = tpu.memref_slice %arg17[%dma_wait3A_245, %dma_wait3A_246] : memref<2508x256xf32, #tpu.memory_space<vmem_shared>> -> memref<4x256xf32, #tpu.memory_space<vmem_shared>>
        tpu.wait_dma2 semaphore(%run_scoped3A_239 : memref<!tpu.dma_semaphore, #tpu.memory_space<semaphore_mem>>) src(%dma_wait3A_247 : memref<4x256xf32, #tpu.memory_space<vmem_shared>>) dst(%dma_wait3A_244 : memref<4x256xf32, #tpu.memory_space<hbm>>)
        tpu.yield
      }) : () -> ()
      %add3A_235 = arith.constant 2500 : i32
      %add3A_236 = arith.addi %mul3A_113, %add3A_235 : i32
      %sub3A_237 = arith.constant 4 : i32
      %sub3A_238 = arith.subi %add3A_236, %sub3A_237 : i32
      "tpu.region"() ({
        %run_scoped3A_239 = tpu.sem_alloc : memref<!tpu.dma_semaphore, #tpu.memory_space<semaphore_mem>>
        %dma_start3A = arith.constant 0 : i32
        %dma_start3A_240 = tpu.memref_slice %arg6[%sub3A_238, %dma_start3A] : memref<10000x8xf32, #tpu.memory_space<hbm>> -> memref<4x8xf32, #tpu.memory_space<hbm>>
        %dma_start3A_241 = arith.constant 2496 : i32
        %dma_start3A_242 = arith.constant 0 : i32
        %dma_start3A_243 = tpu.memref_slice %arg18[%dma_start3A_241, %dma_start3A_242] : memref<2508x8xf32, #tpu.memory_space<vmem_shared>> -> memref<4x8xf32, #tpu.memory_space<vmem_shared>>
        tpu.enqueue_dma source(%dma_start3A_243 : memref<4x8xf32, #tpu.memory_space<vmem_shared>>) target(%dma_start3A_240 : memref<4x8xf32, #tpu.memory_space<hbm>>) target_semaphore(%run_scoped3A_239 : memref<!tpu.dma_semaphore, #tpu.memory_space<semaphore_mem>>)
        %dma_wait3A = arith.constant 0 : i32
        %dma_wait3A_244 = tpu.memref_slice %arg6[%sub3A_238, %dma_wait3A] : memref<10000x8xf32, #tpu.memory_space<hbm>> -> memref<4x8xf32, #tpu.memory_space<hbm>>
        %dma_wait3A_245 = arith.constant 2496 : i32
        %dma_wait3A_246 = arith.constant 0 : i32
        %dma_wait3A_247 = tpu.memref_slice %arg18[%dma_wait3A_245, %dma_wait3A_246] : memref<2508x8xf32, #tpu.memory_space<vmem_shared>> -> memref<4x8xf32, #tpu.memory_space<vmem_shared>>
        tpu.wait_dma2 semaphore(%run_scoped3A_239 : memref<!tpu.dma_semaphore, #tpu.memory_space<semaphore_mem>>) src(%dma_wait3A_247 : memref<4x8xf32, #tpu.memory_space<vmem_shared>>) dst(%dma_wait3A_244 : memref<4x8xf32, #tpu.memory_space<hbm>>)
        tpu.yield
      }) : () -> ()
    } else {
    }
    %barrier3A_230 = arith.constant 0 : index
    tpu.barrier barrier_id(%barrier3A_230)
    return
  }
}

module attributes {stable_mosaic.version = 14 : i64} {
  func.func @_tc_kernel(%arg0: i32, %arg1: memref<1000x256xf32, #tpu.memory_space<vmem>>, %arg2: memref<1000x256xf32, #tpu.memory_space<vmem>>, %arg3: memref<1000x8xf32, #tpu.memory_space<vmem>>, %arg4: memref<256x256xf32, #tpu.memory_space<vmem>>, %arg5: memref<1x256xf32, #tpu.memory_space<vmem>>, %arg6: memref<256x256xf32, #tpu.memory_space<vmem>>, %arg7: memref<1x256xf32, #tpu.memory_space<vmem>>, %arg8: memref<256x256xf32, #tpu.memory_space<vmem>>, %arg9: memref<1x256xf32, #tpu.memory_space<vmem>>, %arg10: memref<256x256xf32, #tpu.memory_space<vmem>>, %arg11: memref<1x256xf32, #tpu.memory_space<vmem>>, %arg12: memref<1000x256xf32, #tpu.memory_space<vmem>>) attributes {dimension_semantics = [#tpu.dimension_semantics<arbitrary>], iteration_bounds = array<i64: 10>, scalar_prefetch = 0 : i64, scratch_operands = 0 : i64, tpu.core_type = #tpu.core_type<tc>, window_params = [{transform_indices = @transform_0, window_bounds = array<i64: 1000, 256>}, {transform_indices = @transform_1, window_bounds = array<i64: 1000, 256>}, {transform_indices = @transform_2, window_bounds = array<i64: 1000, 8>}, {pipeline_mode = #tpu.pipeline_mode<synchronous>, transform_indices = @transform_3, window_bounds = array<i64: 256, 256>}, {pipeline_mode = #tpu.pipeline_mode<synchronous>, transform_indices = @transform_4, window_bounds = array<i64: 1, 256>}, {pipeline_mode = #tpu.pipeline_mode<synchronous>, transform_indices = @transform_5, window_bounds = array<i64: 256, 256>}, {pipeline_mode = #tpu.pipeline_mode<synchronous>, transform_indices = @transform_6, window_bounds = array<i64: 1, 256>}, {pipeline_mode = #tpu.pipeline_mode<synchronous>, transform_indices = @transform_7, window_bounds = array<i64: 256, 256>}, {pipeline_mode = #tpu.pipeline_mode<synchronous>, transform_indices = @transform_8, window_bounds = array<i64: 1, 256>}, {pipeline_mode = #tpu.pipeline_mode<synchronous>, transform_indices = @transform_9, window_bounds = array<i64: 256, 256>}, {pipeline_mode = #tpu.pipeline_mode<synchronous>, transform_indices = @transform_10, window_bounds = array<i64: 1, 256>}, {transform_indices = @transform_11, window_bounds = array<i64: 1000, 256>}]} {
    %get3A = arith.constant 0 : index
    %get3A_0 = arith.constant 0 : index
    %get3A_1 = vector.load %arg1[%get3A, %get3A_0] : memref<1000x256xf32, #tpu.memory_space<vmem>>, vector<1000x256xf32>
    %get3A_2 = arith.constant 0 : index
    %get3A_3 = arith.constant 0 : index
    %get3A_4 = vector.load %arg4[%get3A_2, %get3A_3] : memref<256x256xf32, #tpu.memory_space<vmem>>, vector<256x256xf32>
    %dot_general3A = arith.constant dense<0.000000e+00> : vector<1000x256xf32>
    %dot_general3A_5 = tpu.matmul %get3A_1, %get3A_4, %dot_general3A {dimension_numbers = #tpu.dot_dimension_numbers<[1], [1], [0], [0], [0, 0, 1, 0], [], []>, transpose_lhs_hint = false} : vector<1000x256xf32>, vector<256x256xf32>, vector<1000x256xf32> -> vector<1000x256xf32>
    %get3A_6 = arith.constant 0 : index
    %get3A_7 = arith.constant 0 : index
    %get3A_8 = vector.load %arg5[%get3A_6, %get3A_7] : memref<1x256xf32, #tpu.memory_space<vmem>>, vector<1x256xf32>
    %add3A = vector.broadcast %get3A_8 : vector<1x256xf32> to vector<1000x256xf32>
    %add3A_9 = arith.addf %dot_general3A_5, %add3A : vector<1000x256xf32>
    %get3A_10 = arith.constant 0 : index
    %get3A_11 = arith.constant 0 : index
    %get3A_12 = vector.load %arg2[%get3A_10, %get3A_11] : memref<1000x256xf32, #tpu.memory_space<vmem>>, vector<1000x256xf32>
    %get3A_13 = arith.constant 0 : index
    %get3A_14 = arith.constant 0 : index
    %get3A_15 = vector.load %arg6[%get3A_13, %get3A_14] : memref<256x256xf32, #tpu.memory_space<vmem>>, vector<256x256xf32>
    %dot_general3A_16 = arith.constant dense<0.000000e+00> : vector<1000x256xf32>
    %dot_general3A_17 = tpu.matmul %get3A_12, %get3A_15, %dot_general3A_16 {dimension_numbers = #tpu.dot_dimension_numbers<[1], [1], [0], [0], [0, 0, 1, 0], [], []>, transpose_lhs_hint = false} : vector<1000x256xf32>, vector<256x256xf32>, vector<1000x256xf32> -> vector<1000x256xf32>
    %get3A_18 = arith.constant 0 : index
    %get3A_19 = arith.constant 0 : index
    %get3A_20 = vector.load %arg8[%get3A_18, %get3A_19] : memref<256x256xf32, #tpu.memory_space<vmem>>, vector<256x256xf32>
    %get3A_21 = arith.constant 0 : index
    %get3A_22 = arith.constant 0 : index
    %get3A_23 = vector.load %arg10[%get3A_21, %get3A_22] : memref<256x256xf32, #tpu.memory_space<vmem>>, vector<256x256xf32>
    %add3A_24 = arith.addf %get3A_20, %get3A_23 : vector<256x256xf32>
    %dot_general3A_25 = arith.constant dense<0.000000e+00> : vector<1000x256xf32>
    %dot_general3A_26 = tpu.matmul %get3A_12, %add3A_24, %dot_general3A_25 {dimension_numbers = #tpu.dot_dimension_numbers<[1], [1], [0], [0], [0, 0, 1, 0], [], []>, transpose_lhs_hint = false} : vector<1000x256xf32>, vector<256x256xf32>, vector<1000x256xf32> -> vector<1000x256xf32>
    %get3A_27 = arith.constant 0 : index
    %get3A_28 = arith.constant 0 : index
    %get3A_29 = vector.load %arg3[%get3A_27, %get3A_28] : memref<1000x8xf32, #tpu.memory_space<vmem>>, vector<1000x1xf32>
    %mul3A = arith.constant 2.000000e+00 : f32
    %mul3A_30 = vector.broadcast %mul3A : f32 to vector<1000x1xf32>
    %mul3A_31 = arith.mulf %mul3A_30, %get3A_29 : vector<1000x1xf32>
    %mul3A_32 = arith.constant 2.000000e+00 : f32
    %mul3A_33 = vector.broadcast %mul3A_32 : f32 to vector<1000x256xf32>
    %mul3A_34 = arith.mulf %mul3A_33, %dot_general3A_17 : vector<1000x256xf32>
    %get3A_35 = arith.constant 0 : index
    %get3A_36 = arith.constant 0 : index
    %get3A_37 = vector.load %arg7[%get3A_35, %get3A_36] : memref<1x256xf32, #tpu.memory_space<vmem>>, vector<1x256xf32>
    %mul3A_38 = vector.broadcast %mul3A_31 : vector<1000x1xf32> to vector<1000x256xf32>
    %mul3A_39 = vector.broadcast %get3A_37 : vector<1x256xf32> to vector<1000x256xf32>
    %mul3A_40 = arith.mulf %mul3A_38, %mul3A_39 : vector<1000x256xf32>
    %add3A_41 = arith.addf %mul3A_34, %mul3A_40 : vector<1000x256xf32>
    %mul3A_42 = arith.constant 2.000000e+00 : f32
    %mul3A_43 = vector.broadcast %mul3A_42 : f32 to vector<1000x256xf32>
    %mul3A_44 = arith.mulf %mul3A_43, %dot_general3A_26 : vector<1000x256xf32>
    %get3A_45 = arith.constant 0 : index
    %get3A_46 = arith.constant 0 : index
    %get3A_47 = vector.load %arg9[%get3A_45, %get3A_46] : memref<1x256xf32, #tpu.memory_space<vmem>>, vector<1x256xf32>
    %get3A_48 = arith.constant 0 : index
    %get3A_49 = arith.constant 0 : index
    %get3A_50 = vector.load %arg11[%get3A_48, %get3A_49] : memref<1x256xf32, #tpu.memory_space<vmem>>, vector<1x256xf32>
    %add3A_51 = arith.addf %get3A_47, %get3A_50 : vector<1x256xf32>
    %mul3A_52 = vector.broadcast %mul3A_31 : vector<1000x1xf32> to vector<1000x256xf32>
    %mul3A_53 = vector.broadcast %add3A_51 : vector<1x256xf32> to vector<1000x256xf32>
    %mul3A_54 = arith.mulf %mul3A_52, %mul3A_53 : vector<1000x256xf32>
    %add3A_55 = arith.addf %mul3A_44, %mul3A_54 : vector<1000x256xf32>
    %logistic3A = arith.negf %add3A_55 : vector<1000x256xf32>
    %logistic3A_56 = math.exp %logistic3A : vector<1000x256xf32>
    %logistic3A_57 = arith.constant 1.000000e+00 : f32
    %logistic3A_58 = vector.broadcast %logistic3A_57 : f32 to vector<1000x256xf32>
    %logistic3A_59 = arith.addf %logistic3A_58, %logistic3A_56 : vector<1000x256xf32>
    %logistic3A_60 = arith.divf %logistic3A_58, %logistic3A_59 : vector<1000x256xf32>
    %mul3A_61 = arith.mulf %logistic3A_60, %add3A_41 : vector<1000x256xf32>
    %add3A_62 = arith.addf %add3A_9, %mul3A_61 : vector<1000x256xf32>
    %swap3A = arith.constant 0 : index
    %swap3A_63 = arith.constant 0 : index
    %swap3A_64 = vector.load %arg12[%swap3A, %swap3A_63] : memref<1000x256xf32, #tpu.memory_space<vmem>>, vector<1000x256xf32>
    tpu.vector_store %arg12[%swap3A, %swap3A_63], %add3A_62 {strides = array<i32>} : memref<1000x256xf32, #tpu.memory_space<vmem>>, vector<1000x256xf32>,
    return
  }
  func.func @transform_0(%arg0: i32) -> (i32, i32) {
    %c0_i32 = arith.constant 0 : i32
    %c0_i32_0 = arith.constant 0 : i32
    return %arg0, %c0_i32 : i32, i32
  }
  func.func @transform_1(%arg0: i32) -> (i32, i32) {
    %c0_i32 = arith.constant 0 : i32
    %c0_i32_0 = arith.constant 0 : i32
    return %arg0, %c0_i32 : i32, i32
  }
  func.func @transform_2(%arg0: i32) -> (i32, i32) {
    %c0_i32 = arith.constant 0 : i32
    %c0_i32_0 = arith.constant 0 : i32
    return %arg0, %c0_i32 : i32, i32
  }
  func.func @transform_3(%arg0: i32) -> (i32, i32) {
    %c0_i32 = arith.constant 0 : i32
    %c0_i32_0 = arith.constant 0 : i32
    %c0_i32_1 = arith.constant 0 : i32
    return %c0_i32, %c0_i32_0 : i32, i32
  }
  func.func @transform_4(%arg0: i32) -> (i32, i32) {
    %c0_i32 = arith.constant 0 : i32
    %c0_i32_0 = arith.constant 0 : i32
    %c0_i32_1 = arith.constant 0 : i32
    return %c0_i32, %c0_i32_0 : i32, i32
  }
  func.func @transform_5(%arg0: i32) -> (i32, i32) {
    %c0_i32 = arith.constant 0 : i32
    %c0_i32_0 = arith.constant 0 : i32
    %c0_i32_1 = arith.constant 0 : i32
    return %c0_i32, %c0_i32_0 : i32, i32
  }
  func.func @transform_6(%arg0: i32) -> (i32, i32) {
    %c0_i32 = arith.constant 0 : i32
    %c0_i32_0 = arith.constant 0 : i32
    %c0_i32_1 = arith.constant 0 : i32
    return %c0_i32, %c0_i32_0 : i32, i32
  }
  func.func @transform_7(%arg0: i32) -> (i32, i32) {
    %c0_i32 = arith.constant 0 : i32
    %c0_i32_0 = arith.constant 0 : i32
    %c0_i32_1 = arith.constant 0 : i32
    return %c0_i32, %c0_i32_0 : i32, i32
  }
  func.func @transform_8(%arg0: i32) -> (i32, i32) {
    %c0_i32 = arith.constant 0 : i32
    %c0_i32_0 = arith.constant 0 : i32
    %c0_i32_1 = arith.constant 0 : i32
    return %c0_i32, %c0_i32_0 : i32, i32
  }
  func.func @transform_9(%arg0: i32) -> (i32, i32) {
    %c0_i32 = arith.constant 0 : i32
    %c0_i32_0 = arith.constant 0 : i32
    %c0_i32_1 = arith.constant 0 : i32
    return %c0_i32, %c0_i32_0 : i32, i32
  }
  func.func @transform_10(%arg0: i32) -> (i32, i32) {
    %c0_i32 = arith.constant 0 : i32
    %c0_i32_0 = arith.constant 0 : i32
    %c0_i32_1 = arith.constant 0 : i32
    return %c0_i32, %c0_i32_0 : i32, i32
  }
  func.func @transform_11(%arg0: i32) -> (i32, i32) {
    %c0_i32 = arith.constant 0 : i32
    %c0_i32_0 = arith.constant 0 : i32
    return %arg0, %c0_i32 : i32, i32
  }
}

</mosaic_0001>

<sc_bundles>
// kernel: kernel.4.cloned.1.call-start
scs
__scs_entry_jumppad:
0x0: {  	(pc) =	sbr.rel $0x88, $3  }
0x1: {  	(tag) =	ssettag $0x0;
	lr =	simm.s32 $0x1  }
0x2: {  	[smem:$0x3F97] =	sst lr;
	_ =	strace $0xD0000000  }
0x3: {  	_ = 	snop  }
0x4: {  	_ = 	snop  }
0x5: {  	_ = 	snop  }
0x6: {  	_ = 	snop  }
0x7: {  	_ = 	snop  }
__scs_overlays_trampoline_lowered:
0x8: {  	[smem:$0x3FA6] =	sst s0  }
0x9: {  	[smem:$0x3FA7] =	sst s1  }
0xa: {  	[smem:$0x3FA8] =	sst s2  }
0xb: {  	[smem:$0x3FA9] =	sst s3  }
0xc: {  	[smem:$0x3FAA] =	sst s4  }
0xd: {  	[smem:$0x3FAB] =	sst s5  }
0xe: {  	[smem:$0x3FAC] =	sst s6  }
0xf: {  	[smem:$0x3FAD] =	sst s7  }
0x10: {  	[smem:$0x3FAE] =	sst s8  }
0x11: {  	[smem:$0x3FAF] =	sst s9;
	s0 =	simm.s32 @!p0 $0x0  }
0x12: {  	s1 =	sld [smem:$0x3F95];
	s0 =	simm.s32 @p0 $0x1  }
0x13: {  	[smem:$0x3FB0] =	sst s0;
	s0 =	simm.s32 @!p1 $0x0  }
0x14: {  	s2 =	sld [smem:$0x3F94];
	s0 =	simm.s32 @p1 $0x1  }
0x15: {  	[smem:$0x3FB1] =	sst s0;
	s0 =	simm.s32 @!p2 $0x0  }
0x16: {  	s3 =	sld [smem:$0x3FDB];
	s0 =	simm.s32 @p2 $0x1  }
0x17: {  	s4 =	simm.s32 $0x1BF5;
	[smem:$0x3FB3] =	sst s0  }
0x18: {  	s0 =	sld [smem:$0x3F96];
	_ =	swait.ge [sflag:s4], $0x0  }
0x19: {  	s7 =	sld [smem:$0x3F97]  }
0x1a: {  	s8 =	sadd.s32 $0xFFFFE003, lr  }
0x1b: {  	s9 =	sadd.s32 $0xFFFFFEF7, lr;
	s5 =	simm.s32 $0xFFFFFFFF;
	p2 =	slt.u32 s8, $0xFFFFF086  }
0x1c: {  	p1 =	slt.u32 s9, $0xF7A;
	s5 =	simm.s32 @!p2 $0x0  }
0x1d: {  	s5 =	simm.s32 @p1 $0x1;
	p0 =	seq.s32 s7, s2  }
0x1e: {  	s7 =	smul.u32 @!p0 $0xF7A, s2;
	p2 =	seq.s32 @!p0 s5, $0x0  }
0x1f: {  	s9 =	smul.u32 $0xF7A, s1;
	s8 =	simm.s32 @!p0 $0x1BF5;
	p2 =	por !p2, p0  }
0x20: {  	[sflag:s8] =	ssyncset.s32 @!p0 $0xFFFFF086;
	s6 =	sadd.s32 @!p0 s3, s7;
	s7 =	simm.s32 @!p0 $0x108  }
0x21: {  	s3 =	sadd.s32 s3, s9;
	s6 =	sadd.s32 @!p0 $0x88, s6;
	s7 =	simm.s32 @p2 $0x1082  }
0x22: {  	[simem:s7], [sflag:s8] =	dma.local @!p0 [hbm:s6], $0xF7A  }
0x23: {  	s9 =	sor.u32 $0xD0000000, s2;
	s6 =	simm.s32 $0x108;
	_ =	swait.ge @!p0 [sflag:s8], $0x0  }
0x24: {  	s3 =	sadd.s32 $0x88, s3;
	s6 =	simm.s32 @!p1 $0x1082;
	[sflag:s4] =	ssyncset.s32 $0xFFFFF086  }
0x25: {  	[simem:s6], [sflag:s4] =	dma.local [hbm:s3], $0xF7A  }
0x26: {  	[smem:$0x3F97] =	sst s1;
	(tag) =	ssettag s2;
	_ =	strace s9  }
0x27: {  	s1 =	sld [smem:$0x3FA7]  }
0x28: {  	s2 =	sld [smem:$0x3FA8]  }
0x29: {  	s4 =	sld [smem:$0x3FAA]  }
0x2a: {  	p0 =	seq.s32 s5, $0x0;
	s5 =	sld [smem:$0x3FAB]  }
0x2b: {  	s6 =	sld [smem:$0x3FAC]  }
0x2c: {  	s7 =	sld [smem:$0x3FAD]  }
0x2d: {  	s3 =	simm.s32 $0x108;
	s8 =	sld [smem:$0x3FAE]  }
0x2e: {  	s3 =	simm.s32 @!p0 $0x1082;
	s9 =	sld [smem:$0x3FAF]  }
0x2f: {  	lr =	sadd.s32 s0, s3;
	s0 =	sld [smem:$0x3FA6]  }
0x30: {  	s3 =	sld [smem:$0x3FA9]  }
0x31: {  	[smem:$0x3FB2] =	sst s10  }
0x32: {  	s10 =	sld [smem:$0x3FB0];
	_ =	sdelay $0x3  }
0x33: {  	p0 =	seq.s32 s10, $0x1;
	s10 =	sld [smem:$0x3FB2];
	_ =	sdelay $0x3  }
0x34: {  	[smem:$0x3FB2] =	sst s10  }
0x35: {  	s10 =	sld [smem:$0x3FB1];
	_ =	sdelay $0x3  }
0x36: {  	p1 =	seq.s32 s10, $0x1;
	s10 =	sld [smem:$0x3FB2];
	_ =	sdelay $0x3  }
0x37: {  	[smem:$0x3FB2] =	sst s10  }
0x38: {  	s10 =	sld [smem:$0x3FB3]  }
0x39: {  	_ = 	snop;
	(pc) =	sbr.ind lr, $3  }
0x3a: {  	_ = 	snop  }
0x3b: {  	_ = 	snop  }
0x3c: {  	p2 =	seq.s32 s10, $0x1;
	s10 =	sld [smem:$0x3FB2]  }
0x3d: {  	_ =	shalt  }
0x3e: {  	_ =	shalt  }
0x3f: {  	_ =	shalt  }
0x40: {  	_ =	shalt  }
0x41: {  	_ =	shalt  }
0x42: {  	_ =	shalt  }
0x43: {  	_ =	shalt  }
0x44: {  	_ =	shalt  }
0x45: {  	_ =	shalt  }
0x46: {  	_ =	shalt  }
0x47: {  	_ =	shalt  }
0x48: {  	_ =	shalt  }
0x49: {  	_ =	shalt  }
0x4a: {  	_ =	shalt  }
0x4b: {  	_ =	shalt  }
0x4c: {  	_ =	shalt  }
0x4d: {  	_ =	shalt  }
0x4e: {  	_ =	shalt  }
0x4f: {  	_ =	shalt  }
0x50: {  	_ =	shalt  }
0x51: {  	_ =	shalt  }
0x52: {  	_ =	shalt  }
0x53: {  	_ =	shalt  }
0x54: {  	_ =	shalt  }
0x55: {  	_ =	shalt  }
0x56: {  	_ =	shalt  }
0x57: {  	_ =	shalt  }
0x58: {  	_ =	shalt  }
0x59: {  	_ =	shalt  }
0x5a: {  	_ =	shalt  }
0x5b: {  	_ =	shalt  }
0x5c: {  	_ =	shalt  }
0x5d: {  	_ =	shalt  }
0x5e: {  	_ =	shalt  }
0x5f: {  	_ =	shalt  }
0x60: {  	_ =	shalt  }
0x61: {  	_ =	shalt  }
0x62: {  	_ =	shalt  }
0x63: {  	_ =	shalt  }
0x64: {  	_ =	shalt  }
0x65: {  	_ =	shalt  }
0x66: {  	_ =	shalt  }
0x67: {  	_ =	shalt  }
0x68: {  	_ =	shalt  }
0x69: {  	_ =	shalt  }
0x6a: {  	_ =	shalt  }
0x6b: {  	_ =	shalt  }
0x6c: {  	_ =	shalt  }
0x6d: {  	_ =	shalt  }
0x6e: {  	_ =	shalt  }
0x6f: {  	_ =	shalt  }
0x70: {  	_ =	shalt  }
0x71: {  	_ =	shalt  }
0x72: {  	_ =	shalt  }
0x73: {  	_ =	shalt  }
0x74: {  	_ =	shalt  }
0x75: {  	_ =	shalt  }
0x76: {  	_ =	shalt  }
0x77: {  	_ =	shalt  }
0x78: {  	_ =	shalt  }
0x79: {  	_ =	shalt  }
0x7a: {  	_ =	shalt  }
0x7b: {  	_ =	shalt  }
0x7c: {  	_ =	shalt  }
0x7d: {  	_ =	shalt  }
0x7e: {  	_ =	shalt  }
0x7f: {  	_ =	shalt  }
0x80: {  	_ =	shalt  }
0x81: {  	_ =	shalt  }
0x82: {  	_ =	shalt  }
0x83: {  	_ =	shalt  }
0x84: {  	_ =	shalt  }
0x85: {  	_ =	shalt  }
0x86: {  	_ =	shalt  }
0x87: {  	_ =	shalt  }
.Lfunc_end0:
.L_simem_size_0:
called_computation_lowered:
.L_overlay_start_0:
0x88: {  	s2 =	sld [smem:$0x3FD9]  }
0x89: {  	s3 =	sld [smem:$0x3FFE];
	_ =	sdelay $0x1  }
0x8a: {  	s1 =	srdreg.scid  }
0x8b: {  	s0 =	sand.u32 $0x1, s1  }
0x8c: {  	s17 =	sshll.u32 s0, $0xA;
	s2 =	sadd.s32 s3, s2  }
0x8d: {  	s2 =	sadd.s32 s2, s17  }
0x8e: {  	[smem:$0x3FBE] =	sst s2  }
0x8f: {  	_ = 	snop  }
0x90: {  	s2 =	sld [smem:$0x3FD0];
	(tm) =	ssettm $0x1  }
0x91: {  	s18 =	sld [smem:$0x3FFB];
	_ =	sdelay $0x3  }
0x92: {  	_ =	strace s18  }
0x93: {  	s3 =	sld [smem:$0x3FFC];
	_ =	sdelay $0x3  }
0x94: {  	_ =	strace s3  }
0x95: {  	s3 =	sld [smem:$0x3FFD];
	_ =	sdelay $0x3  }
0x96: {  	_ =	strace s3  }
0x97: {  	_ =	strace $0x8FFFFFFF  }
0x98: {  	s19 =	sld [smem:$0x3FDB];
	_ =	sdelay $0x1  }
0x99: {  	s4 =	simm.s32 $_scs_section_size  }
0x9a: {  	s5 =	simm.s32 $_size__tile_overlayer_lowered;
	s6 =	simm.s32 $_tile_overlayer_lowered  }
0x9b: {  	s22 =	simm.s32 $0x1BFF;
	s21 =	sshll.u32 s6, $0x1;
	s3 =	sadd.s32 s4, s19  }
0x9c: {  	s7 =	simm.s32 $0x0;
	s20 =	sshll.u32 s5, $0x1;
	s5 =	sadd.s32 s21, s3  }
0x9d: {  	[timem:s7], [sflag:s22] =	dma.local [hbm:s5], s20  }
0x9e: {  	_ =	swait.ge [sflag:s22], s20  }
0x9f: {  	s4 =	ssub.s32 $0x0, s20;
	[sflag:s22] =	ssyncset.done $0x0  }
0xa0: {  	[sflag:s22] =	ssyncadd.s32 s4;
	_ =	sdelay $0x1  }
0xa1: {  	s23 =	simm.s32 $0x1B8B  }
0xa2: {  	_ =	swait.ge [sflag:s23], $0x1  }
0xa3: {  	[sflag:s23] =	ssyncset.done $0x0  }
0xa4: {  	s25 =	simm.s32 $0x1B8E;
	s24 =	sld [smem:$0x3FFE];
	[sflag:s23] =	ssyncadd.s32 $0xFFFFFFFF  }
0xa5: {  	s26 =	simm.s32 $execute0_lowered;
	[smem:$0x3FD2] =	sst s25  }
0xa6: {  	s5 =	sshll.u32 s26, $0x1;
	_ =	strace $0x80000046;
	[dreg:$0x1] =	wrdreg $0xFFFFFFFF  }
0xa7: {  	s28 =	simm.s32 $_size_execute0_lowered;
	s3 =	sadd.s32 s3, s5;
	[dreg:$0x0] =	wrdreg $0x0  }
0xa8: {  	s5 =	sshll.u32 s28, $0x1;
	[dreg:$0x2] =	wrdreg s3  }
0xa9: {  	[dreg:$0x3] =	wrdreg s5  }
0xaa: {  	[dreg:$0x4] =	wrdreg $0xC0  }
0xab: {  	_ =	task [dreg:s7], $0x5FFFF  }
0xac: {  	[dreg:$0x1] =	wrdreg $0xFFFFFFFF  }
0xad: {  	[dreg:$0x0] =	wrdreg $0x60  }
0xae: {  	[dreg:$0x2] =	wrdreg s2  }
0xaf: {  	[dreg:$0x3] =	wrdreg s24  }
0xb0: {  	[dreg:$0x4] =	wrdreg $0xD7F00  }
0xb1: {  	[dreg:$0x5] =	wrdreg $0x174B00  }
0xb2: {  	[dreg:$0x6] =	wrdreg $0x9  }
0xb3: {  	_ =	task.clear_ibuf [dreg:s7], $0x7FFFF;
	_ =	strace $0x90000046  }
0xb4: {  	s29 =	simm.s32 $0x9;
	_ =	strace $0x80000048  }
0xb5: {  	_ =	swait.ge [sflag:s29], $0x1  }
0xb6: {  	[sflag:s29] =	ssyncadd.s32 $0xFFFFFFFF  }
0xb7: {  	_ =	strace $0x90000048  }
0xb8: {  	_ =	sfence  }
0xb9: {  	s30 =	sld [smem:$0x0];
	_ =	sdelay $0x2  }
0xba: {  	s31 =	sshll.u32 s1, $0xD;
	s1 =	sshrl.u32 s1, $0x2  }
0xbb: {  	s3 =	sand.u32 $0x4000, s31;
	s1 =	sadd.s32 s1, s30  }
0xbc: {  	s0 =	sor.u32 s3, s0;
	s1 =	sshll.u32 s1, $0x11  }
0xbd: {  	s0 =	sor.u32 s1, s0  }
0xbe: {  	s0 =	sadd.s32 $0x8F2B, s0  }
0xbf: {  	[sflag:s0] =	ssyncadd.remote.s32 $0x1  }
0xc0: {  	_ =	sfence.sel $0xFFFF  }
0xc1: {  	[dreg:$0x0] =	wrdreg $0xFFFFFFFF;
	(pc) =	sbr.abs _section_cstart, $3  }
0xc2: {  	[dreg:$0x1] =	wrdreg $0xFFFFFFFF  }
0xc3: {  	_ =	task.clear_ibuf [dreg:s7], $0x2FFFF;
	_ =	strace $0x9FFFFFFF  }
0xc4: {  	(tm) =	ssettm $0x7FFFFFFF  }
0xc5: {  	_ =	shalt  }
tec
execute0_lowered:
.L_overlay_start_1:
0x0: {  	(tag) =	ssettag $0x1  }
0x1: {  	s2 =	rddreg [dreg:$0x0]  }
0x2: {  	s0 =	rddreg [dreg:$0x1]  }
0x3: {  	s3 =	rddreg [dreg:$0x2]  }
0x4: {  	s31 =	stileid.u32;
	s4 =	rddreg [dreg:$0x3]  }
0x5: {  	s6 =	simm.s32 $0x0;
	s5 =	srdreg.scid;
	s30 =	simm.s32 $0x4  }
0x6: {  	s1 =	smul.u32 $0x2710, s31;
	[smem:$0x7FF] =	sst s6;
	s15 =	sand.u32 $0x1, s5  }
0x7: {  	s7 =	sadd.s32 $0x2600, s0;
	s8 =	sadd.s32 $0xC600, s0;
	s10 =	smul.u32 $0x27000, s31  }
0x8: {  	s16 =	smul.u32 $0x1380, s31;
	p0 =	sne.s32 s31, $0xF;
	_ =	strace $0x80000047  }
0x9: {  	s5 =	smul.u32 $0x9C4, s15;
	[dreg:$0x5] =	wrdreg s7;
	s6 =	ssub.s32 $0x2, s15  }
0xa: {  	s7 =	smul.u32 $0x9C, s31;
	s1 =	sshrl.u32 s1, $0x3;
	s9 =	sshrl.u32 s6, $0x1  }
0xb: {  	s17 =	sshrl.u32 s10, $0x2;
	s10 =	simm.s32 $0x0;
	s18 =	sshrl.u32 s16, $0x2  }
0xc: {  	s1 =	sadd.s32 s1, s0;
	s0 =	sadd.s32 $0x5A800, s0;
	s6 =	ssub.s32 s6, s9  }
0xd: {  	s28 =	sadd.s32 s17, s3;
	s19 =	sadd.s32 s7, s5;
	s29 =	sadd.s32 s18, s4  }
0xe: {  	s20 =	sadd.s32 $0x1A, s7;
	s22 =	sadd.s32 $0x9C0, s5;
	s15 =	sadd.s32 $0x1388, s5  }
0xf: {  	s14 =	sadd.s32 $0x1D48, s5;
	v0 =	vmov s5;
	s5 =	simm.s32 $0x0;
	s11 =	sadd.s32 $0x2800, s1  }
0x10: {  	s1 =	sadd.s32 $0x7620, s1;
	s21 =	sshll.u32 s19, $0x5;
	s12 =	sshll.u32 s22, $0x5  }
0x11: {  	s13 =	sadd.s32 s7, s15;
	s16 =	sshll.u32 s14, $0x5;
	[dreg:$0x8] =	wrdreg s29  }
0x12: {  	s24 =	sshll.u32 s20, $0x8;
	s9 =	sadd.s32 s0, s19;
	[dreg:$0x6] =	wrdreg s11  }
0x13: {  	s25 =	sadd.s32 s0, s22;
	v1 =	vmov s15;
	s15 =	simm.s32 $0x9C80;
	[dreg:$0x7] =	wrdreg s1  }
0x14: {  	s11 =	sadd.s32 s8, s21;
	s12 =	sadd.s32 s8, s12;
	[dreg:$0xd] =	wrdreg s9  }
0x15: {  	s23 =	sshll.u32 s13, $0x5;
	s1 =	sshll.u32 s20, $0x3;
	[dreg:$0xe] =	wrdreg s25  }
0x16: {  	s26 =	sadd.s32 s0, s13;
	s0 =	sadd.s32 s0, s14;
	[dreg:$0x9] =	wrdreg s11  }
0x17: {  	s13 =	sadd.s32 $0x4E, s7;
	s20 =	sadd.s32 $0x82, s7;
	[dreg:$0xa] =	wrdreg s12  }
0x18: {  	s25 =	sadd.s32 $0x4E00, s4;
	s12 =	sadd.s32 s8, s23;
	[dreg:$0xf] =	wrdreg s26  }
0x19: {  	s8 =	sadd.s32 s8, s16;
	[dreg:$0x10] =	wrdreg s0;
	s11 =	sadd.s32 $0x34, s7  }
0x1a: {  	s26 =	sadd.s32 s24, s3;
	s1 =	sadd.s32 s1, s4;
	s14 =	sshll.u32 s13, $0x8  }
0x1b: {  	s16 =	sadd.s32 $0x68, s7;
	s17 =	sshll.u32 s13, $0x3;
	[dreg:$0x1d] =	wrdreg s25  }
0x1c: {  	s7 =	sshll.u32 s20, $0x8;
	s23 =	smax.u32 s6, $0x1;
	[dreg:$0xb] =	wrdreg s12  }
0x1d: {  	s24 =	sadd.s32 $0x9C000, s3;
	s6 =	simm.s32 $0xBCA0;
	[dreg:$0xc] =	wrdreg s8  }
0x1e: {  	s13 =	simm.s32 $0x9CA0;
	[dreg:$0x12] =	wrdreg s1;
	s12 =	sshll.u32 s11, $0x8  }
0x1f: {  	s0 =	sshll.u32 s11, $0x3;
	s18 =	sshll.u32 s16, $0x8;
	[dreg:$0x1b] =	wrdreg s23  }
0x20: {  	s21 =	sshll.u32 s16, $0x3;
	s22 =	sadd.s32 s7, s3;
	[dreg:$0x1c] =	wrdreg s24  }
0x21: {  	s7 =	simm.s32 $0x1;
	s8 =	simm.s32 $0xBDF0;
	[dreg:$0x11] =	wrdreg s26  }
0x22: {  	s11 =	simm.s32 $0xBD20;
	s1 =	sadd.s32 s12, s3;
	[dreg:$0x19] =	wrdreg s22  }
0x23: {  	s16 =	simm.s32 $0x2;
	s0 =	sadd.s32 s0, s4;
	[dreg:$0x13] =	wrdreg s1  }
0x24: {  	s19 =	sadd.s32 s18, s3;
	s12 =	simm.s32 $0x10;
	[dreg:$0x14] =	wrdreg s0  }
.Ltmp0:
0x25: {  	s0 =	sadd.s32 s14, s3;
	[dreg:$0x17] =	wrdreg s19;
	(pc) =	sbr.rel .LBB2_1-.Ltmp0, $4  }
0x26: {  	s18 =	simm.s32 $0x3;
	[dreg:$0x15] =	wrdreg s0;
	s0 =	sadd.s32 s17, s4  }
0x27: {  	s1 =	sadd.s32 s21, s4;
	[dreg:$0x16] =	wrdreg s0;
	s0 =	sshll.u32 s20, $0x3  }
0x28: {  	s14 =	simm.s32 $0xACA0;
	[dreg:$0x18] =	wrdreg s1;
	s0 =	sadd.s32 s0, s4  }
0x29: {  	v2 =	vimm.f32 $0.0e+00;
	v3 =	vimm.s32 $0x0;
	v4 =	vimm.s32 $0x9C4;
	s17 =	simm.s32 $0x9C90;
	[dreg:$0x1a] =	wrdreg s0;
	s0 =	simm.s32 $0x5  }
.LBB2_17:
0x2a: {  	[sflag:s0] =	ssyncadd.s32 $0xFFFFF000;
	s31 =	stileid.u32;
	s10 =	simm.s32 $0x0  }
.LBB2_18:
0x2b: {  	_ =	swait.ge [sflag:s18], $0x80  }
0x2c: {  	[sflag:s18] =	ssyncset.done $0x0  }
0x2d: {  	[sflag:s18] =	ssyncadd.s32 $0xFFFFFF80  }
0x2e: {  	_ =	swait.ge [sflag:s30], $0x80  }
0x2f: {  	[sflag:s30] =	ssyncset.done $0x0  }
0x30: {  	s28 =	smov.u32 s1;
	s29 =	rddreg [dreg:$0x8];
	[sflag:s30] =	ssyncadd.s32 $0xFFFFFF80  }
.LBB2_19:
0x31: {  	[bflag:$0x0] =	sbarrier.arrive $0xFFFF  }
0x32: {  	s1 =	rddreg [dreg:$0xb]  }
0x33: {  	[hbm:s1], [sflag:s19] =	dma.local [spmem:s20], $0x1380  }
0x34: {  	_ =	swait.ge [sflag:s0], $0x1380  }
0x35: {  	[sflag:s0] =	ssyncset.done $0x0  }
0x36: {  	s25 =	rddreg [dreg:$0xf];
	[sflag:s0] =	ssyncadd.s32 $0xFFFFEC80  }
0x37: {  	[hbm:s25], [sflag:s19] =	dma.local [spmem:s21], $0x9C  }
0x38: {  	_ =	swait.ge [sflag:s0], $0x9C  }
0x39: {  	[sflag:s0] =	ssyncset.done $0x0  }
0x3a: {  	s1 =	rddreg [dreg:$0xc];
	[sflag:s0] =	ssyncadd.s32 $0xFFFFFF64  }
0x3b: {  	[hbm:s1], [sflag:s19] =	dma.local @!p0 [spmem:s22], $0x80  }
0x3c: {  	_ =	swait.ge @!p0 [sflag:s24], $0x80  }
0x3d: {  	[sflag:s24] =	ssyncset.done @!p0 $0x0  }
0x3e: {  	s1 =	rddreg [dreg:$0x10];
	[sflag:s24] =	ssyncadd.s32 @!p0 $0xFFFFFF80  }
0x3f: {  	[hbm:s1], [sflag:s19] =	dma.local @!p0 [spmem:s23], $0x4  }
0x40: {  	_ =	swait.ge @!p0 [sflag:s24], $0x4  }
0x41: {  	s5 =	sadd.s32 $0x1, s5;
	s26 =	rddreg [dreg:$0x1b]  }
0x42: {  	p1 =	sne.s32 s5, s26  }
.Ltmp1:
0x43: {  	_ = 	snop;
	(pc) =	sbr.rel @!p1 .LBB2_20-.Ltmp1, $4  }
0x44: {  	[sflag:s24] =	ssyncset.done @!p0 $0x0  }
0x45: {  	[sflag:s24] =	ssyncadd.s32 @!p0 $0xFFFFFFFC  }
0x46: {  	[bflag:$0x0] =	sbarrier.arrive $0xFFFF  }
0x47: {  	s26 =	rddreg [dreg:$0x11]  }
.LBB2_1:
0x48: {  	s9 =	rddreg [dreg:$0x6]  }
0x49: {  	[tilespmem:s10], [sflag:$0x5] =	stream.linear.gather [hbm4b:s9+s10], $0x2710, $0x38;
	[tilespmem:$0x17998] =	vst v63  }
0x4a: {  	_ =	swait.ge [sflag:s0], $0x2710  }
0x4b: {  	[sflag:s0] =	ssyncset.done $0x0  }
0x4c: {  	s1 =	simm.s32 $0x2710;
	s24 =	rddreg [dreg:$0x7];
	[sflag:s0] =	ssyncadd.s32 $0xFFFFD8F0  }
0x4d: {  	[tilespmem:s1], [sflag:$0x5] =	stream.linear.gather [hbm4b:s24+s10], $0x2710, $0x38;
	[tilespmem:$0x17998] =	vst v63  }
0x4e: {  	_ =	swait.ge [sflag:s0], $0x2710  }
0x4f: {  	[sflag:s0] =	ssyncset.done $0x0  }
0x50: {  	s25 =	rddreg [dreg:$0x5];
	[sflag:s0] =	ssyncadd.s32 $0xFFFFD8F0  }
0x51: {  	[tilespmem:s6], [sflag:$0x5] =	stream.linear.gather [hbm4b:s25+s10], $0x150, $0x38;
	[tilespmem:$0x17998] =	vst v63  }
0x52: {  	_ =	swait.ge [sflag:s0], $0x150  }
0x53: {  	[sflag:s0] =	ssyncset.done $0x0  }
0x54: {  	s19 =	simm.s32 $0x400;
	s9 =	simm.s32 $0x0;
	[sflag:s0] =	ssyncadd.s32 $0xFFFFFEB0  }
.LBB2_2:
0x55: {  	p1 =	sne.s32 s19, $0x6400;
	[tilespmem:s9+$0xBEE0] =	vst v2  }
0x56: {  	[tilespmem:s9+$0xBDF0] =	vst v2  }
0x57: {  	[tilespmem:s9+$0xBE00] =	vst v2  }
0x58: {  	[tilespmem:s9+$0xBE10] =	vst v2  }
0x59: {  	[tilespmem:s9+$0xBE20] =	vst v2  }
0x5a: {  	[tilespmem:s9+$0xBE30] =	vst v2  }
0x5b: {  	[tilespmem:s9+$0xBE40] =	vst v2  }
0x5c: {  	[tilespmem:s9+$0xBE50] =	vst v2  }
0x5d: {  	[tilespmem:s9+$0xBE60] =	vst v2  }
0x5e: {  	[tilespmem:s9+$0xBE70] =	vst v2  }
0x5f: {  	[tilespmem:s9+$0xBE80] =	vst v2  }
.Ltmp2:
0x60: {  	[tilespmem:s9+$0xBE90] =	vst v2;
	(pc) =	sbr.rel @p1 .LBB2_2-.Ltmp2, $4  }
0x61: {  	[tilespmem:s9+$0xBEA0] =	vst v2  }
0x62: {  	[tilespmem:s9+$0xBEB0] =	vst v2  }
0x63: {  	[tilespmem:s9+$0xBEC0] =	vst v2  }
0x64: {  	[tilespmem:s9+$0xBED0] =	vst v2;
	s9 =	sshra.s32 s19, $0x2;
	s19 =	sadd.s32 $0x400, s19  }
0x65: {  	[tilespmem:s9+$0xBEE0] =	vst v2  }
0x66: {  	[tilespmem:s9+$0xBDF0] =	vst v2  }
0x67: {  	[tilespmem:s9+$0xBE00] =	vst v2  }
0x68: {  	[tilespmem:s9+$0xBE10] =	vst v2  }
0x69: {  	[tilespmem:s9+$0xBE20] =	vst v2  }
0x6a: {  	[tilespmem:s9+$0xBE30] =	vst v2  }
0x6b: {  	[tilespmem:s9+$0xBE40] =	vst v2  }
0x6c: {  	[tilespmem:s9+$0xBE50] =	vst v2  }
0x6d: {  	[tilespmem:s9+$0xBE60] =	vst v2  }
0x6e: {  	[tilespmem:s9+$0xBE70] =	vst v2  }
0x6f: {  	[tilespmem:s9+$0xBE80] =	vst v2  }
0x70: {  	[tilespmem:s9+$0xBE90] =	vst v2  }
0x71: {  	[tilespmem:s9+$0xBEA0] =	vst v2  }
0x72: {  	[tilespmem:s9+$0xBEB0] =	vst v2  }
0x73: {  	[tilespmem:s9+$0xBEC0] =	vst v2  }
0x74: {  	[tilespmem:s9+$0xBED0] =	vst v2;
	s25 =	simm.s32 $0x0  }
0x75: {  	v5 =	vld [tilespmem:s25+$0x2710];
	_ =	sdelay $0x4  }
0x76: {  	v5 =	vsub.s32 v5, v0  }
0x77: {  	vm0 =	vlt.u32 v5, $0x9C4  }
0x78: {  	v6 =	vsel vm0, $0x1, v3  }
0x79: {  	(xrf0) =	vadd.scan.msk.s32 $0xffff, v6;
	_ =	sdelay $0x1  }
0x7a: {  	v6 =	vld [tilespmem:s25+$0x0];
	_ =	sdelay $0x3  }
0x7b: {  	s9 =	simm.s32 $0x0;
	v7, _, _ =	vpop (xrf0)  }
0x7c: {  	[tilespmem:s9+$0x4E20] =	vst.msk vm0, v6;
	(v2sf) =	vpush v7, $0xF  }
0x7d: {  	s20 =	simm.s32 $0x10;
	s19 =	simm.s32 $0x80;
	[tilespmem:s9+$0x7550] =	vst.msk vm0, v5  }
.LBB2_4:
0x7e: {  	p1 =	sne.s32 s19, $0x9C00;
	v5 =	vld [tilespmem:s20+$0x2710];
	_ =	sdelay $0x4  }
0x7f: {  	v5 =	vsub.s32 v5, v0  }
0x80: {  	vm0 =	vlt.u32 v5, $0x9C4  }
0x81: {  	v6 =	vsel vm0, $0x1, v3  }
0x82: {  	(xrf0) =	vadd.scan.msk.s32 $0xffff, v6;
	_ =	sdelay $0x1  }
0x83: {  	v6 =	vld [tilespmem:s20+$0x0];
	_ =	sdelay $0x1  }
.Ltmp3:
0x84: {  	(pc) =	sbr.rel @p1 .LBB2_4-.Ltmp3, $4  }
0x85: {  	s20 =	spop (v2sf)  }
0x86: {  	v7, _, _ =	vpop (xrf0);
	s9 =	sadd.s32 s9, s20  }
0x87: {  	[tilespmem:s9+$0x4E20] =	vst.msk vm0, v6;
	(v2sf) =	vpush v7, $0xF  }
0x88: {  	s20 =	sshra.s32 s19, $0x2;
	s19 =	sadd.s32 $0x40, s19;
	[tilespmem:s9+$0x7550] =	vst.msk vm0, v5  }
0x89: {  	v5 =	vld [tilespmem:s20+$0x2710];
	_ =	sdelay $0x4  }
0x8a: {  	v5 =	vsub.s32 v5, v0  }
0x8b: {  	vm0 =	vlt.u32 v5, $0x9C4  }
0x8c: {  	v6 =	vsel vm0, $0x1, v3  }
0x8d: {  	(xrf0) =	vadd.scan.msk.s32 $0xffff, v6;
	_ =	sdelay $0x5  }
0x8e: {  	v6, _, _ =	vpop (xrf0)  }
0x8f: {  	(v2sf) =	vpush v6, $0xF;
	_ =	sdelay $0x9  }
0x90: {  	v6 =	vld [tilespmem:s20+$0x0];
	_ =	sdelay $0x2  }
0x91: {  	s19 =	spop (v2sf)  }
0x92: {  	s9 =	sadd.s32 s9, s19  }
0x93: {  	[tilespmem:s9+$0x4E20] =	vst.msk vm0, v6;
	s21 =	spop (v2sf)  }
0x94: {  	[tilespmem:s9+$0x7550] =	vst.msk vm0, v5;
	s9 =	sadd.s32 s9, s21  }
0x95: {  	[tilespmem:s9+$0x4E20] =	vst v3  }
0x96: {  	[tilespmem:s9+$0x7550] =	vst v4  }
0x97: {  	[tilespmem:s9+$0x4E30] =	vst v3  }
0x98: {  	[tilespmem:s9+$0x7560] =	vst v4  }
0x99: {  	[spmem:s28] =	stream.linear.scatter [tilespmem:s8], [sflag:$0x5], $0x1A00, $0x38;
	[tilespmem:$0x17998] =	vst v63  }
0x9a: {  	_ =	swait.ge [sflag:s0], $0x1A00  }
0x9b: {  	[sflag:s0] =	ssyncset.done $0x0  }
0x9c: {  	[sflag:s0] =	ssyncadd.s32 $0xFFFFE600  }
0x9d: {  	[spmem:s29] =	stream.linear.scatter [tilespmem:s11], [sflag:$0x5], $0xD0, $0x38;
	[tilespmem:$0x17998] =	vst v63  }
0x9e: {  	_ =	swait.ge [sflag:s0], $0xD0  }
0x9f: {  	[sflag:s0] =	ssyncset.done $0x0  }
0xa0: {  	[sflag:s0] =	ssyncadd.s32 $0xFFFFFF30  }
0xa1: {  	[spmem:s26] =	stream.linear.scatter [tilespmem:s8], [sflag:$0x5], $0x1A00, $0x38;
	[tilespmem:$0x17998] =	vst v63  }
0xa2: {  	_ =	swait.ge [sflag:s0], $0x1A00  }
0xa3: {  	[sflag:s0] =	ssyncset.done $0x0  }
0xa4: {  	s1 =	rddreg [dreg:$0x12];
	[sflag:s0] =	ssyncadd.s32 $0xFFFFE600  }
0xa5: {  	[spmem:s1] =	stream.linear.scatter [tilespmem:s11], [sflag:$0x5], $0xD0, $0x38;
	[tilespmem:$0x17998] =	vst v63  }
0xa6: {  	_ =	swait.ge [sflag:s0], $0xD0  }
0xa7: {  	[sflag:s0] =	ssyncset.done $0x0  }
0xa8: {  	s22 =	rddreg [dreg:$0x13];
	[sflag:s0] =	ssyncadd.s32 $0xFFFFFF30  }
0xa9: {  	[spmem:s22] =	stream.linear.scatter [tilespmem:s8], [sflag:$0x5], $0x1A00, $0x38;
	[tilespmem:$0x17998] =	vst v63  }
0xaa: {  	_ =	swait.ge [sflag:s0], $0x1A00  }
0xab: {  	[sflag:s0] =	ssyncset.done $0x0  }
0xac: {  	s23 =	rddreg [dreg:$0x14];
	[sflag:s0] =	ssyncadd.s32 $0xFFFFE600  }
0xad: {  	[spmem:s23] =	stream.linear.scatter [tilespmem:s11], [sflag:$0x5], $0xD0, $0x38;
	[tilespmem:$0x17998] =	vst v63  }
0xae: {  	_ =	swait.ge [sflag:s0], $0xD0  }
0xaf: {  	[sflag:s0] =	ssyncset.done $0x0  }
0xb0: {  	s24 =	rddreg [dreg:$0x15];
	[sflag:s0] =	ssyncadd.s32 $0xFFFFFF30  }
0xb1: {  	[spmem:s24] =	stream.linear.scatter [tilespmem:s8], [sflag:$0x5], $0x1A00, $0x38;
	[tilespmem:$0x17998] =	vst v63  }
0xb2: {  	_ =	swait.ge [sflag:s0], $0x1A00  }
0xb3: {  	[sflag:s0] =	ssyncset.done $0x0  }
0xb4: {  	s25 =	rddreg [dreg:$0x16];
	[sflag:s0] =	ssyncadd.s32 $0xFFFFE600  }
0xb5: {  	[spmem:s25] =	stream.linear.scatter [tilespmem:s11], [sflag:$0x5], $0xD0, $0x38;
	[tilespmem:$0x17998] =	vst v63  }
0xb6: {  	_ =	swait.ge [sflag:s0], $0xD0  }
0xb7: {  	[sflag:s0] =	ssyncset.done $0x0  }
0xb8: {  	s19 =	rddreg [dreg:$0x17];
	[sflag:s0] =	ssyncadd.s32 $0xFFFFFF30  }
0xb9: {  	[spmem:s19] =	stream.linear.scatter [tilespmem:s8], [sflag:$0x5], $0x1A00, $0x38;
	[tilespmem:$0x17998] =	vst v63  }
0xba: {  	_ =	swait.ge [sflag:s0], $0x1A00  }
0xbb: {  	[sflag:s0] =	ssyncset.done $0x0  }
0xbc: {  	s20 =	rddreg [dreg:$0x18];
	[sflag:s0] =	ssyncadd.s32 $0xFFFFE600  }
0xbd: {  	[spmem:s20] =	stream.linear.scatter [tilespmem:s11], [sflag:$0x5], $0xD0, $0x38;
	[tilespmem:$0x17998] =	vst v63  }
0xbe: {  	_ =	swait.ge [sflag:s0], $0xD0  }
0xbf: {  	s9 =	sadd.s32 $0x1F, s9;
	[sflag:s0] =	ssyncset.done $0x0  }
0xc0: {  	p1 =	slt.s32 s9, $0x1;
	s21 =	rddreg [dreg:$0x19];
	[sflag:s0] =	ssyncadd.s32 $0xFFFFFF30  }
0xc1: {  	[spmem:s21] =	stream.linear.scatter [tilespmem:s8], [sflag:$0x5], $0x1A00, $0x38;
	[tilespmem:$0x17998] =	vst v63  }
0xc2: {  	s23 =	sshra.s32 s9, $0x1F;
	s25 =	sand.u32 $0x1F, s9;
	_ =	swait.ge [sflag:s0], $0x1A00  }
0xc3: {  	s24 =	simm.s32 @!p0 $0x5;
	p2 =	sne.s32 s25, $0x0;
	[sflag:s0] =	ssyncset.done $0x0  }
0xc4: {  	p1 =	por !p1, !p2;
	s22 =	rddreg [dreg:$0x1a];
	[sflag:s0] =	ssyncadd.s32 $0xFFFFE600  }
0xc5: {  	[spmem:s22] =	stream.linear.scatter [tilespmem:s11], [sflag:$0x5], $0xD0, $0x38;
	[tilespmem:$0x17998] =	vst v63  }
0xc6: {  	p1 =	por !p1, !p1;
	s19 =	sshrl.u32 s23, $0x1B;
	_ =	swait.ge [sflag:s0], $0xD0  }
0xc7: {  	s9 =	sadd.s32 s19, s9;
	s19 =	simm.s32 $0x1;
	[sflag:s0] =	ssyncset.done $0x0  }
0xc8: {  	s21 =	simm.s32 @!p0 $0xBDF0;
	s1 =	rddreg [dreg:$0x1c];
	[sflag:s0] =	ssyncadd.s32 $0xFFFFFF30  }
0xc9: {  	[spmem:s1] =	stream.linear.scatter @!p0 [tilespmem:s21], [sflag:$0x5], $0xC00, $0x38;
	[tilespmem:$0x17998] =	vst v63  }
0xca: {  	s9 =	sshra.s32 s9, $0x5;
	s19 =	simm.s32 @!p1 $0x0;
	_ =	swait.ge @!p0 [sflag:s24], $0xC00  }
0xcb: {  	s19 =	ssub.s32 s9, s19;
	s20 =	simm.s32 @!p0 $0xBD20;
	[sflag:s24] =	ssyncset.done @!p0 $0x0  }
0xcc: {  	p2 =	slt.s32 s19, $0x1;
	s1 =	rddreg [dreg:$0x1d];
	[sflag:s24] =	ssyncadd.s32 @!p0 $0xFFFFF400  }
0xcd: {  	[spmem:s1] =	stream.linear.scatter @!p0 [tilespmem:s20], [sflag:$0x5], $0x60, $0x38;
	[tilespmem:$0x17998] =	vst v63  }
.Ltmp4:
0xce: {  	_ =	swait.ge @!p0 [sflag:s24], $0x60;
	(pc) =	sbr.rel @p2 .LBB2_11-.Ltmp4, $3  }
0xcf: {  	[sflag:s24] =	ssyncset.done @!p0 $0x0  }
0xd0: {  	[sflag:s24] =	ssyncadd.s32 @!p0 $0xFFFFFFA0  }
0xd1: {  	[bflag:$0x0] =	sbarrier.arrive $0xFFFF;
	_ =	sdelay $0x1  }
0xd2: {  	s1 =	simm.s32 $0x4E20  }
0xd3: {  	[tilespmem:s13], [sflag:$0x1] =	stream.indirect.gather [hbm4b:s2+s12], $0x100, s1, s12, $0xb8;
	[tilespmem:$0x17998] =	vst v63  }
0xd4: {  	s25 =	simm.s32 $0x4E30  }
0xd5: {  	[tilespmem:s14], [sflag:$0x2] =	stream.indirect.gather [hbm4b:s2+s12], $0x100, s25, s12, $0xb8;
	[tilespmem:$0x17998] =	vst v63  }
0xd6: {  	_ =	swait.ge [sflag:s7], $0x1000  }
0xd7: {  	[sflag:s7] =	ssyncset.done $0x0  }
0xd8: {  	[sflag:s7] =	ssyncadd.s32 $0xFFFFF000  }
0xd9: {  	v5 =	vld [tilespmem:$0x7550];
	_ =	sdelay $0x4  }
0xda: {  	[tilespmem:$0x9C80] =	vst v5  }
0xdb: {  	[spmem:s4] =	stream.indirect.scatter.add.f32 [tilespmem:s6], [sflag:$0x3], $0x8, s15, s12, $0xb8;
	[tilespmem:$0x17998] =	vst v63  }
0xdc: {  	_ = 	snop  }
0xdd: {  	[spmem:s3] =	stream.indirect.scatter.add.f32 [tilespmem:s13], [sflag:$0x5], $0x100, s15, s12, $0xb8;
	[tilespmem:$0x17998] =	vst v63  }
0xde: {  	p2 =	seq.s32 s19, $0x1;
	_ =	swait.ge [sflag:s0], $0x1000  }
0xdf: {  	s20 =	simm.s32 @!p2 $0x10;
	[sflag:s0] =	ssyncset.done $0x0  }
0xe0: {  	s21 =	simm.s32 @!p2 $0x4E40;
	s22 =	simm.s32 @!p2 $0x9CA0;
	[sflag:s0] =	ssyncadd.s32 $0xFFFFF000  }
0xe1: {  	[tilespmem:s22], [sflag:$0x1] =	stream.indirect.gather @!p2 [hbm4b:s2+s20], $0x100, s21, s20, $0xb8;
	[tilespmem:$0x17998] =	vst v63  }
0xe2: {  	_ =	swait.ge [sflag:s16], $0x1000  }
0xe3: {  	[sflag:s16] =	ssyncset.done $0x0  }
0xe4: {  	[sflag:s16] =	ssyncadd.s32 $0xFFFFF000  }
0xe5: {  	v5 =	vld [tilespmem:$0x7560];
	_ =	sdelay $0x4  }
0xe6: {  	[tilespmem:$0x9C90] =	vst v5  }
0xe7: {  	[spmem:s4] =	stream.indirect.scatter.add.f32 [tilespmem:s6], [sflag:$0x4], $0x8, s17, s12, $0xb8;
	[tilespmem:$0x17998] =	vst v63  }
.Ltmp5:
0xe8: {  	_ = 	snop;
	(pc) =	sbr.rel @p2 .LBB2_10-.Ltmp5, $4  }
0xe9: {  	[spmem:s3] =	stream.indirect.scatter.add.f32 [tilespmem:s14], [sflag:$0x5], $0x100, s17, s12, $0xb8;
	[tilespmem:$0x17998] =	vst v63  }
0xea: {  	_ =	swait.ge [sflag:s0], $0x1000  }
0xeb: {  	[sflag:s0] =	ssyncset.done $0x0  }
0xec: {  	[sflag:s0] =	ssyncadd.s32 $0xFFFFF000  }
0xed: {  	s20 =	simm.s32 $0x4E50  }
0xee: {  	[tilespmem:s14], [sflag:$0x2] =	stream.indirect.gather [hbm4b:s2+s12], $0x100, s20, s12, $0xb8;
	[tilespmem:$0x17998] =	vst v63  }
0xef: {  	_ =	swait.ge [sflag:s7], $0x1000  }
0xf0: {  	[sflag:s7] =	ssyncset.done $0x0  }
0xf1: {  	[sflag:s7] =	ssyncadd.s32 $0xFFFFF000  }
0xf2: {  	_ =	swait.ge [sflag:s18], $0x80  }
0xf3: {  	[sflag:s18] =	ssyncset.done $0x0  }
0xf4: {  	s21 =	simm.s32 $0x7580;
	[sflag:s18] =	ssyncadd.s32 $0xFFFFFF80  }
0xf5: {  	v5 =	vld [tilespmem:s21+$0xFFFFFFF0];
	_ =	sdelay $0x4  }
0xf6: {  	[tilespmem:$0x9C80] =	vst v5  }
0xf7: {  	[spmem:s4] =	stream.indirect.scatter.add.f32 [tilespmem:s6], [sflag:$0x3], $0x8, s15, s12, $0xb8;
	[tilespmem:$0x17998] =	vst v63  }
0xf8: {  	_ = 	snop  }
0xf9: {  	[spmem:s3] =	stream.indirect.scatter.add.f32 [tilespmem:s13], [sflag:$0x5], $0x100, s15, s12, $0xb8;
	[tilespmem:$0x17998] =	vst v63  }
0xfa: {  	_ =	swait.ge [sflag:s0], $0x1000  }
0xfb: {  	p2 =	sle.s32 s19, $0x2;
	s20 =	simm.s32 $0x4E60;
	[sflag:s0] =	ssyncset.done $0x0  }
0xfc: {  	s22 =	simm.s32 @!p2 $0x10;
	s23 =	simm.s32 @!p2 $0x9CA0;
	[sflag:s0] =	ssyncadd.s32 $0xFFFFF000  }
0xfd: {  	[tilespmem:s23], [sflag:$0x1] =	stream.indirect.gather @!p2 [hbm4b:s2+s22], $0x100, s20, s22, $0xb8;
	[tilespmem:$0x17998] =	vst v63  }
0xfe: {  	_ =	swait.ge [sflag:s16], $0x1000  }
0xff: {  	[sflag:s16] =	ssyncset.done $0x0  }
0x100: {  	[sflag:s16] =	ssyncadd.s32 $0xFFFFF000  }
0x101: {  	_ =	swait.ge [sflag:s30], $0x80  }
0x102: {  	[sflag:s30] =	ssyncset.done $0x0  }
0x103: {  	[sflag:s30] =	ssyncadd.s32 $0xFFFFFF80  }
0x104: {  	v5 =	vld [tilespmem:s21+$0x0]  }
0x105: {  	s21 =	simm.s32 $0xFFFFFFFF  }
0x106: {  	s21 =	simm.s32 @!p1 $0x0  }
0x107: {  	s9 =	sadd.s32 s21, s9  }
0x108: {  	s21 =	sadd.s32 $0xFFFFFFFF, s9  }
0x109: {  	p1 =	sne.s32 s21, $0x1;
	[tilespmem:$0x9C90] =	vst v5  }
0x10a: {  	[spmem:s4] =	stream.indirect.scatter.add.f32 [tilespmem:s6], [sflag:$0x4], $0x8, s17, s12, $0xb8;
	[tilespmem:$0x17998] =	vst v63  }
.Ltmp6:
0x10b: {  	_ = 	snop;
	(pc) =	sbr.rel @!p1 .LBB2_9-.Ltmp6, $4  }
0x10c: {  	_ = 	snop  }
0x10d: {  	[spmem:s3] =	stream.indirect.scatter.add.f32 [tilespmem:s14], [sflag:$0x5], $0x100, s17, s12, $0xb8;
	[tilespmem:$0x17998] =	vst v63  }
0x10e: {  	_ =	swait.ge [sflag:s0], $0x1000  }
0x10f: {  	s22 =	simm.s32 $0x1;
	s23 =	simm.s32 $0x75A0;
	[sflag:s0] =	ssyncset.done $0x0  }
.LBB2_8:
0x110: {  	[sflag:s0] =	ssyncadd.s32 $0xFFFFF000  }
0x111: {  	s20 =	sadd.s32 $0x20, s20;
	s9 =	smov.u32 s22;
	s22 =	sadd.s32 $0x1, s22  }
0x112: {  	s25 =	sadd.s32 $0xFFFFFFF0, s20;
	p1 =	sne.s32 s21, s22  }
0x113: {  	[tilespmem:s14], [sflag:$0x2] =	stream.indirect.gather [hbm4b:s2+s12], $0x100, s25, s12, $0xb8;
	[tilespmem:$0x17998] =	vst v63  }
0x114: {  	_ =	swait.ge [sflag:s7], $0x1000  }
0x115: {  	[sflag:s7] =	ssyncset.done $0x0  }
0x116: {  	[sflag:s7] =	ssyncadd.s32 $0xFFFFF000  }
0x117: {  	_ =	swait.ge [sflag:s18], $0x80  }
0x118: {  	[sflag:s18] =	ssyncset.done $0x0  }
0x119: {  	[sflag:s18] =	ssyncadd.s32 $0xFFFFFF80  }
0x11a: {  	v5 =	vld [tilespmem:s23+$0xFFFFFFF0];
	_ =	sdelay $0x4  }
0x11b: {  	[tilespmem:$0x9C80] =	vst v5  }
0x11c: {  	[spmem:s4] =	stream.indirect.scatter.add.f32 [tilespmem:s6], [sflag:$0x3], $0x8, s15, s12, $0xb8;
	[tilespmem:$0x17998] =	vst v63  }
0x11d: {  	_ = 	snop  }
0x11e: {  	[spmem:s3] =	stream.indirect.scatter.add.f32 [tilespmem:s13], [sflag:$0x5], $0x100, s15, s12, $0xb8;
	[tilespmem:$0x17998] =	vst v63  }
0x11f: {  	s9 =	sadd.s32 $0x2, s9;
	_ =	swait.ge [sflag:s0], $0x1000  }
0x120: {  	p2 =	sge.s32 s9, s19;
	[sflag:s0] =	ssyncset.done $0x0  }
0x121: {  	s9 =	simm.s32 @!p2 $0x10;
	s25 =	simm.s32 @!p2 $0x9CA0;
	[sflag:s0] =	ssyncadd.s32 $0xFFFFF000  }
0x122: {  	[tilespmem:s25], [sflag:$0x1] =	stream.indirect.gather @!p2 [hbm4b:s2+s9], $0x100, s20, s9, $0xb8;
	[tilespmem:$0x17998] =	vst v63  }
0x123: {  	_ =	swait.ge [sflag:s16], $0x1000  }
0x124: {  	[sflag:s16] =	ssyncset.done $0x0  }
0x125: {  	[sflag:s16] =	ssyncadd.s32 $0xFFFFF000  }
0x126: {  	_ =	swait.ge [sflag:s30], $0x80  }
0x127: {  	[sflag:s30] =	ssyncset.done $0x0  }
0x128: {  	[sflag:s30] =	ssyncadd.s32 $0xFFFFFF80  }
0x129: {  	v5 =	vld [tilespmem:s23+$0x0];
	_ =	sdelay $0x4  }
0x12a: {  	[tilespmem:$0x9C90] =	vst v5  }
0x12b: {  	[spmem:s4] =	stream.indirect.scatter.add.f32 [tilespmem:s6], [sflag:$0x4], $0x8, s17, s12, $0xb8;
	[tilespmem:$0x17998] =	vst v63  }
.Ltmp7:
0x12c: {  	_ = 	snop;
	(pc) =	sbr.rel @p1 .LBB2_8-.Ltmp7, $4  }
0x12d: {  	_ = 	snop  }
0x12e: {  	[spmem:s3] =	stream.indirect.scatter.add.f32 [tilespmem:s14], [sflag:$0x5], $0x100, s17, s12, $0xb8;
	[tilespmem:$0x17998] =	vst v63  }
0x12f: {  	_ =	swait.ge [sflag:s0], $0x1000  }
0x130: {  	s23 =	sadd.s32 $0x20, s23;
	[sflag:s0] =	ssyncset.done $0x0  }
.LBB2_9:
0x131: {  	[sflag:s0] =	ssyncadd.s32 $0xFFFFF000  }
.LBB2_10:
0x132: {  	_ =	swait.ge [sflag:s18], $0x80  }
0x133: {  	[sflag:s18] =	ssyncset.done $0x0  }
0x134: {  	[sflag:s18] =	ssyncadd.s32 $0xFFFFFF80  }
0x135: {  	_ =	swait.ge [sflag:s30], $0x80  }
0x136: {  	[sflag:s30] =	ssyncset.done $0x0  }
0x137: {  	[sflag:s30] =	ssyncadd.s32 $0xFFFFFF80  }
.LBB2_11:
0x138: {  	s9 =	sshll.u32 s31, $0x6;
	[bflag:$0x0] =	sbarrier.arrive $0xFFFF  }
0x139: {  	s20 =	sshrl.u32 s28, $0x3;
	s19 =	sor.u32 $0x1C05, s9;
	s1 =	rddreg [dreg:$0x9]  }
0x13a: {  	[hbm:s1], [sflag:s19] =	dma.local [spmem:s20], $0x1380  }
0x13b: {  	_ =	swait.ge [sflag:s0], $0x1380  }
0x13c: {  	[sflag:s0] =	ssyncset.done $0x0  }
0x13d: {  	s21 =	sshrl.u32 s29, $0x3;
	s23 =	rddreg [dreg:$0xd];
	[sflag:s0] =	ssyncadd.s32 $0xFFFFEC80  }
0x13e: {  	[hbm:s23], [sflag:s19] =	dma.local [spmem:s21], $0x9C  }
0x13f: {  	_ =	swait.ge [sflag:s0], $0x9C  }
0x140: {  	[sflag:s0] =	ssyncset.done $0x0;
	s1 =	rddreg [dreg:$0x1c]  }
0x141: {  	[sflag:s0] =	ssyncadd.s32 $0xFFFFFF64;
	s22 =	sshrl.u32 @!p0 s1, $0x3;
	s1 =	rddreg [dreg:$0xa]  }
0x142: {  	[hbm:s1], [sflag:s19] =	dma.local @!p0 [spmem:s22], $0x80  }
0x143: {  	_ =	swait.ge @!p0 [sflag:s24], $0x80  }
0x144: {  	[sflag:s24] =	ssyncset.done @!p0 $0x0;
	s1 =	rddreg [dreg:$0x1d]  }
0x145: {  	[sflag:s24] =	ssyncadd.s32 @!p0 $0xFFFFFF80;
	s23 =	sshrl.u32 @!p0 s1, $0x3;
	s1 =	rddreg [dreg:$0xe]  }
0x146: {  	[hbm:s1], [sflag:s19] =	dma.local @!p0 [spmem:s23], $0x4  }
0x147: {  	_ =	swait.ge @!p0 [sflag:s24], $0x4  }
0x148: {  	[sflag:s24] =	ssyncset.done @!p0 $0x0  }
0x149: {  	[sflag:s24] =	ssyncadd.s32 @!p0 $0xFFFFFFFC  }
0x14a: {  	s25 =	simm.s32 $0x0;
	[bflag:$0x0] =	sbarrier.arrive $0xFFFF  }
0x14b: {  	v5 =	vld [tilespmem:s25+$0x2710];
	_ =	sdelay $0x4  }
0x14c: {  	v5 =	vsub.s32 v5, v1  }
0x14d: {  	vm0 =	vlt.u32 v5, $0x9C4  }
0x14e: {  	v6 =	vsel vm0, $0x1, v3  }
0x14f: {  	(xrf0) =	vadd.scan.msk.s32 $0xffff, v6;
	_ =	sdelay $0x1  }
0x150: {  	v6 =	vld [tilespmem:s25+$0x0];
	_ =	sdelay $0x3  }
0x151: {  	s9 =	simm.s32 $0x0;
	v7, _, _ =	vpop (xrf0)  }
0x152: {  	[tilespmem:s9+$0x4E20] =	vst.msk vm0, v6;
	(v2sf) =	vpush v7, $0xF  }
0x153: {  	s24 =	simm.s32 $0x80;
	s25 =	simm.s32 $0x10;
	[tilespmem:s9+$0x7550] =	vst.msk vm0, v5  }
.LBB2_12:
0x154: {  	p1 =	sne.s32 s24, $0x9C00;
	v5 =	vld [tilespmem:s25+$0x2710];
	_ =	sdelay $0x4  }
0x155: {  	v5 =	vsub.s32 v5, v1  }
0x156: {  	vm0 =	vlt.u32 v5, $0x9C4  }
0x157: {  	v6 =	vsel vm0, $0x1, v3  }
0x158: {  	(xrf0) =	vadd.scan.msk.s32 $0xffff, v6;
	_ =	sdelay $0x1  }
0x159: {  	v6 =	vld [tilespmem:s25+$0x0];
	_ =	sdelay $0x1  }
.Ltmp8:
0x15a: {  	(pc) =	sbr.rel @p1 .LBB2_12-.Ltmp8, $4  }
0x15b: {  	s25 =	spop (v2sf)  }
0x15c: {  	v7, _, _ =	vpop (xrf0);
	s9 =	sadd.s32 s9, s25  }
0x15d: {  	[tilespmem:s9+$0x4E20] =	vst.msk vm0, v6;
	(v2sf) =	vpush v7, $0xF  }
0x15e: {  	s25 =	sshra.s32 s24, $0x2;
	s24 =	sadd.s32 $0x40, s24;
	[tilespmem:s9+$0x7550] =	vst.msk vm0, v5  }
0x15f: {  	v5 =	vld [tilespmem:s25+$0x2710];
	_ =	sdelay $0x4  }
0x160: {  	v5 =	vsub.s32 v5, v1  }
0x161: {  	vm0 =	vlt.u32 v5, $0x9C4  }
0x162: {  	v6 =	vsel vm0, $0x1, v3  }
0x163: {  	(xrf0) =	vadd.scan.msk.s32 $0xffff, v6;
	_ =	sdelay $0x5  }
0x164: {  	v6, _, _ =	vpop (xrf0)  }
0x165: {  	(v2sf) =	vpush v6, $0xF;
	_ =	sdelay $0x9  }
0x166: {  	v6 =	vld [tilespmem:s25+$0x0];
	_ =	sdelay $0x2  }
0x167: {  	s24 =	spop (v2sf)  }
0x168: {  	s9 =	sadd.s32 s9, s24  }
0x169: {  	[tilespmem:s9+$0x4E20] =	vst.msk vm0, v6;
	s1 =	spop (v2sf)  }
0x16a: {  	[tilespmem:s9+$0x7550] =	vst.msk vm0, v5;
	s9 =	sadd.s32 s9, s1  }
0x16b: {  	[tilespmem:s9+$0x4E20] =	vst v3  }
0x16c: {  	[tilespmem:s9+$0x7550] =	vst v4  }
0x16d: {  	[tilespmem:s9+$0x4E30] =	vst v3  }
0x16e: {  	[tilespmem:s9+$0x7560] =	vst v4  }
0x16f: {  	[spmem:s28] =	stream.linear.scatter [tilespmem:s8], [sflag:$0x5], $0x1A00, $0x38;
	[tilespmem:$0x17998] =	vst v63  }
0x170: {  	_ =	swait.ge [sflag:s0], $0x1A00  }
0x171: {  	[sflag:s0] =	ssyncset.done $0x0  }
0x172: {  	[sflag:s0] =	ssyncadd.s32 $0xFFFFE600  }
0x173: {  	[spmem:s29] =	stream.linear.scatter [tilespmem:s11], [sflag:$0x5], $0xD0, $0x38;
	[tilespmem:$0x17998] =	vst v63  }
0x174: {  	_ =	swait.ge [sflag:s0], $0xD0  }
0x175: {  	[sflag:s0] =	ssyncset.done $0x0  }
0x176: {  	[sflag:s0] =	ssyncadd.s32 $0xFFFFFF30  }
0x177: {  	[spmem:s26] =	stream.linear.scatter [tilespmem:s8], [sflag:$0x5], $0x1A00, $0x38;
	[tilespmem:$0x17998] =	vst v63  }
0x178: {  	_ =	swait.ge [sflag:s0], $0x1A00  }
0x179: {  	[sflag:s0] =	ssyncset.done $0x0  }
0x17a: {  	s1 =	rddreg [dreg:$0x12];
	[sflag:s0] =	ssyncadd.s32 $0xFFFFE600  }
0x17b: {  	[spmem:s1] =	stream.linear.scatter [tilespmem:s11], [sflag:$0x5], $0xD0, $0x38;
	[tilespmem:$0x17998] =	vst v63  }
0x17c: {  	_ =	swait.ge [sflag:s0], $0xD0  }
0x17d: {  	[sflag:s0] =	ssyncset.done $0x0  }
0x17e: {  	s25 =	rddreg [dreg:$0x13];
	[sflag:s0] =	ssyncadd.s32 $0xFFFFFF30  }
0x17f: {  	[spmem:s25] =	stream.linear.scatter [tilespmem:s8], [sflag:$0x5], $0x1A00, $0x38;
	[tilespmem:$0x17998] =	vst v63  }
0x180: {  	_ =	swait.ge [sflag:s0], $0x1A00  }
0x181: {  	[sflag:s0] =	ssyncset.done $0x0  }
0x182: {  	s26 =	rddreg [dreg:$0x14];
	[sflag:s0] =	ssyncadd.s32 $0xFFFFE600  }
0x183: {  	[spmem:s26] =	stream.linear.scatter [tilespmem:s11], [sflag:$0x5], $0xD0, $0x38;
	[tilespmem:$0x17998] =	vst v63  }
0x184: {  	_ =	swait.ge [sflag:s0], $0xD0  }
0x185: {  	[sflag:s0] =	ssyncset.done $0x0  }
0x186: {  	s24 =	rddreg [dreg:$0x15];
	[sflag:s0] =	ssyncadd.s32 $0xFFFFFF30  }
0x187: {  	[spmem:s24] =	stream.linear.scatter [tilespmem:s8], [sflag:$0x5], $0x1A00, $0x38;
	[tilespmem:$0x17998] =	vst v63  }
0x188: {  	_ =	swait.ge [sflag:s0], $0x1A00  }
0x189: {  	[sflag:s0] =	ssyncset.done $0x0  }
0x18a: {  	s25 =	rddreg [dreg:$0x16];
	[sflag:s0] =	ssyncadd.s32 $0xFFFFE600  }
0x18b: {  	[spmem:s25] =	stream.linear.scatter [tilespmem:s11], [sflag:$0x5], $0xD0, $0x38;
	[tilespmem:$0x17998] =	vst v63  }
0x18c: {  	_ =	swait.ge [sflag:s0], $0xD0  }
0x18d: {  	[sflag:s0] =	ssyncset.done $0x0  }
0x18e: {  	s26 =	rddreg [dreg:$0x17];
	[sflag:s0] =	ssyncadd.s32 $0xFFFFFF30  }
0x18f: {  	[spmem:s26] =	stream.linear.scatter [tilespmem:s8], [sflag:$0x5], $0x1A00, $0x38;
	[tilespmem:$0x17998] =	vst v63  }
0x190: {  	_ =	swait.ge [sflag:s0], $0x1A00  }
0x191: {  	[sflag:s0] =	ssyncset.done $0x0  }
0x192: {  	s24 =	rddreg [dreg:$0x18];
	[sflag:s0] =	ssyncadd.s32 $0xFFFFE600  }
0x193: {  	[spmem:s24] =	stream.linear.scatter [tilespmem:s11], [sflag:$0x5], $0xD0, $0x38;
	[tilespmem:$0x17998] =	vst v63  }
0x194: {  	s9 =	sadd.s32 $0x1F, s9;
	_ =	swait.ge [sflag:s0], $0xD0  }
0x195: {  	p1 =	slt.s32 s9, $0x1;
	s24 =	sand.u32 $0x1F, s9;
	[sflag:s0] =	ssyncset.done $0x0  }
0x196: {  	p2 =	sne.s32 s24, $0x0;
	s25 =	rddreg [dreg:$0x19];
	[sflag:s0] =	ssyncadd.s32 $0xFFFFFF30  }
0x197: {  	[spmem:s25] =	stream.linear.scatter [tilespmem:s8], [sflag:$0x5], $0x1A00, $0x38;
	[tilespmem:$0x17998] =	vst v63  }
0x198: {  	s24 =	simm.s32 @!p0 $0x5;
	p1 =	por !p1, !p2;
	_ =	swait.ge [sflag:s0], $0x1A00  }
0x199: {  	p1 =	por !p1, !p1;
	s25 =	sshra.s32 s9, $0x1F;
	[sflag:s0] =	ssyncset.done $0x0  }
0x19a: {  	s25 =	sshrl.u32 s25, $0x1B;
	s26 =	rddreg [dreg:$0x1a];
	[sflag:s0] =	ssyncadd.s32 $0xFFFFE600  }
0x19b: {  	[spmem:s26] =	stream.linear.scatter [tilespmem:s11], [sflag:$0x5], $0xD0, $0x38;
	[tilespmem:$0x17998] =	vst v63  }
0x19c: {  	s9 =	sadd.s32 s25, s9;
	s25 =	simm.s32 $0x1;
	_ =	swait.ge [sflag:s0], $0xD0  }
0x19d: {  	s9 =	sshra.s32 s9, $0x5;
	s25 =	simm.s32 @!p1 $0x0;
	[sflag:s0] =	ssyncset.done $0x0  }
0x19e: {  	s26 =	simm.s32 @!p0 $0xBDF0;
	s1 =	rddreg [dreg:$0x1c];
	[sflag:s0] =	ssyncadd.s32 $0xFFFFFF30  }
0x19f: {  	[spmem:s1] =	stream.linear.scatter @!p0 [tilespmem:s26], [sflag:$0x5], $0xC00, $0x38;
	[tilespmem:$0x17998] =	vst v63  }
0x1a0: {  	s25 =	ssub.s32 s9, s25;
	_ =	swait.ge @!p0 [sflag:s24], $0xC00  }
0x1a1: {  	p2 =	slt.s32 s25, $0x1;
	[sflag:s24] =	ssyncset.done @!p0 $0x0  }
0x1a2: {  	s26 =	simm.s32 @!p0 $0xBD20;
	s1 =	rddreg [dreg:$0x1d];
	[sflag:s24] =	ssyncadd.s32 @!p0 $0xFFFFF400  }
0x1a3: {  	[spmem:s1] =	stream.linear.scatter @!p0 [tilespmem:s26], [sflag:$0x5], $0x60, $0x38;
	[tilespmem:$0x17998] =	vst v63  }
.Ltmp9:
0x1a4: {  	_ =	swait.ge @!p0 [sflag:s24], $0x60;
	(pc) =	sbr.rel @p2 .LBB2_19-.Ltmp9, $3  }
0x1a5: {  	[sflag:s24] =	ssyncset.done @!p0 $0x0  }
0x1a6: {  	[sflag:s24] =	ssyncadd.s32 @!p0 $0xFFFFFFA0  }
0x1a7: {  	[bflag:$0x0] =	sbarrier.arrive $0xFFFF;
	_ =	sdelay $0x1  }
0x1a8: {  	s26 =	simm.s32 $0x4E20  }
0x1a9: {  	[tilespmem:s13], [sflag:$0x1] =	stream.indirect.gather [hbm4b:s2+s12], $0x100, s26, s12, $0xb8;
	[tilespmem:$0x17998] =	vst v63  }
0x1aa: {  	s29 =	simm.s32 $0x4E30  }
0x1ab: {  	[tilespmem:s14], [sflag:$0x2] =	stream.indirect.gather [hbm4b:s2+s12], $0x100, s29, s12, $0xb8;
	[tilespmem:$0x17998] =	vst v63  }
0x1ac: {  	_ =	swait.ge [sflag:s7], $0x1000  }
0x1ad: {  	[sflag:s7] =	ssyncset.done $0x0  }
0x1ae: {  	[sflag:s7] =	ssyncadd.s32 $0xFFFFF000  }
0x1af: {  	v5 =	vld [tilespmem:$0x7550];
	_ =	sdelay $0x4  }
0x1b0: {  	[tilespmem:$0x9C80] =	vst v5  }
0x1b1: {  	[spmem:s4] =	stream.indirect.scatter.add.f32 [tilespmem:s6], [sflag:$0x3], $0x8, s15, s12, $0xb8;
	[tilespmem:$0x17998] =	vst v63  }
0x1b2: {  	_ = 	snop  }
0x1b3: {  	[spmem:s3] =	stream.indirect.scatter.add.f32 [tilespmem:s13], [sflag:$0x5], $0x100, s15, s12, $0xb8;
	[tilespmem:$0x17998] =	vst v63  }
0x1b4: {  	p2 =	seq.s32 s25, $0x1;
	_ =	swait.ge [sflag:s0], $0x1000  }
0x1b5: {  	s1 =	smov.u32 s28;
	s26 =	simm.s32 @!p2 $0x10;
	[sflag:s0] =	ssyncset.done $0x0  }
0x1b6: {  	s28 =	simm.s32 @!p2 $0x4E40;
	s29 =	simm.s32 @!p2 $0x9CA0;
	[sflag:s0] =	ssyncadd.s32 $0xFFFFF000  }
0x1b7: {  	[tilespmem:s29], [sflag:$0x1] =	stream.indirect.gather @!p2 [hbm4b:s2+s26], $0x100, s28, s26, $0xb8;
	[tilespmem:$0x17998] =	vst v63  }
0x1b8: {  	_ =	swait.ge [sflag:s16], $0x1000  }
0x1b9: {  	[sflag:s16] =	ssyncset.done $0x0  }
0x1ba: {  	[sflag:s16] =	ssyncadd.s32 $0xFFFFF000  }
0x1bb: {  	v5 =	vld [tilespmem:$0x7560];
	_ =	sdelay $0x4  }
0x1bc: {  	[tilespmem:$0x9C90] =	vst v5  }
0x1bd: {  	[spmem:s4] =	stream.indirect.scatter.add.f32 [tilespmem:s6], [sflag:$0x4], $0x8, s17, s12, $0xb8;
	[tilespmem:$0x17998] =	vst v63  }
.Ltmp10:
0x1be: {  	_ = 	snop;
	(pc) =	sbr.rel @p2 .LBB2_18-.Ltmp10, $4  }
0x1bf: {  	[spmem:s3] =	stream.indirect.scatter.add.f32 [tilespmem:s14], [sflag:$0x5], $0x100, s17, s12, $0xb8;
	[tilespmem:$0x17998] =	vst v63  }
0x1c0: {  	_ =	swait.ge [sflag:s0], $0x1000  }
0x1c1: {  	[sflag:s0] =	ssyncset.done $0x0  }
0x1c2: {  	[sflag:s0] =	ssyncadd.s32 $0xFFFFF000  }
0x1c3: {  	s26 =	simm.s32 $0x4E50  }
0x1c4: {  	[tilespmem:s14], [sflag:$0x2] =	stream.indirect.gather [hbm4b:s2+s12], $0x100, s26, s12, $0xb8;
	[tilespmem:$0x17998] =	vst v63  }
0x1c5: {  	_ =	swait.ge [sflag:s7], $0x1000  }
0x1c6: {  	[sflag:s7] =	ssyncset.done $0x0  }
0x1c7: {  	[sflag:s7] =	ssyncadd.s32 $0xFFFFF000  }
0x1c8: {  	_ =	swait.ge [sflag:s18], $0x80  }
0x1c9: {  	[sflag:s18] =	ssyncset.done $0x0  }
0x1ca: {  	s28 =	simm.s32 $0x7580;
	[sflag:s18] =	ssyncadd.s32 $0xFFFFFF80  }
0x1cb: {  	v5 =	vld [tilespmem:s28+$0xFFFFFFF0];
	_ =	sdelay $0x4  }
0x1cc: {  	[tilespmem:$0x9C80] =	vst v5  }
0x1cd: {  	[spmem:s4] =	stream.indirect.scatter.add.f32 [tilespmem:s6], [sflag:$0x3], $0x8, s15, s12, $0xb8;
	[tilespmem:$0x17998] =	vst v63  }
0x1ce: {  	_ = 	snop  }
0x1cf: {  	[spmem:s3] =	stream.indirect.scatter.add.f32 [tilespmem:s13], [sflag:$0x5], $0x100, s15, s12, $0xb8;
	[tilespmem:$0x17998] =	vst v63  }
0x1d0: {  	_ =	swait.ge [sflag:s0], $0x1000  }
0x1d1: {  	p2 =	sle.s32 s25, $0x2;
	s26 =	simm.s32 $0x4E60;
	[sflag:s0] =	ssyncset.done $0x0  }
0x1d2: {  	s29 =	simm.s32 @!p2 $0x10;
	s10 =	simm.s32 @!p2 $0x9CA0;
	[sflag:s0] =	ssyncadd.s32 $0xFFFFF000  }
0x1d3: {  	[tilespmem:s10], [sflag:$0x1] =	stream.indirect.gather @!p2 [hbm4b:s2+s29], $0x100, s26, s29, $0xb8;
	[tilespmem:$0x17998] =	vst v63  }
0x1d4: {  	_ =	swait.ge [sflag:s16], $0x1000  }
0x1d5: {  	[sflag:s16] =	ssyncset.done $0x0  }
0x1d6: {  	[sflag:s16] =	ssyncadd.s32 $0xFFFFF000  }
0x1d7: {  	_ =	swait.ge [sflag:s30], $0x80  }
0x1d8: {  	[sflag:s30] =	ssyncset.done $0x0  }
0x1d9: {  	[sflag:s30] =	ssyncadd.s32 $0xFFFFFF80  }
0x1da: {  	v5 =	vld [tilespmem:s28+$0x0]  }
0x1db: {  	s10 =	simm.s32 $0xFFFFFFFF  }
0x1dc: {  	s10 =	simm.s32 @!p1 $0x0  }
0x1dd: {  	s9 =	sadd.s32 s10, s9  }
0x1de: {  	s28 =	sadd.s32 $0xFFFFFFFF, s9  }
0x1df: {  	p1 =	sne.s32 s28, $0x1;
	[tilespmem:$0x9C90] =	vst v5  }
0x1e0: {  	[spmem:s4] =	stream.indirect.scatter.add.f32 [tilespmem:s6], [sflag:$0x4], $0x8, s17, s12, $0xb8;
	[tilespmem:$0x17998] =	vst v63  }
.Ltmp11:
0x1e1: {  	_ = 	snop;
	(pc) =	sbr.rel @!p1 .LBB2_17-.Ltmp11, $4  }
0x1e2: {  	_ = 	snop  }
0x1e3: {  	[spmem:s3] =	stream.indirect.scatter.add.f32 [tilespmem:s14], [sflag:$0x5], $0x100, s17, s12, $0xb8;
	[tilespmem:$0x17998] =	vst v63  }
0x1e4: {  	_ =	swait.ge [sflag:s0], $0x1000  }
0x1e5: {  	s29 =	simm.s32 $0x1;
	s9 =	simm.s32 $0x75A0;
	[sflag:s0] =	ssyncset.done $0x0  }
.LBB2_16:
0x1e6: {  	[sflag:s0] =	ssyncadd.s32 $0xFFFFF000  }
0x1e7: {  	s26 =	sadd.s32 $0x20, s26;
	s10 =	smov.u32 s29;
	s29 =	sadd.s32 $0x1, s29  }
0x1e8: {  	s31 =	sadd.s32 $0xFFFFFFF0, s26;
	p1 =	sne.s32 s28, s29  }
0x1e9: {  	[tilespmem:s14], [sflag:$0x2] =	stream.indirect.gather [hbm4b:s2+s12], $0x100, s31, s12, $0xb8;
	[tilespmem:$0x17998] =	vst v63  }
0x1ea: {  	_ =	swait.ge [sflag:s7], $0x1000  }
0x1eb: {  	[sflag:s7] =	ssyncset.done $0x0  }
0x1ec: {  	[sflag:s7] =	ssyncadd.s32 $0xFFFFF000  }
0x1ed: {  	_ =	swait.ge [sflag:s18], $0x80  }
0x1ee: {  	[sflag:s18] =	ssyncset.done $0x0  }
0x1ef: {  	[sflag:s18] =	ssyncadd.s32 $0xFFFFFF80  }
0x1f0: {  	v5 =	vld [tilespmem:s9+$0xFFFFFFF0];
	_ =	sdelay $0x4  }
0x1f1: {  	[tilespmem:$0x9C80] =	vst v5  }
0x1f2: {  	[spmem:s4] =	stream.indirect.scatter.add.f32 [tilespmem:s6], [sflag:$0x3], $0x8, s15, s12, $0xb8;
	[tilespmem:$0x17998] =	vst v63  }
0x1f3: {  	_ = 	snop  }
0x1f4: {  	[spmem:s3] =	stream.indirect.scatter.add.f32 [tilespmem:s13], [sflag:$0x5], $0x100, s15, s12, $0xb8;
	[tilespmem:$0x17998] =	vst v63  }
0x1f5: {  	s10 =	sadd.s32 $0x2, s10;
	_ =	swait.ge [sflag:s0], $0x1000  }
0x1f6: {  	p2 =	sge.s32 s10, s25;
	[sflag:s0] =	ssyncset.done $0x0  }
0x1f7: {  	s10 =	simm.s32 @!p2 $0x10;
	s31 =	simm.s32 @!p2 $0x9CA0;
	[sflag:s0] =	ssyncadd.s32 $0xFFFFF000  }
0x1f8: {  	[tilespmem:s31], [sflag:$0x1] =	stream.indirect.gather @!p2 [hbm4b:s2+s10], $0x100, s26, s10, $0xb8;
	[tilespmem:$0x17998] =	vst v63  }
0x1f9: {  	_ =	swait.ge [sflag:s16], $0x1000  }
0x1fa: {  	[sflag:s16] =	ssyncset.done $0x0  }
0x1fb: {  	[sflag:s16] =	ssyncadd.s32 $0xFFFFF000  }
0x1fc: {  	_ =	swait.ge [sflag:s30], $0x80  }
0x1fd: {  	[sflag:s30] =	ssyncset.done $0x0  }
0x1fe: {  	[sflag:s30] =	ssyncadd.s32 $0xFFFFFF80  }
0x1ff: {  	v5 =	vld [tilespmem:s9+$0x0];
	_ =	sdelay $0x4  }
0x200: {  	[tilespmem:$0x9C90] =	vst v5  }
0x201: {  	[spmem:s4] =	stream.indirect.scatter.add.f32 [tilespmem:s6], [sflag:$0x4], $0x8, s17, s12, $0xb8;
	[tilespmem:$0x17998] =	vst v63  }
.Ltmp12:
0x202: {  	_ = 	snop;
	(pc) =	sbr.rel @p1 .LBB2_16-.Ltmp12, $4  }
0x203: {  	_ = 	snop  }
0x204: {  	[spmem:s3] =	stream.indirect.scatter.add.f32 [tilespmem:s14], [sflag:$0x5], $0x100, s17, s12, $0xb8;
	[tilespmem:$0x17998] =	vst v63  }
0x205: {  	_ =	swait.ge [sflag:s0], $0x1000  }
0x206: {  	s9 =	sadd.s32 $0x20, s9;
	[sflag:s0] =	ssyncset.done $0x0  }
.Ltmp13:
0x207: {  	_ = 	snop;
	(pc) =	sbr.rel .LBB2_17-.Ltmp13, $1  }
0x208: {  	_ =	sdelay $0x3  }
.LBB2_20:
0x209: {  	_ =	sfence.sel $0x180000  }
0x20a: {  	[bflag:$0x0] =	sbarrier.arrive $0xFFFF  }
0x20b: {  	_ =	strace $0x90000047  }
0x20c: {  	[bflag:$0x2] =	sbarrier.arrive $0xFFFF  }
0x20d: {  	p0 =	sne.s32 s31, $0x0;
	s0 =	rddreg [dreg:$0x4]  }
0x20e: {  	s0 =	sadd.s32 @!p0 $0x100000, s0  }
0x20f: {  	[sflag:s0] =	ssyncadd.tile.s32 @!p0 $0x1;
	_ =	shalt  }
.Lfunc_end2:
_tile_overlayer_lowered:
.L_overlay_start_2:
0x210: {  	(tag) =	ssettag $0x2  }
0x211: {  	s0 =	rddreg [dreg:$0x0];
	s2 =	stileid.u32  }
0x212: {  	s1 =	rddreg [dreg:$0x1];
	p0 =	sne.s32 s2, $0x0  }
0x213: {  	s3 =	rddreg [dreg:$0x2];
	[bflag:$0x3] =	sbarrier.arrive $0xFFFF;
	s2 =	simm.s32 @!p0 $0x1C05  }
0x214: {  	[timem:s3], [sflag:s2] =	dma.local @!p0 [hbm:s0], s1  }
0x215: {  	s0 =	simm.s32 @!p0 $0x5  }
0x216: {  	_ =	swait.ge @!p0 [sflag:s0], s1  }
0x217: {  	s1 =	ssub.s32 @!p0 $0x0, s1;
	[sflag:s0] =	ssyncset.done @!p0 $0x0  }
0x218: {  	[sflag:s0] =	ssyncadd.s32 @!p0 s1  }
0x219: {  	[bflag:$0x3] =	sbarrier.arrive $0xFFFF  }
0x21a: {  	_ =	shalt  }

</sc_bundles>
